<compile_context>
chip_gen: v7x
topology: tpu7x:2x2x1
jax: 0.10.2.dev20260603
libtpu: 0.0.44.dev20260713+nightly
codegen_flags: <defaults>
</compile_context>

<pallas_src>
import functools

import jax
import jax.numpy as jnp
from jax import lax
from jax.experimental import pallas as pl
from jax.experimental.pallas import tpu as pltpu
from jax.experimental.pallas import tpu_sc as plsc

N_NODES = 10000
N_EDGES = 320000
IN_DIM = 128
HID = 64
OUT_DIM = 2
NUM_GRAPHS = 64
EPS = 1e-5

NC = 2
NS = 16
NW = NC * NS
C = 125
EDGES_PER_W = N_EDGES // NW
CHUNKS = EDGES_PER_W // C
NPAD = 10000
ROWS_PER_SUB = NPAD // NS
ZROWS = 125
NBUF = 8
DBUF = 5

_HIGHEST = lax.Precision.DEFAULT


@functools.cache
def _mesh():
    return plsc.VectorSubcoreMesh(
        core_axis_name="c", subcore_axis_name="s", num_cores=NC, num_subcores=NS
    )


def _zero_fill(buf, ncols):
    zv = jnp.zeros((16,), jnp.float32)

    @pl.loop(0, ZROWS)
    def _(r):
        for cc in range(ncols // 16):
            buf[r, pl.ds(cc * 16, 16)] = zv


@functools.cache
def _sc_deg_kernel():
    return pl.kernel(
        _sc_deg_body,
        out_type=jax.ShapeDtypeStruct((NC, NPAD, 16), jnp.float32),
        mesh=_mesh(),
        compiler_params=pltpu.CompilerParams(use_tc_tiling_on_sc=False),
        scratch_types=[
            pltpu.VMEM((CHUNKS, C), jnp.int32),
            pltpu.VMEM((C, 16), jnp.float32),
            pltpu.VMEM((ZROWS, 16), jnp.float32),
            pltpu.VMEM_SHARED((NPAD, 16), jnp.float32),
            pltpu.SemaphoreType.DMA((DBUF,)),
        ],
    )


def _sc_deg_body(d_hbm, out_hbm, didx, ones_v, zbuf, acc, ssem):
    cid = lax.axis_index("c")
    sid = lax.axis_index("s")
    wid = sid * NC + cid

    _zero_fill(zbuf, 16)
    nz = ROWS_PER_SUB // ZROWS
    for z in range(nz):
        pltpu.async_copy(
            zbuf, acc.at[pl.ds(sid * ROWS_PER_SUB + z * ZROWS, ZROWS)], ssem.at[z]
        )

    ov = jnp.ones((16,), jnp.float32)

    @pl.loop(0, C)
    def _(r):
        ones_v[r, pl.ds(0, 16)] = ov

    pltpu.sync_copy(d_hbm.at[pl.ds(wid * CHUNKS, CHUNKS)], didx)

    for z in range(nz):
        pltpu.make_async_copy(
            zbuf, acc.at[pl.ds(sid * ROWS_PER_SUB + z * ZROWS, ZROWS)], ssem.at[z]
        ).wait()

    plsc.subcore_barrier()

    for b in range(DBUF):
        pltpu.async_copy(ones_v, acc.at[didx.at[b]], ssem.at[b], add=True)

    @pl.loop(0, CHUNKS // DBUF)
    def _(t):
        j = t * DBUF
        for b in range(DBUF):
            pltpu.make_async_copy(ones_v, acc.at[didx.at[j + b]], ssem.at[b]).wait()

            @pl.when(j + DBUF + b < CHUNKS)
            def _():
                pltpu.async_copy(ones_v, acc.at[didx.at[j + DBUF + b]], ssem.at[b], add=True)

    plsc.subcore_barrier()
    base = sid * ROWS_PER_SUB
    pltpu.sync_copy(
        acc.at[pl.ds(base, ROWS_PER_SUB)],
        out_hbm.at[cid, pl.ds(base, ROWS_PER_SUB)],
    )


@functools.cache
def _sc_conv_kernel():
    return pl.kernel(
        _sc_conv_body,
        out_type=jax.ShapeDtypeStruct((NC, NPAD, HID), jnp.float32),
        mesh=_mesh(),
        compiler_params=pltpu.CompilerParams(use_tc_tiling_on_sc=False),
        scratch_types=[
            pltpu.VMEM((CHUNKS, C), jnp.int32),
            pltpu.VMEM((CHUNKS, C), jnp.int32),
        ]
        + [pltpu.VMEM((C, HID), jnp.float32) for _ in range(NBUF)]
        + [
            pltpu.VMEM_SHARED((NPAD, HID), jnp.float32),
        ]
        + [pltpu.SemaphoreType.DMA for _ in range(2 * NBUF)],
    )


def _sc_conv_body(h_hbm, s_hbm, d_hbm, out_hbm, sidx, didx, *rest):
    rows = rest[:NBUF]
    acc = rest[NBUF]
    gsem = rest[NBUF + 1:NBUF + 1 + NBUF]
    ssem = rest[NBUF + 1 + NBUF:]
    cid = lax.axis_index("c")
    sid = lax.axis_index("s")
    wid = sid * NC + cid

    _zero_fill(rows[0], HID)
    nz = ROWS_PER_SUB // ZROWS
    for z in range(nz):
        pltpu.async_copy(
            rows[0], acc.at[pl.ds(sid * ROWS_PER_SUB + z * ZROWS, ZROWS)], ssem[z]
        )

    base = wid * CHUNKS
    pltpu.sync_copy(s_hbm.at[pl.ds(base, CHUNKS)], sidx)
    pltpu.sync_copy(d_hbm.at[pl.ds(base, CHUNKS)], didx)

    for z in range(nz):
        pltpu.make_async_copy(
            rows[0], acc.at[pl.ds(sid * ROWS_PER_SUB + z * ZROWS, ZROWS)], ssem[z]
        ).wait()

    plsc.subcore_barrier()

    for b in range(NBUF):
        pltpu.async_copy(h_hbm.at[sidx.at[b]], rows[b], gsem[b])

    @pl.loop(0, CHUNKS // NBUF)
    def _(t):
        j = t * NBUF
        for b in range(NBUF):
            pltpu.make_async_copy(h_hbm.at[sidx.at[j + b]], rows[b], gsem[b]).wait()
            pltpu.async_copy(rows[b], acc.at[didx.at[j + b]], ssem[b], add=True)
        for b in range(NBUF):
            pltpu.make_async_copy(rows[b], acc.at[didx.at[j + b]], ssem[b]).wait()

            @pl.when(j + NBUF + b < CHUNKS)
            def _():
                pltpu.async_copy(h_hbm.at[sidx.at[j + NBUF + b]], rows[b], gsem[b])

    plsc.subcore_barrier()
    rbase = sid * ROWS_PER_SUB
    pltpu.sync_copy(
        acc.at[pl.ds(rbase, ROWS_PER_SUB)],
        out_hbm.at[cid, pl.ds(rbase, ROWS_PER_SUB)],
    )


def _dinv_from_degp(degp):
    deg = degp[0, :N_NODES, 0] + degp[1, :N_NODES, 0] + 1.0
    return (1.0 / jnp.sqrt(deg))[:, None]


def _tc_pre_body(x_ref, w_ref, degp_ref, out_ref):
    h = lax.dot_general(
        x_ref[...], w_ref[...], (((1,), (0,)), ((), ())),
        precision=_HIGHEST, preferred_element_type=jnp.float32,
    )
    out_ref[...] = h * _dinv_from_degp(degp_ref[...])


def _tc_mid_body(degp_ref, p_ref, hp_ref, b_ref, g_ref, be_ref, w_ref, out_ref):
    dinv = _dinv_from_degp(degp_ref[...])
    o = (p_ref[0, :N_NODES] + p_ref[1, :N_NODES] + hp_ref[...]) * dinv + b_ref[...]
    mean = jnp.mean(o, axis=0, keepdims=True)
    var = jnp.mean((o - mean) ** 2, axis=0, keepdims=True)
    h = (o - mean) / jnp.sqrt(var + EPS) * g_ref[...] + be_ref[...]
    h = jnp.maximum(h, 0.0)
    h2 = lax.dot_general(
        h, w_ref[...], (((1,), (0,)), ((), ())),
        precision=_HIGHEST, preferred_element_type=jnp.float32,
    )
    out_ref[...] = h2 * dinv


def _tc_post_body(degp_ref, p_ref, hp_ref, b_ref, g_ref, be_ref, batch_ref, wc_ref, bc_ref, out_ref):
    dinv = _dinv_from_degp(degp_ref[...])
    o = (p_ref[0, :N_NODES] + p_ref[1, :N_NODES] + hp_ref[...]) * dinv + b_ref[...]
    mean = jnp.mean(o, axis=0, keepdims=True)
    var = jnp.mean((o - mean) ** 2, axis=0, keepdims=True)
    h = (o - mean) / jnp.sqrt(var + EPS) * g_ref[...] + be_ref[...]
    h = jnp.maximum(h, 0.0)
    gids = lax.broadcasted_iota(jnp.int32, (1, NUM_GRAPHS), 1)
    onehot = (batch_ref[...] == gids).astype(jnp.float32)
    sums = lax.dot_general(
        onehot, h, (((0,), (0,)), ((), ())),
        precision=_HIGHEST, preferred_element_type=jnp.float32,
    )
    counts = jnp.sum(onehot, axis=0)[:, None]
    pooled = sums / jnp.maximum(counts, 1.0)
    out_ref[...] = lax.dot_general(
        pooled, wc_ref[...], (((1,), (0,)), ((), ())),
        precision=_HIGHEST, preferred_element_type=jnp.float32,
    ) + bc_ref[...]


_tc_pre = pl.pallas_call(
    _tc_pre_body, out_shape=jax.ShapeDtypeStruct((N_NODES, HID), jnp.float32)
)
_tc_mid = pl.pallas_call(
    _tc_mid_body, out_shape=jax.ShapeDtypeStruct((N_NODES, HID), jnp.float32)
)
_tc_post = pl.pallas_call(
    _tc_post_body, out_shape=jax.ShapeDtypeStruct((NUM_GRAPHS, OUT_DIM), jnp.float32)
)


@jax.jit
def kernel(x, edge_index, batch, W1, b1, gamma1, beta1, W2, b2, gamma2, beta2, Wc, bc):
    src = edge_index[0].reshape(NW * CHUNKS, C)
    dst = edge_index[1].reshape(NW * CHUNKS, C)
    degp = _sc_deg_kernel()(dst)
    h1p = _tc_pre(x, W1, degp)
    p1 = _sc_conv_kernel()(h1p, src, dst)
    h2p = _tc_mid(degp, p1, h1p, b1[None, :], gamma1[None, :], beta1[None, :], W2)
    p2 = _sc_conv_kernel()(h2p, src, dst)
    return _tc_post(
        degp, p2, h2p, b2[None, :], gamma2[None, :], beta2[None, :],
        batch[:, None], Wc, bc[None, :],
    )

# --- scband reference (transcript-rebuilt; emitter-appended) ---
"""Pipeline reference for scband-gcn-6562710028851 (READ-ONLY COPY).

The authoritative reference and input builder live on the scoring server;
editing this copy changes nothing except your own understanding.
"""

import jax, jax.numpy as jnp
import numpy as np

N_NODES = 10000
N_EDGES = 320000
IN_DIM = 128
HID = 64
OUT_DIM = 2
NUM_GRAPHS = 64
EPS = 1e-5


def setup_inputs(seed: int = 0) -> dict:
    key = jax.random.key(seed)
    ks = jax.random.split(key, 12)
    x = jax.random.normal(ks[0], (N_NODES, IN_DIM), dtype=jnp.float32)
    edge_index = jax.random.randint(ks[1], (2, N_EDGES), 0, N_NODES, dtype=jnp.int64 if jax.config.jax_enable_x64 else jnp.int32).astype(jnp.int32)
    batch = jnp.sort(jax.random.randint(ks[2], (N_NODES,), 0, NUM_GRAPHS)).astype(jnp.int32)
    W1 = jax.random.normal(ks[3], (IN_DIM, HID), dtype=jnp.float32) * (1.0 / np.sqrt(IN_DIM))
    b1 = jnp.zeros((HID,), dtype=jnp.float32)
    gamma1 = jnp.ones((HID,), dtype=jnp.float32)
    beta1 = jnp.zeros((HID,), dtype=jnp.float32)
    W2 = jax.random.normal(ks[4], (HID, HID), dtype=jnp.float32) * (1.0 / np.sqrt(HID))
    b2 = jnp.zeros((HID,), dtype=jnp.float32)
    gamma2 = jnp.ones((HID,), dtype=jnp.float32)
    beta2 = jnp.zeros((HID,), dtype=jnp.float32)
    Wc = jax.random.normal(ks[5], (HID, OUT_DIM), dtype=jnp.float32) * (1.0 / np.sqrt(HID))
    bc = jnp.zeros((OUT_DIM,), dtype=jnp.float32)
    return {"x": x, "edge_index": edge_index, "batch": batch, "W1": W1, "b1": b1, "gamma1": gamma1, "beta1": beta1, "W2": W2, "b2": b2, "gamma2": gamma2, "beta2": beta2, "Wc": Wc, "bc": bc}


def _gcn_conv(x, src, dst, W, b):
    # x' = D^{-1/2} (A + I) D^{-1/2} (x W) + b  (PyG GCNConv with add_self_loops)
    h = x @ W
    n = x.shape[0]
    loop = jnp.arange(n, dtype=src.dtype)
    s = jnp.concatenate([src, loop])
    d = jnp.concatenate([dst, loop])
    deg = jnp.zeros((n,), dtype=h.dtype).at[d].add(1.0)
    dinv = jnp.where(deg > 0, deg ** -0.5, 0.0)
    norm = dinv[s] * dinv[d]
    msg = h[s] * norm[:, None]
    out = jnp.zeros_like(h).at[d].add(msg)
    return out + b


def _batch_norm(x, gamma, beta):
    # training-mode BatchNorm1d over node dimension (biased variance, eps=1e-5)
    mean = jnp.mean(x, axis=0)
    var = jnp.mean((x - mean) ** 2, axis=0)
    return (x - mean) / jnp.sqrt(var + EPS) * gamma + beta


def reference(x, edge_index, batch, W1, b1, gamma1, beta1, W2, b2, gamma2, beta2, Wc, bc):
    src = edge_index[0]
    dst = edge_index[1]
    h = _gcn_conv(x, src, dst, W1, b1)
    h = _batch_norm(h, gamma1, beta1)
    h = jax.nn.relu(h)
    # dropout is identity in deterministic/eval reference
    h = _gcn_conv(h, src, dst, W2, b2)
    h = _batch_norm(h, gamma2, beta2)
    h = jax.nn.relu(h)
    # global mean pool per graph id
    sums = jax.ops.segment_sum(h, batch, num_segments=NUM_GRAPHS)
    counts = jax.ops.segment_sum(jnp.ones((h.shape[0],), dtype=h.dtype), batch, num_segments=NUM_GRAPHS)
    pooled = sums / jnp.clip(counts, 1.0, None)[:, None]
    return pooled @ Wc + bc

if __name__ == "__main__":
    import jax
    _d = setup_inputs()
    print(jax.jit(kernel)(*tuple(_d.values())))

</pallas_src>

<mosaic_0001>
#map = affine_map<(d0, d1) -> (0, 0)>
#map1 = affine_map<(d0, d1) -> (0, 0, 0)>
module attributes {stable_mosaic.version = 14 : i64} {
  func.func @_sc_deg_body(%arg0: i32, %arg1: i32, %arg2: memref<2560x125xi32, #tpu.memory_space<hbm>>, %arg3: memref<2x10000x16xf32, #tpu.memory_space<hbm>>, %arg4: memref<80x125xi32, #tpu.memory_space<vmem>>, %arg5: memref<125x16xf32, #tpu.memory_space<vmem>>, %arg6: memref<125x16xf32, #tpu.memory_space<vmem>>, %arg7: memref<10000x16xf32, #tpu.memory_space<vmem_shared>>, %arg8: memref<5x!tpu.dma_semaphore, #tpu.memory_space<semaphore_mem>>) attributes {dimension_semantics = [#tpu.dimension_semantics<core_parallel>, #tpu.dimension_semantics<subcore_parallel>], iteration_bounds = array<i64: 2, 16>, scalar_prefetch = 0 : i64, scratch_operands = 5 : i64, tpu.core_type = #tpu.core_type<sc_vector_subcore>, window_params = [{transform_indices = #map}, {transform_indices = #map1}]} {
    %mul3A = arith.constant 2 : i32
    %mul3A_0 = arith.muli %arg1, %mul3A : i32
    %add3A = arith.addi %mul3A_0, %arg0 : i32
    %broadcast_in_dim3A = arith.constant 0.000000e+00 : f32
    %broadcast_in_dim3A_1 = vector.broadcast %broadcast_in_dim3A : f32 to vector<16xf32>
    %scan3A = arith.constant 0 : i32
    %scan3A_2 = arith.constant 125 : i32
    %scan3A_3 = arith.addi %scan3A, %scan3A_2 : i32
    %scan3A_4 = arith.constant 1 : i32
    scf.for %scan3A_181 = %scan3A to %scan3A_3 step %scan3A_4  : i32 {
      %mul3A_182 = arith.constant 1 : i32
      %mul3A_183 = arith.muli %scan3A_181, %mul3A_182 : i32
      %add3A_184 = arith.constant 0 : i32
      %add3A_185 = arith.addi %add3A_184, %mul3A_183 : i32
      %swap3A = arith.index_cast %add3A_185 : i32 to index
      %swap3A_186 = arith.constant 0 : index
      %swap3A_187 = tpu.vector_load %arg6[%swap3A, %swap3A_186] {strides = array<i32>} : memref<125x16xf32, #tpu.memory_space<vmem>>, vector<1x16xf32>,
      %swap3A_188 = vector.shape_cast %swap3A_187 : vector<1x16xf32> to vector<16xf32>
      %swap3A_189 = vector.shape_cast %broadcast_in_dim3A_1 : vector<16xf32> to vector<1x16xf32>
      tpu.vector_store %arg6[%swap3A, %swap3A_186], %swap3A_189 {strides = array<i32>} : memref<125x16xf32, #tpu.memory_space<vmem>>, vector<1x16xf32>,
    }
    %scan3A_5 = arith.constant 125 : i32
    %mul3A_6 = arith.constant 625 : i32
    %mul3A_7 = arith.muli %arg1, %mul3A_6 : i32
    %add3A_8 = arith.constant 0 : i32
    %add3A_9 = arith.addi %mul3A_7, %add3A_8 : i32
    %dma_start3A = arith.constant 0 : i32
    %dma_start3A_10 = arith.constant 0 : i32
    %dma_start3A_11 = tpu.memref_slice %arg7[%add3A_9, %dma_start3A_10] : memref<10000x16xf32, #tpu.memory_space<vmem_shared>> -> memref<125x16xf32, #tpu.memory_space<vmem_shared>>
    %dma_start3A_12 = tpu.memref_slice %arg8[%dma_start3A] : memref<5x!tpu.dma_semaphore, #tpu.memory_space<semaphore_mem>> -> memref<1x!tpu.dma_semaphore, #tpu.memory_space<semaphore_mem>>
    %dma_start3A_13 = tpu.memref_squeeze %dma_start3A_12 : memref<1x!tpu.dma_semaphore, #tpu.memory_space<semaphore_mem>> -> memref<!tpu.dma_semaphore, #tpu.memory_space<semaphore_mem>>
    %dma_start3A_14 = arith.constant 0 : i32
    %dma_start3A_15 = tpu.memref_slice %arg7[%add3A_9, %dma_start3A_14] : memref<10000x16xf32, #tpu.memory_space<vmem_shared>> -> memref<125x16xf32, #tpu.memory_space<vmem_shared>>
    tpu.enqueue_dma source(%arg6 : memref<125x16xf32, #tpu.memory_space<vmem>>) target(%dma_start3A_15 : memref<125x16xf32, #tpu.memory_space<vmem_shared>>) target_semaphore(%dma_start3A_13 : memref<!tpu.dma_semaphore, #tpu.memory_space<semaphore_mem>>)
    %mul3A_16 = arith.constant 625 : i32
    %mul3A_17 = arith.muli %arg1, %mul3A_16 : i32
    %add3A_18 = arith.constant 125 : i32
    %add3A_19 = arith.addi %mul3A_17, %add3A_18 : i32
    %dma_start3A_20 = arith.constant 1 : i32
    %dma_start3A_21 = arith.constant 0 : i32
    %dma_start3A_22 = tpu.memref_slice %arg7[%add3A_19, %dma_start3A_21] : memref<10000x16xf32, #tpu.memory_space<vmem_shared>> -> memref<125x16xf32, #tpu.memory_space<vmem_shared>>
    %dma_start3A_23 = tpu.memref_slice %arg8[%dma_start3A_20] : memref<5x!tpu.dma_semaphore, #tpu.memory_space<semaphore_mem>> -> memref<1x!tpu.dma_semaphore, #tpu.memory_space<semaphore_mem>>
    %dma_start3A_24 = tpu.memref_squeeze %dma_start3A_23 : memref<1x!tpu.dma_semaphore, #tpu.memory_space<semaphore_mem>> -> memref<!tpu.dma_semaphore, #tpu.memory_space<semaphore_mem>>
    %dma_start3A_25 = arith.constant 0 : i32
    %dma_start3A_26 = tpu.memref_slice %arg7[%add3A_19, %dma_start3A_25] : memref<10000x16xf32, #tpu.memory_space<vmem_shared>> -> memref<125x16xf32, #tpu.memory_space<vmem_shared>>
    tpu.enqueue_dma source(%arg6 : memref<125x16xf32, #tpu.memory_space<vmem>>) target(%dma_start3A_26 : memref<125x16xf32, #tpu.memory_space<vmem_shared>>) target_semaphore(%dma_start3A_24 : memref<!tpu.dma_semaphore, #tpu.memory_space<semaphore_mem>>)
    %mul3A_27 = arith.constant 625 : i32
    %mul3A_28 = arith.muli %arg1, %mul3A_27 : i32
    %add3A_29 = arith.constant 250 : i32
    %add3A_30 = arith.addi %mul3A_28, %add3A_29 : i32
    %dma_start3A_31 = arith.constant 2 : i32
    %dma_start3A_32 = arith.constant 0 : i32
    %dma_start3A_33 = tpu.memref_slice %arg7[%add3A_30, %dma_start3A_32] : memref<10000x16xf32, #tpu.memory_space<vmem_shared>> -> memref<125x16xf32, #tpu.memory_space<vmem_shared>>
    %dma_start3A_34 = tpu.memref_slice %arg8[%dma_start3A_31] : memref<5x!tpu.dma_semaphore, #tpu.memory_space<semaphore_mem>> -> memref<1x!tpu.dma_semaphore, #tpu.memory_space<semaphore_mem>>
    %dma_start3A_35 = tpu.memref_squeeze %dma_start3A_34 : memref<1x!tpu.dma_semaphore, #tpu.memory_space<semaphore_mem>> -> memref<!tpu.dma_semaphore, #tpu.memory_space<semaphore_mem>>
    %dma_start3A_36 = arith.constant 0 : i32
    %dma_start3A_37 = tpu.memref_slice %arg7[%add3A_30, %dma_start3A_36] : memref<10000x16xf32, #tpu.memory_space<vmem_shared>> -> memref<125x16xf32, #tpu.memory_space<vmem_shared>>
    tpu.enqueue_dma source(%arg6 : memref<125x16xf32, #tpu.memory_space<vmem>>) target(%dma_start3A_37 : memref<125x16xf32, #tpu.memory_space<vmem_shared>>) target_semaphore(%dma_start3A_35 : memref<!tpu.dma_semaphore, #tpu.memory_space<semaphore_mem>>)
    %mul3A_38 = arith.constant 625 : i32
    %mul3A_39 = arith.muli %arg1, %mul3A_38 : i32
    %add3A_40 = arith.constant 375 : i32
    %add3A_41 = arith.addi %mul3A_39, %add3A_40 : i32
    %dma_start3A_42 = arith.constant 3 : i32
    %dma_start3A_43 = arith.constant 0 : i32
    %dma_start3A_44 = tpu.memref_slice %arg7[%add3A_41, %dma_start3A_43] : memref<10000x16xf32, #tpu.memory_space<vmem_shared>> -> memref<125x16xf32, #tpu.memory_space<vmem_shared>>
    %dma_start3A_45 = tpu.memref_slice %arg8[%dma_start3A_42] : memref<5x!tpu.dma_semaphore, #tpu.memory_space<semaphore_mem>> -> memref<1x!tpu.dma_semaphore, #tpu.memory_space<semaphore_mem>>
    %dma_start3A_46 = tpu.memref_squeeze %dma_start3A_45 : memref<1x!tpu.dma_semaphore, #tpu.memory_space<semaphore_mem>> -> memref<!tpu.dma_semaphore, #tpu.memory_space<semaphore_mem>>
    %dma_start3A_47 = arith.constant 0 : i32
    %dma_start3A_48 = tpu.memref_slice %arg7[%add3A_41, %dma_start3A_47] : memref<10000x16xf32, #tpu.memory_space<vmem_shared>> -> memref<125x16xf32, #tpu.memory_space<vmem_shared>>
    tpu.enqueue_dma source(%arg6 : memref<125x16xf32, #tpu.memory_space<vmem>>) target(%dma_start3A_48 : memref<125x16xf32, #tpu.memory_space<vmem_shared>>) target_semaphore(%dma_start3A_46 : memref<!tpu.dma_semaphore, #tpu.memory_space<semaphore_mem>>)
    %mul3A_49 = arith.constant 625 : i32
    %mul3A_50 = arith.muli %arg1, %mul3A_49 : i32
    %add3A_51 = arith.constant 500 : i32
    %add3A_52 = arith.addi %mul3A_50, %add3A_51 : i32
    %dma_start3A_53 = arith.constant 4 : i32
    %dma_start3A_54 = arith.constant 0 : i32
    %dma_start3A_55 = tpu.memref_slice %arg7[%add3A_52, %dma_start3A_54] : memref<10000x16xf32, #tpu.memory_space<vmem_shared>> -> memref<125x16xf32, #tpu.memory_space<vmem_shared>>
    %dma_start3A_56 = tpu.memref_slice %arg8[%dma_start3A_53] : memref<5x!tpu.dma_semaphore, #tpu.memory_space<semaphore_mem>> -> memref<1x!tpu.dma_semaphore, #tpu.memory_space<semaphore_mem>>
    %dma_start3A_57 = tpu.memref_squeeze %dma_start3A_56 : memref<1x!tpu.dma_semaphore, #tpu.memory_space<semaphore_mem>> -> memref<!tpu.dma_semaphore, #tpu.memory_space<semaphore_mem>>
    %dma_start3A_58 = arith.constant 0 : i32
    %dma_start3A_59 = tpu.memref_slice %arg7[%add3A_52, %dma_start3A_58] : memref<10000x16xf32, #tpu.memory_space<vmem_shared>> -> memref<125x16xf32, #tpu.memory_space<vmem_shared>>
    tpu.enqueue_dma source(%arg6 : memref<125x16xf32, #tpu.memory_space<vmem>>) target(%dma_start3A_59 : memref<125x16xf32, #tpu.memory_space<vmem_shared>>) target_semaphore(%dma_start3A_57 : memref<!tpu.dma_semaphore, #tpu.memory_space<semaphore_mem>>)
    %broadcast_in_dim3A_60 = arith.constant 1.000000e+00 : f32
    %broadcast_in_dim3A_61 = vector.broadcast %broadcast_in_dim3A_60 : f32 to vector<16xf32>
    %scan3A_62 = arith.constant 0 : i32
    %scan3A_63 = arith.constant 125 : i32
    %scan3A_64 = arith.addi %scan3A_62, %scan3A_63 : i32
    %scan3A_65 = arith.constant 1 : i32
    scf.for %scan3A_181 = %scan3A_62 to %scan3A_64 step %scan3A_65  : i32 {
      %mul3A_182 = arith.constant 1 : i32
      %mul3A_183 = arith.muli %scan3A_181, %mul3A_182 : i32
      %add3A_184 = arith.constant 0 : i32
      %add3A_185 = arith.addi %add3A_184, %mul3A_183 : i32
      %swap3A = arith.index_cast %add3A_185 : i32 to index
      %swap3A_186 = arith.constant 0 : index
      %swap3A_187 = tpu.vector_load %arg5[%swap3A, %swap3A_186] {strides = array<i32>} : memref<125x16xf32, #tpu.memory_space<vmem>>, vector<1x16xf32>,
      %swap3A_188 = vector.shape_cast %swap3A_187 : vector<1x16xf32> to vector<16xf32>
      %swap3A_189 = vector.shape_cast %broadcast_in_dim3A_61 : vector<16xf32> to vector<1x16xf32>
      tpu.vector_store %arg5[%swap3A, %swap3A_186], %swap3A_189 {strides = array<i32>} : memref<125x16xf32, #tpu.memory_space<vmem>>, vector<1x16xf32>,
    }
    %scan3A_66 = arith.constant 125 : i32
    %mul3A_67 = arith.constant 80 : i32
    %mul3A_68 = arith.muli %add3A, %mul3A_67 : i32
    "tpu.region"() ({
      %run_scoped3A = tpu.sem_alloc : memref<!tpu.dma_semaphore, #tpu.memory_space<semaphore_mem>>
      %dma_start3A_181 = arith.constant 0 : i32
      %dma_start3A_182 = tpu.memref_slice %arg2[%mul3A_68, %dma_start3A_181] : memref<2560x125xi32, #tpu.memory_space<hbm>> -> memref<80x125xi32, #tpu.memory_space<hbm>>
      %dma_start3A_183 = arith.constant 0 : i32
      %dma_start3A_184 = tpu.memref_slice %arg2[%mul3A_68, %dma_start3A_183] : memref<2560x125xi32, #tpu.memory_space<hbm>> -> memref<80x125xi32, #tpu.memory_space<hbm>>
      tpu.enqueue_dma source(%dma_start3A_184 : memref<80x125xi32, #tpu.memory_space<hbm>>) target(%arg4 : memref<80x125xi32, #tpu.memory_space<vmem>>) target_semaphore(%run_scoped3A : memref<!tpu.dma_semaphore, #tpu.memory_space<semaphore_mem>>)
      %dma_wait3A_185 = arith.constant 0 : i32
      %dma_wait3A_186 = tpu.memref_slice %arg2[%mul3A_68, %dma_wait3A_185] : memref<2560x125xi32, #tpu.memory_space<hbm>> -> memref<80x125xi32, #tpu.memory_space<hbm>>
      %dma_wait3A_187 = arith.constant 0 : i32
      %dma_wait3A_188 = tpu.memref_slice %arg2[%mul3A_68, %dma_wait3A_187] : memref<2560x125xi32, #tpu.memory_space<hbm>> -> memref<80x125xi32, #tpu.memory_space<hbm>>
      tpu.wait_dma2 semaphore(%run_scoped3A : memref<!tpu.dma_semaphore, #tpu.memory_space<semaphore_mem>>) src(%dma_wait3A_188 : memref<80x125xi32, #tpu.memory_space<hbm>>) dst(%arg4 : memref<80x125xi32, #tpu.memory_space<vmem>>)
      tpu.yield
    }) : () -> ()
    %mul3A_69 = arith.constant 625 : i32
    %mul3A_70 = arith.muli %arg1, %mul3A_69 : i32
    %add3A_71 = arith.constant 0 : i32
    %add3A_72 = arith.addi %mul3A_70, %add3A_71 : i32
    %dma_wait3A = arith.constant 0 : i32
    %dma_wait3A_73 = arith.constant 0 : i32
    %dma_wait3A_74 = tpu.memref_slice %arg7[%add3A_72, %dma_wait3A_73] : memref<10000x16xf32, #tpu.memory_space<vmem_shared>> -> memref<125x16xf32, #tpu.memory_space<vmem_shared>>
    %dma_wait3A_75 = tpu.memref_slice %arg8[%dma_wait3A] : memref<5x!tpu.dma_semaphore, #tpu.memory_space<semaphore_mem>> -> memref<1x!tpu.dma_semaphore, #tpu.memory_space<semaphore_mem>>
    %dma_wait3A_76 = tpu.memref_squeeze %dma_wait3A_75 : memref<1x!tpu.dma_semaphore, #tpu.memory_space<semaphore_mem>> -> memref<!tpu.dma_semaphore, #tpu.memory_space<semaphore_mem>>
    %dma_wait3A_77 = arith.constant 0 : i32
    %dma_wait3A_78 = tpu.memref_slice %arg7[%add3A_72, %dma_wait3A_77] : memref<10000x16xf32, #tpu.memory_space<vmem_shared>> -> memref<125x16xf32, #tpu.memory_space<vmem_shared>>
    tpu.wait_dma2 semaphore(%dma_wait3A_76 : memref<!tpu.dma_semaphore, #tpu.memory_space<semaphore_mem>>) src(%arg6 : memref<125x16xf32, #tpu.memory_space<vmem>>) dst(%dma_wait3A_78 : memref<125x16xf32, #tpu.memory_space<vmem_shared>>)
    %mul3A_79 = arith.constant 625 : i32
    %mul3A_80 = arith.muli %arg1, %mul3A_79 : i32
    %add3A_81 = arith.constant 125 : i32
    %add3A_82 = arith.addi %mul3A_80, %add3A_81 : i32
    %dma_wait3A_83 = arith.constant 1 : i32
    %dma_wait3A_84 = arith.constant 0 : i32
    %dma_wait3A_85 = tpu.memref_slice %arg7[%add3A_82, %dma_wait3A_84] : memref<10000x16xf32, #tpu.memory_space<vmem_shared>> -> memref<125x16xf32, #tpu.memory_space<vmem_shared>>
    %dma_wait3A_86 = tpu.memref_slice %arg8[%dma_wait3A_83] : memref<5x!tpu.dma_semaphore, #tpu.memory_space<semaphore_mem>> -> memref<1x!tpu.dma_semaphore, #tpu.memory_space<semaphore_mem>>
    %dma_wait3A_87 = tpu.memref_squeeze %dma_wait3A_86 : memref<1x!tpu.dma_semaphore, #tpu.memory_space<semaphore_mem>> -> memref<!tpu.dma_semaphore, #tpu.memory_space<semaphore_mem>>
    %dma_wait3A_88 = arith.constant 0 : i32
    %dma_wait3A_89 = tpu.memref_slice %arg7[%add3A_82, %dma_wait3A_88] : memref<10000x16xf32, #tpu.memory_space<vmem_shared>> -> memref<125x16xf32, #tpu.memory_space<vmem_shared>>
    tpu.wait_dma2 semaphore(%dma_wait3A_87 : memref<!tpu.dma_semaphore, #tpu.memory_space<semaphore_mem>>) src(%arg6 : memref<125x16xf32, #tpu.memory_space<vmem>>) dst(%dma_wait3A_89 : memref<125x16xf32, #tpu.memory_space<vmem_shared>>)
    %mul3A_90 = arith.constant 625 : i32
    %mul3A_91 = arith.muli %arg1, %mul3A_90 : i32
    %add3A_92 = arith.constant 250 : i32
    %add3A_93 = arith.addi %mul3A_91, %add3A_92 : i32
    %dma_wait3A_94 = arith.constant 2 : i32
    %dma_wait3A_95 = arith.constant 0 : i32
    %dma_wait3A_96 = tpu.memref_slice %arg7[%add3A_93, %dma_wait3A_95] : memref<10000x16xf32, #tpu.memory_space<vmem_shared>> -> memref<125x16xf32, #tpu.memory_space<vmem_shared>>
    %dma_wait3A_97 = tpu.memref_slice %arg8[%dma_wait3A_94] : memref<5x!tpu.dma_semaphore, #tpu.memory_space<semaphore_mem>> -> memref<1x!tpu.dma_semaphore, #tpu.memory_space<semaphore_mem>>
    %dma_wait3A_98 = tpu.memref_squeeze %dma_wait3A_97 : memref<1x!tpu.dma_semaphore, #tpu.memory_space<semaphore_mem>> -> memref<!tpu.dma_semaphore, #tpu.memory_space<semaphore_mem>>
    %dma_wait3A_99 = arith.constant 0 : i32
    %dma_wait3A_100 = tpu.memref_slice %arg7[%add3A_93, %dma_wait3A_99] : memref<10000x16xf32, #tpu.memory_space<vmem_shared>> -> memref<125x16xf32, #tpu.memory_space<vmem_shared>>
    tpu.wait_dma2 semaphore(%dma_wait3A_98 : memref<!tpu.dma_semaphore, #tpu.memory_space<semaphore_mem>>) src(%arg6 : memref<125x16xf32, #tpu.memory_space<vmem>>) dst(%dma_wait3A_100 : memref<125x16xf32, #tpu.memory_space<vmem_shared>>)
    %mul3A_101 = arith.constant 625 : i32
    %mul3A_102 = arith.muli %arg1, %mul3A_101 : i32
    %add3A_103 = arith.constant 375 : i32
    %add3A_104 = arith.addi %mul3A_102, %add3A_103 : i32
    %dma_wait3A_105 = arith.constant 3 : i32
    %dma_wait3A_106 = arith.constant 0 : i32
    %dma_wait3A_107 = tpu.memref_slice %arg7[%add3A_104, %dma_wait3A_106] : memref<10000x16xf32, #tpu.memory_space<vmem_shared>> -> memref<125x16xf32, #tpu.memory_space<vmem_shared>>
    %dma_wait3A_108 = tpu.memref_slice %arg8[%dma_wait3A_105] : memref<5x!tpu.dma_semaphore, #tpu.memory_space<semaphore_mem>> -> memref<1x!tpu.dma_semaphore, #tpu.memory_space<semaphore_mem>>
    %dma_wait3A_109 = tpu.memref_squeeze %dma_wait3A_108 : memref<1x!tpu.dma_semaphore, #tpu.memory_space<semaphore_mem>> -> memref<!tpu.dma_semaphore, #tpu.memory_space<semaphore_mem>>
    %dma_wait3A_110 = arith.constant 0 : i32
    %dma_wait3A_111 = tpu.memref_slice %arg7[%add3A_104, %dma_wait3A_110] : memref<10000x16xf32, #tpu.memory_space<vmem_shared>> -> memref<125x16xf32, #tpu.memory_space<vmem_shared>>
    tpu.wait_dma2 semaphore(%dma_wait3A_109 : memref<!tpu.dma_semaphore, #tpu.memory_space<semaphore_mem>>) src(%arg6 : memref<125x16xf32, #tpu.memory_space<vmem>>) dst(%dma_wait3A_111 : memref<125x16xf32, #tpu.memory_space<vmem_shared>>)
    %mul3A_112 = arith.constant 625 : i32
    %mul3A_113 = arith.muli %arg1, %mul3A_112 : i32
    %add3A_114 = arith.constant 500 : i32
    %add3A_115 = arith.addi %mul3A_113, %add3A_114 : i32
    %dma_wait3A_116 = arith.constant 4 : i32
    %dma_wait3A_117 = arith.constant 0 : i32
    %dma_wait3A_118 = tpu.memref_slice %arg7[%add3A_115, %dma_wait3A_117] : memref<10000x16xf32, #tpu.memory_space<vmem_shared>> -> memref<125x16xf32, #tpu.memory_space<vmem_shared>>
    %dma_wait3A_119 = tpu.memref_slice %arg8[%dma_wait3A_116] : memref<5x!tpu.dma_semaphore, #tpu.memory_space<semaphore_mem>> -> memref<1x!tpu.dma_semaphore, #tpu.memory_space<semaphore_mem>>
    %dma_wait3A_120 = tpu.memref_squeeze %dma_wait3A_119 : memref<1x!tpu.dma_semaphore, #tpu.memory_space<semaphore_mem>> -> memref<!tpu.dma_semaphore, #tpu.memory_space<semaphore_mem>>
    %dma_wait3A_121 = arith.constant 0 : i32
    %dma_wait3A_122 = tpu.memref_slice %arg7[%add3A_115, %dma_wait3A_121] : memref<10000x16xf32, #tpu.memory_space<vmem_shared>> -> memref<125x16xf32, #tpu.memory_space<vmem_shared>>
    tpu.wait_dma2 semaphore(%dma_wait3A_120 : memref<!tpu.dma_semaphore, #tpu.memory_space<semaphore_mem>>) src(%arg6 : memref<125x16xf32, #tpu.memory_space<vmem>>) dst(%dma_wait3A_122 : memref<125x16xf32, #tpu.memory_space<vmem_shared>>)
    %barrier3A = arith.constant 0 : index
    tpu.barrier barrier_id(%barrier3A)
    %dma_start3A_123 = arith.constant 0 : i32
    %dma_start3A_124 = arith.constant 0 : i32
    %dma_start3A_125 = arith.constant 0 : i32
    %dma_start3A_126 = tpu.memref_slice %arg4[%dma_start3A_123, %dma_start3A_125] : memref<80x125xi32, #tpu.memory_space<vmem>> -> memref<1x125xi32, #tpu.memory_space<vmem>>
    %dma_start3A_127 = tpu.memref_squeeze %dma_start3A_126 : memref<1x125xi32, #tpu.memory_space<vmem>> -> memref<125xi32, #tpu.memory_space<vmem>>
    %dma_start3A_128 = arith.constant 0 : i32
    %dma_start3A_129 = arith.constant 0 : i32
    %dma_start3A_130 = tpu.memref_slice %arg7[%dma_start3A_128, %dma_start3A_129] : memref<10000x16xf32, #tpu.memory_space<vmem_shared>> -> memref<10000x16xf32, #tpu.memory_space<vmem_shared>>
    %dma_start3A_131 = tpu.memref_slice %arg8[%dma_start3A_124] : memref<5x!tpu.dma_semaphore, #tpu.memory_space<semaphore_mem>> -> memref<1x!tpu.dma_semaphore, #tpu.memory_space<semaphore_mem>>
    %dma_start3A_132 = tpu.memref_squeeze %dma_start3A_131 : memref<1x!tpu.dma_semaphore, #tpu.memory_space<semaphore_mem>> -> memref<!tpu.dma_semaphore, #tpu.memory_space<semaphore_mem>>
    tpu.enqueue_indirect_dma source(%arg5 : memref<125x16xf32, #tpu.memory_space<vmem>>) target(%dma_start3A_130 : memref<10000x16xf32, #tpu.memory_space<vmem_shared>>) offsets(%dma_start3A_127 : memref<125xi32, #tpu.memory_space<vmem>>) semaphore(%dma_start3A_132 : memref<!tpu.dma_semaphore, #tpu.memory_space<semaphore_mem>>) {add = true}
    %dma_start3A_133 = arith.constant 1 : i32
    %dma_start3A_134 = arith.constant 1 : i32
    %dma_start3A_135 = arith.constant 0 : i32
    %dma_start3A_136 = tpu.memref_slice %arg4[%dma_start3A_133, %dma_start3A_135] : memref<80x125xi32, #tpu.memory_space<vmem>> -> memref<1x125xi32, #tpu.memory_space<vmem>>
    %dma_start3A_137 = tpu.memref_squeeze %dma_start3A_136 : memref<1x125xi32, #tpu.memory_space<vmem>> -> memref<125xi32, #tpu.memory_space<vmem>>
    %dma_start3A_138 = arith.constant 0 : i32
    %dma_start3A_139 = arith.constant 0 : i32
    %dma_start3A_140 = tpu.memref_slice %arg7[%dma_start3A_138, %dma_start3A_139] : memref<10000x16xf32, #tpu.memory_space<vmem_shared>> -> memref<10000x16xf32, #tpu.memory_space<vmem_shared>>
    %dma_start3A_141 = tpu.memref_slice %arg8[%dma_start3A_134] : memref<5x!tpu.dma_semaphore, #tpu.memory_space<semaphore_mem>> -> memref<1x!tpu.dma_semaphore, #tpu.memory_space<semaphore_mem>>
    %dma_start3A_142 = tpu.memref_squeeze %dma_start3A_141 : memref<1x!tpu.dma_semaphore, #tpu.memory_space<semaphore_mem>> -> memref<!tpu.dma_semaphore, #tpu.memory_space<semaphore_mem>>
    tpu.enqueue_indirect_dma source(%arg5 : memref<125x16xf32, #tpu.memory_space<vmem>>) target(%dma_start3A_140 : memref<10000x16xf32, #tpu.memory_space<vmem_shared>>) offsets(%dma_start3A_137 : memref<125xi32, #tpu.memory_space<vmem>>) semaphore(%dma_start3A_142 : memref<!tpu.dma_semaphore, #tpu.memory_space<semaphore_mem>>) {add = true}
    %dma_start3A_143 = arith.constant 2 : i32
    %dma_start3A_144 = arith.constant 2 : i32
    %dma_start3A_145 = arith.constant 0 : i32
    %dma_start3A_146 = tpu.memref_slice %arg4[%dma_start3A_143, %dma_start3A_145] : memref<80x125xi32, #tpu.memory_space<vmem>> -> memref<1x125xi32, #tpu.memory_space<vmem>>
    %dma_start3A_147 = tpu.memref_squeeze %dma_start3A_146 : memref<1x125xi32, #tpu.memory_space<vmem>> -> memref<125xi32, #tpu.memory_space<vmem>>
    %dma_start3A_148 = arith.constant 0 : i32
    %dma_start3A_149 = arith.constant 0 : i32
    %dma_start3A_150 = tpu.memref_slice %arg7[%dma_start3A_148, %dma_start3A_149] : memref<10000x16xf32, #tpu.memory_space<vmem_shared>> -> memref<10000x16xf32, #tpu.memory_space<vmem_shared>>
    %dma_start3A_151 = tpu.memref_slice %arg8[%dma_start3A_144] : memref<5x!tpu.dma_semaphore, #tpu.memory_space<semaphore_mem>> -> memref<1x!tpu.dma_semaphore, #tpu.memory_space<semaphore_mem>>
    %dma_start3A_152 = tpu.memref_squeeze %dma_start3A_151 : memref<1x!tpu.dma_semaphore, #tpu.memory_space<semaphore_mem>> -> memref<!tpu.dma_semaphore, #tpu.memory_space<semaphore_mem>>
    tpu.enqueue_indirect_dma source(%arg5 : memref<125x16xf32, #tpu.memory_space<vmem>>) target(%dma_start3A_150 : memref<10000x16xf32, #tpu.memory_space<vmem_shared>>) offsets(%dma_start3A_147 : memref<125xi32, #tpu.memory_space<vmem>>) semaphore(%dma_start3A_152 : memref<!tpu.dma_semaphore, #tpu.memory_space<semaphore_mem>>) {add = true}
    %dma_start3A_153 = arith.constant 3 : i32
    %dma_start3A_154 = arith.constant 3 : i32
    %dma_start3A_155 = arith.constant 0 : i32
    %dma_start3A_156 = tpu.memref_slice %arg4[%dma_start3A_153, %dma_start3A_155] : memref<80x125xi32, #tpu.memory_space<vmem>> -> memref<1x125xi32, #tpu.memory_space<vmem>>
    %dma_start3A_157 = tpu.memref_squeeze %dma_start3A_156 : memref<1x125xi32, #tpu.memory_space<vmem>> -> memref<125xi32, #tpu.memory_space<vmem>>
    %dma_start3A_158 = arith.constant 0 : i32
    %dma_start3A_159 = arith.constant 0 : i32
    %dma_start3A_160 = tpu.memref_slice %arg7[%dma_start3A_158, %dma_start3A_159] : memref<10000x16xf32, #tpu.memory_space<vmem_shared>> -> memref<10000x16xf32, #tpu.memory_space<vmem_shared>>
    %dma_start3A_161 = tpu.memref_slice %arg8[%dma_start3A_154] : memref<5x!tpu.dma_semaphore, #tpu.memory_space<semaphore_mem>> -> memref<1x!tpu.dma_semaphore, #tpu.memory_space<semaphore_mem>>
    %dma_start3A_162 = tpu.memref_squeeze %dma_start3A_161 : memref<1x!tpu.dma_semaphore, #tpu.memory_space<semaphore_mem>> -> memref<!tpu.dma_semaphore, #tpu.memory_space<semaphore_mem>>
    tpu.enqueue_indirect_dma source(%arg5 : memref<125x16xf32, #tpu.memory_space<vmem>>) target(%dma_start3A_160 : memref<10000x16xf32, #tpu.memory_space<vmem_shared>>) offsets(%dma_start3A_157 : memref<125xi32, #tpu.memory_space<vmem>>) semaphore(%dma_start3A_162 : memref<!tpu.dma_semaphore, #tpu.memory_space<semaphore_mem>>) {add = true}
    %dma_start3A_163 = arith.constant 4 : i32
    %dma_start3A_164 = arith.constant 4 : i32
    %dma_start3A_165 = arith.constant 0 : i32
    %dma_start3A_166 = tpu.memref_slice %arg4[%dma_start3A_163, %dma_start3A_165] : memref<80x125xi32, #tpu.memory_space<vmem>> -> memref<1x125xi32, #tpu.memory_space<vmem>>
    %dma_start3A_167 = tpu.memref_squeeze %dma_start3A_166 : memref<1x125xi32, #tpu.memory_space<vmem>> -> memref<125xi32, #tpu.memory_space<vmem>>
    %dma_start3A_168 = arith.constant 0 : i32
    %dma_start3A_169 = arith.constant 0 : i32
    %dma_start3A_170 = tpu.memref_slice %arg7[%dma_start3A_168, %dma_start3A_169] : memref<10000x16xf32, #tpu.memory_space<vmem_shared>> -> memref<10000x16xf32, #tpu.memory_space<vmem_shared>>
    %dma_start3A_171 = tpu.memref_slice %arg8[%dma_start3A_164] : memref<5x!tpu.dma_semaphore, #tpu.memory_space<semaphore_mem>> -> memref<1x!tpu.dma_semaphore, #tpu.memory_space<semaphore_mem>>
    %dma_start3A_172 = tpu.memref_squeeze %dma_start3A_171 : memref<1x!tpu.dma_semaphore, #tpu.memory_space<semaphore_mem>> -> memref<!tpu.dma_semaphore, #tpu.memory_space<semaphore_mem>>
    tpu.enqueue_indirect_dma source(%arg5 : memref<125x16xf32, #tpu.memory_space<vmem>>) target(%dma_start3A_170 : memref<10000x16xf32, #tpu.memory_space<vmem_shared>>) offsets(%dma_start3A_167 : memref<125xi32, #tpu.memory_space<vmem>>) semaphore(%dma_start3A_172 : memref<!tpu.dma_semaphore, #tpu.memory_space<semaphore_mem>>) {add = true}
    %scan3A_173 = arith.constant 0 : i32
    %scan3A_174 = arith.constant 16 : i32
    %scan3A_175 = arith.addi %scan3A_173, %scan3A_174 : i32
    %scan3A_176 = arith.constant 1 : i32
    scf.for %scan3A_181 = %scan3A_173 to %scan3A_175 step %scan3A_176  : i32 {
      %mul3A_182 = arith.constant 1 : i32
      %mul3A_183 = arith.muli %scan3A_181, %mul3A_182 : i32
      %add3A_184 = arith.constant 0 : i32
      %add3A_185 = arith.addi %add3A_184, %mul3A_183 : i32
      %mul3A_186 = arith.constant 5 : i32
      %mul3A_187 = arith.muli %add3A_185, %mul3A_186 : i32
      %add3A_188 = arith.constant 0 : i32
      %add3A_189 = arith.addi %mul3A_187, %add3A_188 : i32
      %dma_wait3A_190 = arith.constant 0 : i32
      %dma_wait3A_191 = arith.constant 0 : i32
      %dma_wait3A_192 = tpu.memref_slice %arg4[%add3A_189, %dma_wait3A_191] : memref<80x125xi32, #tpu.memory_space<vmem>> -> memref<1x125xi32, #tpu.memory_space<vmem>>
      %dma_wait3A_193 = tpu.memref_squeeze %dma_wait3A_192 : memref<1x125xi32, #tpu.memory_space<vmem>> -> memref<125xi32, #tpu.memory_space<vmem>>
      %dma_wait3A_194 = arith.constant 0 : i32
      %dma_wait3A_195 = arith.constant 0 : i32
      %dma_wait3A_196 = tpu.memref_slice %arg7[%dma_wait3A_194, %dma_wait3A_195] : memref<10000x16xf32, #tpu.memory_space<vmem_shared>> -> memref<10000x16xf32, #tpu.memory_space<vmem_shared>>
      %dma_wait3A_197 = tpu.memref_slice %arg8[%dma_wait3A_190] : memref<5x!tpu.dma_semaphore, #tpu.memory_space<semaphore_mem>> -> memref<1x!tpu.dma_semaphore, #tpu.memory_space<semaphore_mem>>
      %dma_wait3A_198 = tpu.memref_squeeze %dma_wait3A_197 : memref<1x!tpu.dma_semaphore, #tpu.memory_space<semaphore_mem>> -> memref<!tpu.dma_semaphore, #tpu.memory_space<semaphore_mem>>
      tpu.wait_indirect_dma semaphore(%dma_wait3A_198 : memref<!tpu.dma_semaphore, #tpu.memory_space<semaphore_mem>>) src(%arg5 : memref<125x16xf32, #tpu.memory_space<vmem>>) dst(%dma_wait3A_196 : memref<10000x16xf32, #tpu.memory_space<vmem_shared>>)
      %add3A_199 = arith.constant 5 : i32
      %add3A_200 = arith.addi %mul3A_187, %add3A_199 : i32
      %add3A_201 = arith.constant 0 : i32
      %add3A_202 = arith.addi %add3A_200, %add3A_201 : i32
      %lt3A = arith.constant 80 : i32
      %lt3A_203 = arith.cmpi slt, %add3A_202, %lt3A : i32
      %convert_element_type3A = arith.extui %lt3A_203 : i1 to i32
      %cond3A = arith.constant 0 : i32
      %cond3A_204 = arith.cmpi ne, %convert_element_type3A, %cond3A : i32
      scf.if %cond3A_204 {
        %add3A_285 = arith.constant 5 : i32
        %add3A_286 = arith.addi %mul3A_187, %add3A_285 : i32
        %add3A_287 = arith.constant 0 : i32
        %add3A_288 = arith.addi %add3A_286, %add3A_287 : i32
        %dma_start3A_289 = arith.constant 0 : i32
        %dma_start3A_290 = arith.constant 0 : i32
        %dma_start3A_291 = tpu.memref_slice %arg4[%add3A_288, %dma_start3A_290] : memref<80x125xi32, #tpu.memory_space<vmem>> -> memref<1x125xi32, #tpu.memory_space<vmem>>
        %dma_start3A_292 = tpu.memref_squeeze %dma_start3A_291 : memref<1x125xi32, #tpu.memory_space<vmem>> -> memref<125xi32, #tpu.memory_space<vmem>>
        %dma_start3A_293 = arith.constant 0 : i32
        %dma_start3A_294 = arith.constant 0 : i32
        %dma_start3A_295 = tpu.memref_slice %arg7[%dma_start3A_293, %dma_start3A_294] : memref<10000x16xf32, #tpu.memory_space<vmem_shared>> -> memref<10000x16xf32, #tpu.memory_space<vmem_shared>>
        %dma_start3A_296 = tpu.memref_slice %arg8[%dma_start3A_289] : memref<5x!tpu.dma_semaphore, #tpu.memory_space<semaphore_mem>> -> memref<1x!tpu.dma_semaphore, #tpu.memory_space<semaphore_mem>>
        %dma_start3A_297 = tpu.memref_squeeze %dma_start3A_296 : memref<1x!tpu.dma_semaphore, #tpu.memory_space<semaphore_mem>> -> memref<!tpu.dma_semaphore, #tpu.memory_space<semaphore_mem>>
        tpu.enqueue_indirect_dma source(%arg5 : memref<125x16xf32, #tpu.memory_space<vmem>>) target(%dma_start3A_295 : memref<10000x16xf32, #tpu.memory_space<vmem_shared>>) offsets(%dma_start3A_292 : memref<125xi32, #tpu.memory_space<vmem>>) semaphore(%dma_start3A_297 : memref<!tpu.dma_semaphore, #tpu.memory_space<semaphore_mem>>) {add = true}
      } else {
      }
      %add3A_205 = arith.constant 1 : i32
      %add3A_206 = arith.addi %mul3A_187, %add3A_205 : i32
      %dma_wait3A_207 = arith.constant 1 : i32
      %dma_wait3A_208 = arith.constant 0 : i32
      %dma_wait3A_209 = tpu.memref_slice %arg4[%add3A_206, %dma_wait3A_208] : memref<80x125xi32, #tpu.memory_space<vmem>> -> memref<1x125xi32, #tpu.memory_space<vmem>>
      %dma_wait3A_210 = tpu.memref_squeeze %dma_wait3A_209 : memref<1x125xi32, #tpu.memory_space<vmem>> -> memref<125xi32, #tpu.memory_space<vmem>>
      %dma_wait3A_211 = arith.constant 0 : i32
      %dma_wait3A_212 = arith.constant 0 : i32
      %dma_wait3A_213 = tpu.memref_slice %arg7[%dma_wait3A_211, %dma_wait3A_212] : memref<10000x16xf32, #tpu.memory_space<vmem_shared>> -> memref<10000x16xf32, #tpu.memory_space<vmem_shared>>
      %dma_wait3A_214 = tpu.memref_slice %arg8[%dma_wait3A_207] : memref<5x!tpu.dma_semaphore, #tpu.memory_space<semaphore_mem>> -> memref<1x!tpu.dma_semaphore, #tpu.memory_space<semaphore_mem>>
      %dma_wait3A_215 = tpu.memref_squeeze %dma_wait3A_214 : memref<1x!tpu.dma_semaphore, #tpu.memory_space<semaphore_mem>> -> memref<!tpu.dma_semaphore, #tpu.memory_space<semaphore_mem>>
      tpu.wait_indirect_dma semaphore(%dma_wait3A_215 : memref<!tpu.dma_semaphore, #tpu.memory_space<semaphore_mem>>) src(%arg5 : memref<125x16xf32, #tpu.memory_space<vmem>>) dst(%dma_wait3A_213 : memref<10000x16xf32, #tpu.memory_space<vmem_shared>>)
      %add3A_216 = arith.constant 5 : i32
      %add3A_217 = arith.addi %mul3A_187, %add3A_216 : i32
      %add3A_218 = arith.constant 1 : i32
      %add3A_219 = arith.addi %add3A_217, %add3A_218 : i32
      %lt3A_220 = arith.constant 80 : i32
      %lt3A_221 = arith.cmpi slt, %add3A_219, %lt3A_220 : i32
      %convert_element_type3A_222 = arith.extui %lt3A_221 : i1 to i32
      %cond3A_223 = arith.constant 0 : i32
      %cond3A_224 = arith.cmpi ne, %convert_element_type3A_222, %cond3A_223 : i32
      scf.if %cond3A_224 {
        %add3A_285 = arith.constant 5 : i32
        %add3A_286 = arith.addi %mul3A_187, %add3A_285 : i32
        %add3A_287 = arith.constant 1 : i32
        %add3A_288 = arith.addi %add3A_286, %add3A_287 : i32
        %dma_start3A_289 = arith.constant 1 : i32
        %dma_start3A_290 = arith.constant 0 : i32
        %dma_start3A_291 = tpu.memref_slice %arg4[%add3A_288, %dma_start3A_290] : memref<80x125xi32, #tpu.memory_space<vmem>> -> memref<1x125xi32, #tpu.memory_space<vmem>>
        %dma_start3A_292 = tpu.memref_squeeze %dma_start3A_291 : memref<1x125xi32, #tpu.memory_space<vmem>> -> memref<125xi32, #tpu.memory_space<vmem>>
        %dma_start3A_293 = arith.constant 0 : i32
        %dma_start3A_294 = arith.constant 0 : i32
        %dma_start3A_295 = tpu.memref_slice %arg7[%dma_start3A_293, %dma_start3A_294] : memref<10000x16xf32, #tpu.memory_space<vmem_shared>> -> memref<10000x16xf32, #tpu.memory_space<vmem_shared>>
        %dma_start3A_296 = tpu.memref_slice %arg8[%dma_start3A_289] : memref<5x!tpu.dma_semaphore, #tpu.memory_space<semaphore_mem>> -> memref<1x!tpu.dma_semaphore, #tpu.memory_space<semaphore_mem>>
        %dma_start3A_297 = tpu.memref_squeeze %dma_start3A_296 : memref<1x!tpu.dma_semaphore, #tpu.memory_space<semaphore_mem>> -> memref<!tpu.dma_semaphore, #tpu.memory_space<semaphore_mem>>
        tpu.enqueue_indirect_dma source(%arg5 : memref<125x16xf32, #tpu.memory_space<vmem>>) target(%dma_start3A_295 : memref<10000x16xf32, #tpu.memory_space<vmem_shared>>) offsets(%dma_start3A_292 : memref<125xi32, #tpu.memory_space<vmem>>) semaphore(%dma_start3A_297 : memref<!tpu.dma_semaphore, #tpu.memory_space<semaphore_mem>>) {add = true}
      } else {
      }
      %add3A_225 = arith.constant 2 : i32
      %add3A_226 = arith.addi %mul3A_187, %add3A_225 : i32
      %dma_wait3A_227 = arith.constant 2 : i32
      %dma_wait3A_228 = arith.constant 0 : i32
      %dma_wait3A_229 = tpu.memref_slice %arg4[%add3A_226, %dma_wait3A_228] : memref<80x125xi32, #tpu.memory_space<vmem>> -> memref<1x125xi32, #tpu.memory_space<vmem>>
      %dma_wait3A_230 = tpu.memref_squeeze %dma_wait3A_229 : memref<1x125xi32, #tpu.memory_space<vmem>> -> memref<125xi32, #tpu.memory_space<vmem>>
      %dma_wait3A_231 = arith.constant 0 : i32
      %dma_wait3A_232 = arith.constant 0 : i32
      %dma_wait3A_233 = tpu.memref_slice %arg7[%dma_wait3A_231, %dma_wait3A_232] : memref<10000x16xf32, #tpu.memory_space<vmem_shared>> -> memref<10000x16xf32, #tpu.memory_space<vmem_shared>>
      %dma_wait3A_234 = tpu.memref_slice %arg8[%dma_wait3A_227] : memref<5x!tpu.dma_semaphore, #tpu.memory_space<semaphore_mem>> -> memref<1x!tpu.dma_semaphore, #tpu.memory_space<semaphore_mem>>
      %dma_wait3A_235 = tpu.memref_squeeze %dma_wait3A_234 : memref<1x!tpu.dma_semaphore, #tpu.memory_space<semaphore_mem>> -> memref<!tpu.dma_semaphore, #tpu.memory_space<semaphore_mem>>
      tpu.wait_indirect_dma semaphore(%dma_wait3A_235 : memref<!tpu.dma_semaphore, #tpu.memory_space<semaphore_mem>>) src(%arg5 : memref<125x16xf32, #tpu.memory_space<vmem>>) dst(%dma_wait3A_233 : memref<10000x16xf32, #tpu.memory_space<vmem_shared>>)
      %add3A_236 = arith.constant 5 : i32
      %add3A_237 = arith.addi %mul3A_187, %add3A_236 : i32
      %add3A_238 = arith.constant 2 : i32
      %add3A_239 = arith.addi %add3A_237, %add3A_238 : i32
      %lt3A_240 = arith.constant 80 : i32
      %lt3A_241 = arith.cmpi slt, %add3A_239, %lt3A_240 : i32
      %convert_element_type3A_242 = arith.extui %lt3A_241 : i1 to i32
      %cond3A_243 = arith.constant 0 : i32
      %cond3A_244 = arith.cmpi ne, %convert_element_type3A_242, %cond3A_243 : i32
      scf.if %cond3A_244 {
        %add3A_285 = arith.constant 5 : i32
        %add3A_286 = arith.addi %mul3A_187, %add3A_285 : i32
        %add3A_287 = arith.constant 2 : i32
        %add3A_288 = arith.addi %add3A_286, %add3A_287 : i32
        %dma_start3A_289 = arith.constant 2 : i32
        %dma_start3A_290 = arith.constant 0 : i32
        %dma_start3A_291 = tpu.memref_slice %arg4[%add3A_288, %dma_start3A_290] : memref<80x125xi32, #tpu.memory_space<vmem>> -> memref<1x125xi32, #tpu.memory_space<vmem>>
        %dma_start3A_292 = tpu.memref_squeeze %dma_start3A_291 : memref<1x125xi32, #tpu.memory_space<vmem>> -> memref<125xi32, #tpu.memory_space<vmem>>
        %dma_start3A_293 = arith.constant 0 : i32
        %dma_start3A_294 = arith.constant 0 : i32
        %dma_start3A_295 = tpu.memref_slice %arg7[%dma_start3A_293, %dma_start3A_294] : memref<10000x16xf32, #tpu.memory_space<vmem_shared>> -> memref<10000x16xf32, #tpu.memory_space<vmem_shared>>
        %dma_start3A_296 = tpu.memref_slice %arg8[%dma_start3A_289] : memref<5x!tpu.dma_semaphore, #tpu.memory_space<semaphore_mem>> -> memref<1x!tpu.dma_semaphore, #tpu.memory_space<semaphore_mem>>
        %dma_start3A_297 = tpu.memref_squeeze %dma_start3A_296 : memref<1x!tpu.dma_semaphore, #tpu.memory_space<semaphore_mem>> -> memref<!tpu.dma_semaphore, #tpu.memory_space<semaphore_mem>>
        tpu.enqueue_indirect_dma source(%arg5 : memref<125x16xf32, #tpu.memory_space<vmem>>) target(%dma_start3A_295 : memref<10000x16xf32, #tpu.memory_space<vmem_shared>>) offsets(%dma_start3A_292 : memref<125xi32, #tpu.memory_space<vmem>>) semaphore(%dma_start3A_297 : memref<!tpu.dma_semaphore, #tpu.memory_space<semaphore_mem>>) {add = true}
      } else {
      }
      %add3A_245 = arith.constant 3 : i32
      %add3A_246 = arith.addi %mul3A_187, %add3A_245 : i32
      %dma_wait3A_247 = arith.constant 3 : i32
      %dma_wait3A_248 = arith.constant 0 : i32
      %dma_wait3A_249 = tpu.memref_slice %arg4[%add3A_246, %dma_wait3A_248] : memref<80x125xi32, #tpu.memory_space<vmem>> -> memref<1x125xi32, #tpu.memory_space<vmem>>
      %dma_wait3A_250 = tpu.memref_squeeze %dma_wait3A_249 : memref<1x125xi32, #tpu.memory_space<vmem>> -> memref<125xi32, #tpu.memory_space<vmem>>
      %dma_wait3A_251 = arith.constant 0 : i32
      %dma_wait3A_252 = arith.constant 0 : i32
      %dma_wait3A_253 = tpu.memref_slice %arg7[%dma_wait3A_251, %dma_wait3A_252] : memref<10000x16xf32, #tpu.memory_space<vmem_shared>> -> memref<10000x16xf32, #tpu.memory_space<vmem_shared>>
      %dma_wait3A_254 = tpu.memref_slice %arg8[%dma_wait3A_247] : memref<5x!tpu.dma_semaphore, #tpu.memory_space<semaphore_mem>> -> memref<1x!tpu.dma_semaphore, #tpu.memory_space<semaphore_mem>>
      %dma_wait3A_255 = tpu.memref_squeeze %dma_wait3A_254 : memref<1x!tpu.dma_semaphore, #tpu.memory_space<semaphore_mem>> -> memref<!tpu.dma_semaphore, #tpu.memory_space<semaphore_mem>>
      tpu.wait_indirect_dma semaphore(%dma_wait3A_255 : memref<!tpu.dma_semaphore, #tpu.memory_space<semaphore_mem>>) src(%arg5 : memref<125x16xf32, #tpu.memory_space<vmem>>) dst(%dma_wait3A_253 : memref<10000x16xf32, #tpu.memory_space<vmem_shared>>)
      %add3A_256 = arith.constant 5 : i32
      %add3A_257 = arith.addi %mul3A_187, %add3A_256 : i32
      %add3A_258 = arith.constant 3 : i32
      %add3A_259 = arith.addi %add3A_257, %add3A_258 : i32
      %lt3A_260 = arith.constant 80 : i32
      %lt3A_261 = arith.cmpi slt, %add3A_259, %lt3A_260 : i32
      %convert_element_type3A_262 = arith.extui %lt3A_261 : i1 to i32
      %cond3A_263 = arith.constant 0 : i32
      %cond3A_264 = arith.cmpi ne, %convert_element_type3A_262, %cond3A_263 : i32
      scf.if %cond3A_264 {
        %add3A_285 = arith.constant 5 : i32
        %add3A_286 = arith.addi %mul3A_187, %add3A_285 : i32
        %add3A_287 = arith.constant 3 : i32
        %add3A_288 = arith.addi %add3A_286, %add3A_287 : i32
        %dma_start3A_289 = arith.constant 3 : i32
        %dma_start3A_290 = arith.constant 0 : i32
        %dma_start3A_291 = tpu.memref_slice %arg4[%add3A_288, %dma_start3A_290] : memref<80x125xi32, #tpu.memory_space<vmem>> -> memref<1x125xi32, #tpu.memory_space<vmem>>
        %dma_start3A_292 = tpu.memref_squeeze %dma_start3A_291 : memref<1x125xi32, #tpu.memory_space<vmem>> -> memref<125xi32, #tpu.memory_space<vmem>>
        %dma_start3A_293 = arith.constant 0 : i32
        %dma_start3A_294 = arith.constant 0 : i32
        %dma_start3A_295 = tpu.memref_slice %arg7[%dma_start3A_293, %dma_start3A_294] : memref<10000x16xf32, #tpu.memory_space<vmem_shared>> -> memref<10000x16xf32, #tpu.memory_space<vmem_shared>>
        %dma_start3A_296 = tpu.memref_slice %arg8[%dma_start3A_289] : memref<5x!tpu.dma_semaphore, #tpu.memory_space<semaphore_mem>> -> memref<1x!tpu.dma_semaphore, #tpu.memory_space<semaphore_mem>>
        %dma_start3A_297 = tpu.memref_squeeze %dma_start3A_296 : memref<1x!tpu.dma_semaphore, #tpu.memory_space<semaphore_mem>> -> memref<!tpu.dma_semaphore, #tpu.memory_space<semaphore_mem>>
        tpu.enqueue_indirect_dma source(%arg5 : memref<125x16xf32, #tpu.memory_space<vmem>>) target(%dma_start3A_295 : memref<10000x16xf32, #tpu.memory_space<vmem_shared>>) offsets(%dma_start3A_292 : memref<125xi32, #tpu.memory_space<vmem>>) semaphore(%dma_start3A_297 : memref<!tpu.dma_semaphore, #tpu.memory_space<semaphore_mem>>) {add = true}
      } else {
      }
      %add3A_265 = arith.constant 4 : i32
      %add3A_266 = arith.addi %mul3A_187, %add3A_265 : i32
      %dma_wait3A_267 = arith.constant 4 : i32
      %dma_wait3A_268 = arith.constant 0 : i32
      %dma_wait3A_269 = tpu.memref_slice %arg4[%add3A_266, %dma_wait3A_268] : memref<80x125xi32, #tpu.memory_space<vmem>> -> memref<1x125xi32, #tpu.memory_space<vmem>>
      %dma_wait3A_270 = tpu.memref_squeeze %dma_wait3A_269 : memref<1x125xi32, #tpu.memory_space<vmem>> -> memref<125xi32, #tpu.memory_space<vmem>>
      %dma_wait3A_271 = arith.constant 0 : i32
      %dma_wait3A_272 = arith.constant 0 : i32
      %dma_wait3A_273 = tpu.memref_slice %arg7[%dma_wait3A_271, %dma_wait3A_272] : memref<10000x16xf32, #tpu.memory_space<vmem_shared>> -> memref<10000x16xf32, #tpu.memory_space<vmem_shared>>
      %dma_wait3A_274 = tpu.memref_slice %arg8[%dma_wait3A_267] : memref<5x!tpu.dma_semaphore, #tpu.memory_space<semaphore_mem>> -> memref<1x!tpu.dma_semaphore, #tpu.memory_space<semaphore_mem>>
      %dma_wait3A_275 = tpu.memref_squeeze %dma_wait3A_274 : memref<1x!tpu.dma_semaphore, #tpu.memory_space<semaphore_mem>> -> memref<!tpu.dma_semaphore, #tpu.memory_space<semaphore_mem>>
      tpu.wait_indirect_dma semaphore(%dma_wait3A_275 : memref<!tpu.dma_semaphore, #tpu.memory_space<semaphore_mem>>) src(%arg5 : memref<125x16xf32, #tpu.memory_space<vmem>>) dst(%dma_wait3A_273 : memref<10000x16xf32, #tpu.memory_space<vmem_shared>>)
      %add3A_276 = arith.constant 5 : i32
      %add3A_277 = arith.addi %mul3A_187, %add3A_276 : i32
      %add3A_278 = arith.constant 4 : i32
      %add3A_279 = arith.addi %add3A_277, %add3A_278 : i32
      %lt3A_280 = arith.constant 80 : i32
      %lt3A_281 = arith.cmpi slt, %add3A_279, %lt3A_280 : i32
      %convert_element_type3A_282 = arith.extui %lt3A_281 : i1 to i32
      %cond3A_283 = arith.constant 0 : i32
      %cond3A_284 = arith.cmpi ne, %convert_element_type3A_282, %cond3A_283 : i32
      scf.if %cond3A_284 {
        %add3A_285 = arith.constant 5 : i32
        %add3A_286 = arith.addi %mul3A_187, %add3A_285 : i32
        %add3A_287 = arith.constant 4 : i32
        %add3A_288 = arith.addi %add3A_286, %add3A_287 : i32
        %dma_start3A_289 = arith.constant 4 : i32
        %dma_start3A_290 = arith.constant 0 : i32
        %dma_start3A_291 = tpu.memref_slice %arg4[%add3A_288, %dma_start3A_290] : memref<80x125xi32, #tpu.memory_space<vmem>> -> memref<1x125xi32, #tpu.memory_space<vmem>>
        %dma_start3A_292 = tpu.memref_squeeze %dma_start3A_291 : memref<1x125xi32, #tpu.memory_space<vmem>> -> memref<125xi32, #tpu.memory_space<vmem>>
        %dma_start3A_293 = arith.constant 0 : i32
        %dma_start3A_294 = arith.constant 0 : i32
        %dma_start3A_295 = tpu.memref_slice %arg7[%dma_start3A_293, %dma_start3A_294] : memref<10000x16xf32, #tpu.memory_space<vmem_shared>> -> memref<10000x16xf32, #tpu.memory_space<vmem_shared>>
        %dma_start3A_296 = tpu.memref_slice %arg8[%dma_start3A_289] : memref<5x!tpu.dma_semaphore, #tpu.memory_space<semaphore_mem>> -> memref<1x!tpu.dma_semaphore, #tpu.memory_space<semaphore_mem>>
        %dma_start3A_297 = tpu.memref_squeeze %dma_start3A_296 : memref<1x!tpu.dma_semaphore, #tpu.memory_space<semaphore_mem>> -> memref<!tpu.dma_semaphore, #tpu.memory_space<semaphore_mem>>
        tpu.enqueue_indirect_dma source(%arg5 : memref<125x16xf32, #tpu.memory_space<vmem>>) target(%dma_start3A_295 : memref<10000x16xf32, #tpu.memory_space<vmem_shared>>) offsets(%dma_start3A_292 : memref<125xi32, #tpu.memory_space<vmem>>) semaphore(%dma_start3A_297 : memref<!tpu.dma_semaphore, #tpu.memory_space<semaphore_mem>>) {add = true}
      } else {
      }
    }
    %scan3A_177 = arith.constant 16 : i32
    %barrier3A_178 = arith.constant 0 : index
    tpu.barrier barrier_id(%barrier3A_178)
    %mul3A_179 = arith.constant 625 : i32
    %mul3A_180 = arith.muli %arg1, %mul3A_179 : i32
    "tpu.region"() ({
      %run_scoped3A = tpu.sem_alloc : memref<!tpu.dma_semaphore, #tpu.memory_space<semaphore_mem>>
      %dma_start3A_181 = arith.constant 0 : i32
      %dma_start3A_182 = tpu.memref_slice %arg3[%arg0, %mul3A_180, %dma_start3A_181] : memref<2x10000x16xf32, #tpu.memory_space<hbm>> -> memref<1x625x16xf32, #tpu.memory_space<hbm>>
      %dma_start3A_183 = tpu.memref_squeeze %dma_start3A_182 : memref<1x625x16xf32, #tpu.memory_space<hbm>> -> memref<625x16xf32, #tpu.memory_space<hbm>>
      %dma_start3A_184 = arith.constant 0 : i32
      %dma_start3A_185 = tpu.memref_slice %arg7[%mul3A_180, %dma_start3A_184] : memref<10000x16xf32, #tpu.memory_space<vmem_shared>> -> memref<625x16xf32, #tpu.memory_space<vmem_shared>>
      tpu.enqueue_dma source(%dma_start3A_185 : memref<625x16xf32, #tpu.memory_space<vmem_shared>>) target(%dma_start3A_183 : memref<625x16xf32, #tpu.memory_space<hbm>>) target_semaphore(%run_scoped3A : memref<!tpu.dma_semaphore, #tpu.memory_space<semaphore_mem>>)
      %dma_wait3A_186 = arith.constant 0 : i32
      %dma_wait3A_187 = tpu.memref_slice %arg3[%arg0, %mul3A_180, %dma_wait3A_186] : memref<2x10000x16xf32, #tpu.memory_space<hbm>> -> memref<1x625x16xf32, #tpu.memory_space<hbm>>
      %dma_wait3A_188 = tpu.memref_squeeze %dma_wait3A_187 : memref<1x625x16xf32, #tpu.memory_space<hbm>> -> memref<625x16xf32, #tpu.memory_space<hbm>>
      %dma_wait3A_189 = arith.constant 0 : i32
      %dma_wait3A_190 = tpu.memref_slice %arg7[%mul3A_180, %dma_wait3A_189] : memref<10000x16xf32, #tpu.memory_space<vmem_shared>> -> memref<625x16xf32, #tpu.memory_space<vmem_shared>>
      tpu.wait_dma2 semaphore(%run_scoped3A : memref<!tpu.dma_semaphore, #tpu.memory_space<semaphore_mem>>) src(%dma_wait3A_190 : memref<625x16xf32, #tpu.memory_space<vmem_shared>>) dst(%dma_wait3A_188 : memref<625x16xf32, #tpu.memory_space<hbm>>)
      tpu.yield
    }) : () -> ()
    return
  }
}

#map = affine_map<(d0, d1) -> (0, 0)>
#map1 = affine_map<(d0, d1) -> (0, 0, 0)>
module attributes {stable_mosaic.version = 14 : i64} {
  func.func @_sc_conv_body(%arg0: i32, %arg1: i32, %arg2: memref<10000x64xf32, #tpu.memory_space<hbm>>, %arg3: memref<2560x125xi32, #tpu.memory_space<hbm>>, %arg4: memref<2560x125xi32, #tpu.memory_space<hbm>>, %arg5: memref<2x10000x64xf32, #tpu.memory_space<hbm>>, %arg6: memref<80x125xi32, #tpu.memory_space<vmem>>, %arg7: memref<80x125xi32, #tpu.memory_space<vmem>>, %arg8: memref<125x64xf32, #tpu.memory_space<vmem>>, %arg9: memref<125x64xf32, #tpu.memory_space<vmem>>, %arg10: memref<125x64xf32, #tpu.memory_space<vmem>>, %arg11: memref<125x64xf32, #tpu.memory_space<vmem>>, %arg12: memref<125x64xf32, #tpu.memory_space<vmem>>, %arg13: memref<125x64xf32, #tpu.memory_space<vmem>>, %arg14: memref<125x64xf32, #tpu.memory_space<vmem>>, %arg15: memref<125x64xf32, #tpu.memory_space<vmem>>, %arg16: memref<10000x64xf32, #tpu.memory_space<vmem_shared>>, %arg17: memref<!tpu.dma_semaphore, #tpu.memory_space<semaphore_mem>>, %arg18: memref<!tpu.dma_semaphore, #tpu.memory_space<semaphore_mem>>, %arg19: memref<!tpu.dma_semaphore, #tpu.memory_space<semaphore_mem>>, %arg20: memref<!tpu.dma_semaphore, #tpu.memory_space<semaphore_mem>>, %arg21: memref<!tpu.dma_semaphore, #tpu.memory_space<semaphore_mem>>, %arg22: memref<!tpu.dma_semaphore, #tpu.memory_space<semaphore_mem>>, %arg23: memref<!tpu.dma_semaphore, #tpu.memory_space<semaphore_mem>>, %arg24: memref<!tpu.dma_semaphore, #tpu.memory_space<semaphore_mem>>, %arg25: memref<!tpu.dma_semaphore, #tpu.memory_space<semaphore_mem>>, %arg26: memref<!tpu.dma_semaphore, #tpu.memory_space<semaphore_mem>>, %arg27: memref<!tpu.dma_semaphore, #tpu.memory_space<semaphore_mem>>, %arg28: memref<!tpu.dma_semaphore, #tpu.memory_space<semaphore_mem>>, %arg29: memref<!tpu.dma_semaphore, #tpu.memory_space<semaphore_mem>>, %arg30: memref<!tpu.dma_semaphore, #tpu.memory_space<semaphore_mem>>, %arg31: memref<!tpu.dma_semaphore, #tpu.memory_space<semaphore_mem>>, %arg32: memref<!tpu.dma_semaphore, #tpu.memory_space<semaphore_mem>>) attributes {dimension_semantics = [#tpu.dimension_semantics<core_parallel>, #tpu.dimension_semantics<subcore_parallel>], iteration_bounds = array<i64: 2, 16>, scalar_prefetch = 0 : i64, scratch_operands = 27 : i64, tpu.core_type = #tpu.core_type<sc_vector_subcore>, window_params = [{transform_indices = #map}, {transform_indices = #map}, {transform_indices = #map}, {transform_indices = #map1}]} {
    %mul3A = arith.constant 2 : i32
    %mul3A_0 = arith.muli %arg1, %mul3A : i32
    %add3A = arith.addi %mul3A_0, %arg0 : i32
    %broadcast_in_dim3A = arith.constant 0.000000e+00 : f32
    %broadcast_in_dim3A_1 = vector.broadcast %broadcast_in_dim3A : f32 to vector<16xf32>
    %scan3A = arith.constant 0 : i32
    %scan3A_2 = arith.constant 125 : i32
    %scan3A_3 = arith.addi %scan3A, %scan3A_2 : i32
    %scan3A_4 = arith.constant 1 : i32
    scf.for %scan3A_150 = %scan3A to %scan3A_3 step %scan3A_4  : i32 {
      %mul3A_151 = arith.constant 1 : i32
      %mul3A_152 = arith.muli %scan3A_150, %mul3A_151 : i32
      %add3A_153 = arith.constant 0 : i32
      %add3A_154 = arith.addi %add3A_153, %mul3A_152 : i32
      %swap3A = arith.index_cast %add3A_154 : i32 to index
      %swap3A_155 = arith.constant 0 : index
      %swap3A_156 = tpu.vector_load %arg8[%swap3A, %swap3A_155] {strides = array<i32>} : memref<125x64xf32, #tpu.memory_space<vmem>>, vector<1x16xf32>,
      %swap3A_157 = vector.shape_cast %swap3A_156 : vector<1x16xf32> to vector<16xf32>
      %swap3A_158 = vector.shape_cast %broadcast_in_dim3A_1 : vector<16xf32> to vector<1x16xf32>
      tpu.vector_store %arg8[%swap3A, %swap3A_155], %swap3A_158 {strides = array<i32>} : memref<125x64xf32, #tpu.memory_space<vmem>>, vector<1x16xf32>,
      %swap3A_159 = arith.index_cast %add3A_154 : i32 to index
      %swap3A_160 = arith.constant 16 : index
      %swap3A_161 = tpu.vector_load %arg8[%swap3A_159, %swap3A_160] {strides = array<i32>} : memref<125x64xf32, #tpu.memory_space<vmem>>, vector<1x16xf32>,
      %swap3A_162 = vector.shape_cast %swap3A_161 : vector<1x16xf32> to vector<16xf32>
      %swap3A_163 = vector.shape_cast %broadcast_in_dim3A_1 : vector<16xf32> to vector<1x16xf32>
      tpu.vector_store %arg8[%swap3A_159, %swap3A_160], %swap3A_163 {strides = array<i32>} : memref<125x64xf32, #tpu.memory_space<vmem>>, vector<1x16xf32>,
      %swap3A_164 = arith.index_cast %add3A_154 : i32 to index
      %swap3A_165 = arith.constant 32 : index
      %swap3A_166 = tpu.vector_load %arg8[%swap3A_164, %swap3A_165] {strides = array<i32>} : memref<125x64xf32, #tpu.memory_space<vmem>>, vector<1x16xf32>,
      %swap3A_167 = vector.shape_cast %swap3A_166 : vector<1x16xf32> to vector<16xf32>
      %swap3A_168 = vector.shape_cast %broadcast_in_dim3A_1 : vector<16xf32> to vector<1x16xf32>
      tpu.vector_store %arg8[%swap3A_164, %swap3A_165], %swap3A_168 {strides = array<i32>} : memref<125x64xf32, #tpu.memory_space<vmem>>, vector<1x16xf32>,
      %swap3A_169 = arith.index_cast %add3A_154 : i32 to index
      %swap3A_170 = arith.constant 48 : index
      %swap3A_171 = tpu.vector_load %arg8[%swap3A_169, %swap3A_170] {strides = array<i32>} : memref<125x64xf32, #tpu.memory_space<vmem>>, vector<1x16xf32>,
      %swap3A_172 = vector.shape_cast %swap3A_171 : vector<1x16xf32> to vector<16xf32>
      %swap3A_173 = vector.shape_cast %broadcast_in_dim3A_1 : vector<16xf32> to vector<1x16xf32>
      tpu.vector_store %arg8[%swap3A_169, %swap3A_170], %swap3A_173 {strides = array<i32>} : memref<125x64xf32, #tpu.memory_space<vmem>>, vector<1x16xf32>,
    }
    %scan3A_5 = arith.constant 125 : i32
    %mul3A_6 = arith.constant 625 : i32
    %mul3A_7 = arith.muli %arg1, %mul3A_6 : i32
    %add3A_8 = arith.constant 0 : i32
    %add3A_9 = arith.addi %mul3A_7, %add3A_8 : i32
    %dma_start3A = arith.constant 0 : i32
    %dma_start3A_10 = tpu.memref_slice %arg16[%add3A_9, %dma_start3A] : memref<10000x64xf32, #tpu.memory_space<vmem_shared>> -> memref<125x64xf32, #tpu.memory_space<vmem_shared>>
    %dma_start3A_11 = arith.constant 0 : i32
    %dma_start3A_12 = tpu.memref_slice %arg16[%add3A_9, %dma_start3A_11] : memref<10000x64xf32, #tpu.memory_space<vmem_shared>> -> memref<125x64xf32, #tpu.memory_space<vmem_shared>>
    tpu.enqueue_dma source(%arg8 : memref<125x64xf32, #tpu.memory_space<vmem>>) target(%dma_start3A_12 : memref<125x64xf32, #tpu.memory_space<vmem_shared>>) target_semaphore(%arg25 : memref<!tpu.dma_semaphore, #tpu.memory_space<semaphore_mem>>)
    %mul3A_13 = arith.constant 625 : i32
    %mul3A_14 = arith.muli %arg1, %mul3A_13 : i32
    %add3A_15 = arith.constant 125 : i32
    %add3A_16 = arith.addi %mul3A_14, %add3A_15 : i32
    %dma_start3A_17 = arith.constant 0 : i32
    %dma_start3A_18 = tpu.memref_slice %arg16[%add3A_16, %dma_start3A_17] : memref<10000x64xf32, #tpu.memory_space<vmem_shared>> -> memref<125x64xf32, #tpu.memory_space<vmem_shared>>
    %dma_start3A_19 = arith.constant 0 : i32
    %dma_start3A_20 = tpu.memref_slice %arg16[%add3A_16, %dma_start3A_19] : memref<10000x64xf32, #tpu.memory_space<vmem_shared>> -> memref<125x64xf32, #tpu.memory_space<vmem_shared>>
    tpu.enqueue_dma source(%arg8 : memref<125x64xf32, #tpu.memory_space<vmem>>) target(%dma_start3A_20 : memref<125x64xf32, #tpu.memory_space<vmem_shared>>) target_semaphore(%arg26 : memref<!tpu.dma_semaphore, #tpu.memory_space<semaphore_mem>>)
    %mul3A_21 = arith.constant 625 : i32
    %mul3A_22 = arith.muli %arg1, %mul3A_21 : i32
    %add3A_23 = arith.constant 250 : i32
    %add3A_24 = arith.addi %mul3A_22, %add3A_23 : i32
    %dma_start3A_25 = arith.constant 0 : i32
    %dma_start3A_26 = tpu.memref_slice %arg16[%add3A_24, %dma_start3A_25] : memref<10000x64xf32, #tpu.memory_space<vmem_shared>> -> memref<125x64xf32, #tpu.memory_space<vmem_shared>>
    %dma_start3A_27 = arith.constant 0 : i32
    %dma_start3A_28 = tpu.memref_slice %arg16[%add3A_24, %dma_start3A_27] : memref<10000x64xf32, #tpu.memory_space<vmem_shared>> -> memref<125x64xf32, #tpu.memory_space<vmem_shared>>
    tpu.enqueue_dma source(%arg8 : memref<125x64xf32, #tpu.memory_space<vmem>>) target(%dma_start3A_28 : memref<125x64xf32, #tpu.memory_space<vmem_shared>>) target_semaphore(%arg27 : memref<!tpu.dma_semaphore, #tpu.memory_space<semaphore_mem>>)
    %mul3A_29 = arith.constant 625 : i32
    %mul3A_30 = arith.muli %arg1, %mul3A_29 : i32
    %add3A_31 = arith.constant 375 : i32
    %add3A_32 = arith.addi %mul3A_30, %add3A_31 : i32
    %dma_start3A_33 = arith.constant 0 : i32
    %dma_start3A_34 = tpu.memref_slice %arg16[%add3A_32, %dma_start3A_33] : memref<10000x64xf32, #tpu.memory_space<vmem_shared>> -> memref<125x64xf32, #tpu.memory_space<vmem_shared>>
    %dma_start3A_35 = arith.constant 0 : i32
    %dma_start3A_36 = tpu.memref_slice %arg16[%add3A_32, %dma_start3A_35] : memref<10000x64xf32, #tpu.memory_space<vmem_shared>> -> memref<125x64xf32, #tpu.memory_space<vmem_shared>>
    tpu.enqueue_dma source(%arg8 : memref<125x64xf32, #tpu.memory_space<vmem>>) target(%dma_start3A_36 : memref<125x64xf32, #tpu.memory_space<vmem_shared>>) target_semaphore(%arg28 : memref<!tpu.dma_semaphore, #tpu.memory_space<semaphore_mem>>)
    %mul3A_37 = arith.constant 625 : i32
    %mul3A_38 = arith.muli %arg1, %mul3A_37 : i32
    %add3A_39 = arith.constant 500 : i32
    %add3A_40 = arith.addi %mul3A_38, %add3A_39 : i32
    %dma_start3A_41 = arith.constant 0 : i32
    %dma_start3A_42 = tpu.memref_slice %arg16[%add3A_40, %dma_start3A_41] : memref<10000x64xf32, #tpu.memory_space<vmem_shared>> -> memref<125x64xf32, #tpu.memory_space<vmem_shared>>
    %dma_start3A_43 = arith.constant 0 : i32
    %dma_start3A_44 = tpu.memref_slice %arg16[%add3A_40, %dma_start3A_43] : memref<10000x64xf32, #tpu.memory_space<vmem_shared>> -> memref<125x64xf32, #tpu.memory_space<vmem_shared>>
    tpu.enqueue_dma source(%arg8 : memref<125x64xf32, #tpu.memory_space<vmem>>) target(%dma_start3A_44 : memref<125x64xf32, #tpu.memory_space<vmem_shared>>) target_semaphore(%arg29 : memref<!tpu.dma_semaphore, #tpu.memory_space<semaphore_mem>>)
    %mul3A_45 = arith.constant 80 : i32
    %mul3A_46 = arith.muli %add3A, %mul3A_45 : i32
    "tpu.region"() ({
      %run_scoped3A = tpu.sem_alloc : memref<!tpu.dma_semaphore, #tpu.memory_space<semaphore_mem>>
      %dma_start3A_150 = arith.constant 0 : i32
      %dma_start3A_151 = tpu.memref_slice %arg3[%mul3A_46, %dma_start3A_150] : memref<2560x125xi32, #tpu.memory_space<hbm>> -> memref<80x125xi32, #tpu.memory_space<hbm>>
      %dma_start3A_152 = arith.constant 0 : i32
      %dma_start3A_153 = tpu.memref_slice %arg3[%mul3A_46, %dma_start3A_152] : memref<2560x125xi32, #tpu.memory_space<hbm>> -> memref<80x125xi32, #tpu.memory_space<hbm>>
      tpu.enqueue_dma source(%dma_start3A_153 : memref<80x125xi32, #tpu.memory_space<hbm>>) target(%arg6 : memref<80x125xi32, #tpu.memory_space<vmem>>) target_semaphore(%run_scoped3A : memref<!tpu.dma_semaphore, #tpu.memory_space<semaphore_mem>>)
      %dma_wait3A_154 = arith.constant 0 : i32
      %dma_wait3A_155 = tpu.memref_slice %arg3[%mul3A_46, %dma_wait3A_154] : memref<2560x125xi32, #tpu.memory_space<hbm>> -> memref<80x125xi32, #tpu.memory_space<hbm>>
      %dma_wait3A_156 = arith.constant 0 : i32
      %dma_wait3A_157 = tpu.memref_slice %arg3[%mul3A_46, %dma_wait3A_156] : memref<2560x125xi32, #tpu.memory_space<hbm>> -> memref<80x125xi32, #tpu.memory_space<hbm>>
      tpu.wait_dma2 semaphore(%run_scoped3A : memref<!tpu.dma_semaphore, #tpu.memory_space<semaphore_mem>>) src(%dma_wait3A_157 : memref<80x125xi32, #tpu.memory_space<hbm>>) dst(%arg6 : memref<80x125xi32, #tpu.memory_space<vmem>>)
      tpu.yield
    }) : () -> ()
    "tpu.region"() ({
      %run_scoped3A = tpu.sem_alloc : memref<!tpu.dma_semaphore, #tpu.memory_space<semaphore_mem>>
      %dma_start3A_150 = arith.constant 0 : i32
      %dma_start3A_151 = tpu.memref_slice %arg4[%mul3A_46, %dma_start3A_150] : memref<2560x125xi32, #tpu.memory_space<hbm>> -> memref<80x125xi32, #tpu.memory_space<hbm>>
      %dma_start3A_152 = arith.constant 0 : i32
      %dma_start3A_153 = tpu.memref_slice %arg4[%mul3A_46, %dma_start3A_152] : memref<2560x125xi32, #tpu.memory_space<hbm>> -> memref<80x125xi32, #tpu.memory_space<hbm>>
      tpu.enqueue_dma source(%dma_start3A_153 : memref<80x125xi32, #tpu.memory_space<hbm>>) target(%arg7 : memref<80x125xi32, #tpu.memory_space<vmem>>) target_semaphore(%run_scoped3A : memref<!tpu.dma_semaphore, #tpu.memory_space<semaphore_mem>>)
      %dma_wait3A_154 = arith.constant 0 : i32
      %dma_wait3A_155 = tpu.memref_slice %arg4[%mul3A_46, %dma_wait3A_154] : memref<2560x125xi32, #tpu.memory_space<hbm>> -> memref<80x125xi32, #tpu.memory_space<hbm>>
      %dma_wait3A_156 = arith.constant 0 : i32
      %dma_wait3A_157 = tpu.memref_slice %arg4[%mul3A_46, %dma_wait3A_156] : memref<2560x125xi32, #tpu.memory_space<hbm>> -> memref<80x125xi32, #tpu.memory_space<hbm>>
      tpu.wait_dma2 semaphore(%run_scoped3A : memref<!tpu.dma_semaphore, #tpu.memory_space<semaphore_mem>>) src(%dma_wait3A_157 : memref<80x125xi32, #tpu.memory_space<hbm>>) dst(%arg7 : memref<80x125xi32, #tpu.memory_space<vmem>>)
      tpu.yield
    }) : () -> ()
    %mul3A_47 = arith.constant 625 : i32
    %mul3A_48 = arith.muli %arg1, %mul3A_47 : i32
    %add3A_49 = arith.constant 0 : i32
    %add3A_50 = arith.addi %mul3A_48, %add3A_49 : i32
    %dma_wait3A = arith.constant 0 : i32
    %dma_wait3A_51 = tpu.memref_slice %arg16[%add3A_50, %dma_wait3A] : memref<10000x64xf32, #tpu.memory_space<vmem_shared>> -> memref<125x64xf32, #tpu.memory_space<vmem_shared>>
    %dma_wait3A_52 = arith.constant 0 : i32
    %dma_wait3A_53 = tpu.memref_slice %arg16[%add3A_50, %dma_wait3A_52] : memref<10000x64xf32, #tpu.memory_space<vmem_shared>> -> memref<125x64xf32, #tpu.memory_space<vmem_shared>>
    tpu.wait_dma2 semaphore(%arg25 : memref<!tpu.dma_semaphore, #tpu.memory_space<semaphore_mem>>) src(%arg8 : memref<125x64xf32, #tpu.memory_space<vmem>>) dst(%dma_wait3A_53 : memref<125x64xf32, #tpu.memory_space<vmem_shared>>)
    %mul3A_54 = arith.constant 625 : i32
    %mul3A_55 = arith.muli %arg1, %mul3A_54 : i32
    %add3A_56 = arith.constant 125 : i32
    %add3A_57 = arith.addi %mul3A_55, %add3A_56 : i32
    %dma_wait3A_58 = arith.constant 0 : i32
    %dma_wait3A_59 = tpu.memref_slice %arg16[%add3A_57, %dma_wait3A_58] : memref<10000x64xf32, #tpu.memory_space<vmem_shared>> -> memref<125x64xf32, #tpu.memory_space<vmem_shared>>
    %dma_wait3A_60 = arith.constant 0 : i32
    %dma_wait3A_61 = tpu.memref_slice %arg16[%add3A_57, %dma_wait3A_60] : memref<10000x64xf32, #tpu.memory_space<vmem_shared>> -> memref<125x64xf32, #tpu.memory_space<vmem_shared>>
    tpu.wait_dma2 semaphore(%arg26 : memref<!tpu.dma_semaphore, #tpu.memory_space<semaphore_mem>>) src(%arg8 : memref<125x64xf32, #tpu.memory_space<vmem>>) dst(%dma_wait3A_61 : memref<125x64xf32, #tpu.memory_space<vmem_shared>>)
    %mul3A_62 = arith.constant 625 : i32
    %mul3A_63 = arith.muli %arg1, %mul3A_62 : i32
    %add3A_64 = arith.constant 250 : i32
    %add3A_65 = arith.addi %mul3A_63, %add3A_64 : i32
    %dma_wait3A_66 = arith.constant 0 : i32
    %dma_wait3A_67 = tpu.memref_slice %arg16[%add3A_65, %dma_wait3A_66] : memref<10000x64xf32, #tpu.memory_space<vmem_shared>> -> memref<125x64xf32, #tpu.memory_space<vmem_shared>>
    %dma_wait3A_68 = arith.constant 0 : i32
    %dma_wait3A_69 = tpu.memref_slice %arg16[%add3A_65, %dma_wait3A_68] : memref<10000x64xf32, #tpu.memory_space<vmem_shared>> -> memref<125x64xf32, #tpu.memory_space<vmem_shared>>
    tpu.wait_dma2 semaphore(%arg27 : memref<!tpu.dma_semaphore, #tpu.memory_space<semaphore_mem>>) src(%arg8 : memref<125x64xf32, #tpu.memory_space<vmem>>) dst(%dma_wait3A_69 : memref<125x64xf32, #tpu.memory_space<vmem_shared>>)
    %mul3A_70 = arith.constant 625 : i32
    %mul3A_71 = arith.muli %arg1, %mul3A_70 : i32
    %add3A_72 = arith.constant 375 : i32
    %add3A_73 = arith.addi %mul3A_71, %add3A_72 : i32
    %dma_wait3A_74 = arith.constant 0 : i32
    %dma_wait3A_75 = tpu.memref_slice %arg16[%add3A_73, %dma_wait3A_74] : memref<10000x64xf32, #tpu.memory_space<vmem_shared>> -> memref<125x64xf32, #tpu.memory_space<vmem_shared>>
    %dma_wait3A_76 = arith.constant 0 : i32
    %dma_wait3A_77 = tpu.memref_slice %arg16[%add3A_73, %dma_wait3A_76] : memref<10000x64xf32, #tpu.memory_space<vmem_shared>> -> memref<125x64xf32, #tpu.memory_space<vmem_shared>>
    tpu.wait_dma2 semaphore(%arg28 : memref<!tpu.dma_semaphore, #tpu.memory_space<semaphore_mem>>) src(%arg8 : memref<125x64xf32, #tpu.memory_space<vmem>>) dst(%dma_wait3A_77 : memref<125x64xf32, #tpu.memory_space<vmem_shared>>)
    %mul3A_78 = arith.constant 625 : i32
    %mul3A_79 = arith.muli %arg1, %mul3A_78 : i32
    %add3A_80 = arith.constant 500 : i32
    %add3A_81 = arith.addi %mul3A_79, %add3A_80 : i32
    %dma_wait3A_82 = arith.constant 0 : i32
    %dma_wait3A_83 = tpu.memref_slice %arg16[%add3A_81, %dma_wait3A_82] : memref<10000x64xf32, #tpu.memory_space<vmem_shared>> -> memref<125x64xf32, #tpu.memory_space<vmem_shared>>
    %dma_wait3A_84 = arith.constant 0 : i32
    %dma_wait3A_85 = tpu.memref_slice %arg16[%add3A_81, %dma_wait3A_84] : memref<10000x64xf32, #tpu.memory_space<vmem_shared>> -> memref<125x64xf32, #tpu.memory_space<vmem_shared>>
    tpu.wait_dma2 semaphore(%arg29 : memref<!tpu.dma_semaphore, #tpu.memory_space<semaphore_mem>>) src(%arg8 : memref<125x64xf32, #tpu.memory_space<vmem>>) dst(%dma_wait3A_85 : memref<125x64xf32, #tpu.memory_space<vmem_shared>>)
    %barrier3A = arith.constant 0 : index
    tpu.barrier barrier_id(%barrier3A)
    %dma_start3A_86 = arith.constant 0 : i32
    %dma_start3A_87 = arith.constant 0 : i32
    %dma_start3A_88 = tpu.memref_slice %arg6[%dma_start3A_86, %dma_start3A_87] : memref<80x125xi32, #tpu.memory_space<vmem>> -> memref<1x125xi32, #tpu.memory_space<vmem>>
    %dma_start3A_89 = tpu.memref_squeeze %dma_start3A_88 : memref<1x125xi32, #tpu.memory_space<vmem>> -> memref<125xi32, #tpu.memory_space<vmem>>
    %dma_start3A_90 = arith.constant 0 : i32
    %dma_start3A_91 = arith.constant 0 : i32
    %dma_start3A_92 = tpu.memref_slice %arg2[%dma_start3A_90, %dma_start3A_91] : memref<10000x64xf32, #tpu.memory_space<hbm>> -> memref<10000x64xf32, #tpu.memory_space<hbm>>
    tpu.enqueue_indirect_dma source(%dma_start3A_92 : memref<10000x64xf32, #tpu.memory_space<hbm>>) target(%arg8 : memref<125x64xf32, #tpu.memory_space<vmem>>) offsets(%dma_start3A_89 : memref<125xi32, #tpu.memory_space<vmem>>) semaphore(%arg17 : memref<!tpu.dma_semaphore, #tpu.memory_space<semaphore_mem>>)
    %dma_start3A_93 = arith.constant 1 : i32
    %dma_start3A_94 = arith.constant 0 : i32
    %dma_start3A_95 = tpu.memref_slice %arg6[%dma_start3A_93, %dma_start3A_94] : memref<80x125xi32, #tpu.memory_space<vmem>> -> memref<1x125xi32, #tpu.memory_space<vmem>>
    %dma_start3A_96 = tpu.memref_squeeze %dma_start3A_95 : memref<1x125xi32, #tpu.memory_space<vmem>> -> memref<125xi32, #tpu.memory_space<vmem>>
    %dma_start3A_97 = arith.constant 0 : i32
    %dma_start3A_98 = arith.constant 0 : i32
    %dma_start3A_99 = tpu.memref_slice %arg2[%dma_start3A_97, %dma_start3A_98] : memref<10000x64xf32, #tpu.memory_space<hbm>> -> memref<10000x64xf32, #tpu.memory_space<hbm>>
    tpu.enqueue_indirect_dma source(%dma_start3A_99 : memref<10000x64xf32, #tpu.memory_space<hbm>>) target(%arg9 : memref<125x64xf32, #tpu.memory_space<vmem>>) offsets(%dma_start3A_96 : memref<125xi32, #tpu.memory_space<vmem>>) semaphore(%arg18 : memref<!tpu.dma_semaphore, #tpu.memory_space<semaphore_mem>>)
    %dma_start3A_100 = arith.constant 2 : i32
    %dma_start3A_101 = arith.constant 0 : i32
    %dma_start3A_102 = tpu.memref_slice %arg6[%dma_start3A_100, %dma_start3A_101] : memref<80x125xi32, #tpu.memory_space<vmem>> -> memref<1x125xi32, #tpu.memory_space<vmem>>
    %dma_start3A_103 = tpu.memref_squeeze %dma_start3A_102 : memref<1x125xi32, #tpu.memory_space<vmem>> -> memref<125xi32, #tpu.memory_space<vmem>>
    %dma_start3A_104 = arith.constant 0 : i32
    %dma_start3A_105 = arith.constant 0 : i32
    %dma_start3A_106 = tpu.memref_slice %arg2[%dma_start3A_104, %dma_start3A_105] : memref<10000x64xf32, #tpu.memory_space<hbm>> -> memref<10000x64xf32, #tpu.memory_space<hbm>>
    tpu.enqueue_indirect_dma source(%dma_start3A_106 : memref<10000x64xf32, #tpu.memory_space<hbm>>) target(%arg10 : memref<125x64xf32, #tpu.memory_space<vmem>>) offsets(%dma_start3A_103 : memref<125xi32, #tpu.memory_space<vmem>>) semaphore(%arg19 : memref<!tpu.dma_semaphore, #tpu.memory_space<semaphore_mem>>)
    %dma_start3A_107 = arith.constant 3 : i32
    %dma_start3A_108 = arith.constant 0 : i32
    %dma_start3A_109 = tpu.memref_slice %arg6[%dma_start3A_107, %dma_start3A_108] : memref<80x125xi32, #tpu.memory_space<vmem>> -> memref<1x125xi32, #tpu.memory_space<vmem>>
    %dma_start3A_110 = tpu.memref_squeeze %dma_start3A_109 : memref<1x125xi32, #tpu.memory_space<vmem>> -> memref<125xi32, #tpu.memory_space<vmem>>
    %dma_start3A_111 = arith.constant 0 : i32
    %dma_start3A_112 = arith.constant 0 : i32
    %dma_start3A_113 = tpu.memref_slice %arg2[%dma_start3A_111, %dma_start3A_112] : memref<10000x64xf32, #tpu.memory_space<hbm>> -> memref<10000x64xf32, #tpu.memory_space<hbm>>
    tpu.enqueue_indirect_dma source(%dma_start3A_113 : memref<10000x64xf32, #tpu.memory_space<hbm>>) target(%arg11 : memref<125x64xf32, #tpu.memory_space<vmem>>) offsets(%dma_start3A_110 : memref<125xi32, #tpu.memory_space<vmem>>) semaphore(%arg20 : memref<!tpu.dma_semaphore, #tpu.memory_space<semaphore_mem>>)
    %dma_start3A_114 = arith.constant 4 : i32
    %dma_start3A_115 = arith.constant 0 : i32
    %dma_start3A_116 = tpu.memref_slice %arg6[%dma_start3A_114, %dma_start3A_115] : memref<80x125xi32, #tpu.memory_space<vmem>> -> memref<1x125xi32, #tpu.memory_space<vmem>>
    %dma_start3A_117 = tpu.memref_squeeze %dma_start3A_116 : memref<1x125xi32, #tpu.memory_space<vmem>> -> memref<125xi32, #tpu.memory_space<vmem>>
    %dma_start3A_118 = arith.constant 0 : i32
    %dma_start3A_119 = arith.constant 0 : i32
    %dma_start3A_120 = tpu.memref_slice %arg2[%dma_start3A_118, %dma_start3A_119] : memref<10000x64xf32, #tpu.memory_space<hbm>> -> memref<10000x64xf32, #tpu.memory_space<hbm>>
    tpu.enqueue_indirect_dma source(%dma_start3A_120 : memref<10000x64xf32, #tpu.memory_space<hbm>>) target(%arg12 : memref<125x64xf32, #tpu.memory_space<vmem>>) offsets(%dma_start3A_117 : memref<125xi32, #tpu.memory_space<vmem>>) semaphore(%arg21 : memref<!tpu.dma_semaphore, #tpu.memory_space<semaphore_mem>>)
    %dma_start3A_121 = arith.constant 5 : i32
    %dma_start3A_122 = arith.constant 0 : i32
    %dma_start3A_123 = tpu.memref_slice %arg6[%dma_start3A_121, %dma_start3A_122] : memref<80x125xi32, #tpu.memory_space<vmem>> -> memref<1x125xi32, #tpu.memory_space<vmem>>
    %dma_start3A_124 = tpu.memref_squeeze %dma_start3A_123 : memref<1x125xi32, #tpu.memory_space<vmem>> -> memref<125xi32, #tpu.memory_space<vmem>>
    %dma_start3A_125 = arith.constant 0 : i32
    %dma_start3A_126 = arith.constant 0 : i32
    %dma_start3A_127 = tpu.memref_slice %arg2[%dma_start3A_125, %dma_start3A_126] : memref<10000x64xf32, #tpu.memory_space<hbm>> -> memref<10000x64xf32, #tpu.memory_space<hbm>>
    tpu.enqueue_indirect_dma source(%dma_start3A_127 : memref<10000x64xf32, #tpu.memory_space<hbm>>) target(%arg13 : memref<125x64xf32, #tpu.memory_space<vmem>>) offsets(%dma_start3A_124 : memref<125xi32, #tpu.memory_space<vmem>>) semaphore(%arg22 : memref<!tpu.dma_semaphore, #tpu.memory_space<semaphore_mem>>)
    %dma_start3A_128 = arith.constant 6 : i32
    %dma_start3A_129 = arith.constant 0 : i32
    %dma_start3A_130 = tpu.memref_slice %arg6[%dma_start3A_128, %dma_start3A_129] : memref<80x125xi32, #tpu.memory_space<vmem>> -> memref<1x125xi32, #tpu.memory_space<vmem>>
    %dma_start3A_131 = tpu.memref_squeeze %dma_start3A_130 : memref<1x125xi32, #tpu.memory_space<vmem>> -> memref<125xi32, #tpu.memory_space<vmem>>
    %dma_start3A_132 = arith.constant 0 : i32
    %dma_start3A_133 = arith.constant 0 : i32
    %dma_start3A_134 = tpu.memref_slice %arg2[%dma_start3A_132, %dma_start3A_133] : memref<10000x64xf32, #tpu.memory_space<hbm>> -> memref<10000x64xf32, #tpu.memory_space<hbm>>
    tpu.enqueue_indirect_dma source(%dma_start3A_134 : memref<10000x64xf32, #tpu.memory_space<hbm>>) target(%arg14 : memref<125x64xf32, #tpu.memory_space<vmem>>) offsets(%dma_start3A_131 : memref<125xi32, #tpu.memory_space<vmem>>) semaphore(%arg23 : memref<!tpu.dma_semaphore, #tpu.memory_space<semaphore_mem>>)
    %dma_start3A_135 = arith.constant 7 : i32
    %dma_start3A_136 = arith.constant 0 : i32
    %dma_start3A_137 = tpu.memref_slice %arg6[%dma_start3A_135, %dma_start3A_136] : memref<80x125xi32, #tpu.memory_space<vmem>> -> memref<1x125xi32, #tpu.memory_space<vmem>>
    %dma_start3A_138 = tpu.memref_squeeze %dma_start3A_137 : memref<1x125xi32, #tpu.memory_space<vmem>> -> memref<125xi32, #tpu.memory_space<vmem>>
    %dma_start3A_139 = arith.constant 0 : i32
    %dma_start3A_140 = arith.constant 0 : i32
    %dma_start3A_141 = tpu.memref_slice %arg2[%dma_start3A_139, %dma_start3A_140] : memref<10000x64xf32, #tpu.memory_space<hbm>> -> memref<10000x64xf32, #tpu.memory_space<hbm>>
    tpu.enqueue_indirect_dma source(%dma_start3A_141 : memref<10000x64xf32, #tpu.memory_space<hbm>>) target(%arg15 : memref<125x64xf32, #tpu.memory_space<vmem>>) offsets(%dma_start3A_138 : memref<125xi32, #tpu.memory_space<vmem>>) semaphore(%arg24 : memref<!tpu.dma_semaphore, #tpu.memory_space<semaphore_mem>>)
    %scan3A_142 = arith.constant 0 : i32
    %scan3A_143 = arith.constant 10 : i32
    %scan3A_144 = arith.addi %scan3A_142, %scan3A_143 : i32
    %scan3A_145 = arith.constant 1 : i32
    scf.for %scan3A_150 = %scan3A_142 to %scan3A_144 step %scan3A_145  : i32 {
      %mul3A_151 = arith.constant 1 : i32
      %mul3A_152 = arith.muli %scan3A_150, %mul3A_151 : i32
      %add3A_153 = arith.constant 0 : i32
      %add3A_154 = arith.addi %add3A_153, %mul3A_152 : i32
      %mul3A_155 = arith.constant 8 : i32
      %mul3A_156 = arith.muli %add3A_154, %mul3A_155 : i32
      %add3A_157 = arith.constant 0 : i32
      %add3A_158 = arith.addi %mul3A_156, %add3A_157 : i32
      %dma_wait3A_159 = arith.constant 0 : i32
      %dma_wait3A_160 = tpu.memref_slice %arg6[%add3A_158, %dma_wait3A_159] : memref<80x125xi32, #tpu.memory_space<vmem>> -> memref<1x125xi32, #tpu.memory_space<vmem>>
      %dma_wait3A_161 = tpu.memref_squeeze %dma_wait3A_160 : memref<1x125xi32, #tpu.memory_space<vmem>> -> memref<125xi32, #tpu.memory_space<vmem>>
      %dma_wait3A_162 = arith.constant 0 : i32
      %dma_wait3A_163 = arith.constant 0 : i32
      %dma_wait3A_164 = tpu.memref_slice %arg2[%dma_wait3A_162, %dma_wait3A_163] : memref<10000x64xf32, #tpu.memory_space<hbm>> -> memref<10000x64xf32, #tpu.memory_space<hbm>>
      tpu.wait_indirect_dma semaphore(%arg17 : memref<!tpu.dma_semaphore, #tpu.memory_space<semaphore_mem>>) src(%dma_wait3A_164 : memref<10000x64xf32, #tpu.memory_space<hbm>>) dst(%arg8 : memref<125x64xf32, #tpu.memory_space<vmem>>)
      %add3A_165 = arith.constant 0 : i32
      %add3A_166 = arith.addi %mul3A_156, %add3A_165 : i32
      %dma_start3A_167 = arith.constant 0 : i32
      %dma_start3A_168 = tpu.memref_slice %arg7[%add3A_166, %dma_start3A_167] : memref<80x125xi32, #tpu.memory_space<vmem>> -> memref<1x125xi32, #tpu.memory_space<vmem>>
      %dma_start3A_169 = tpu.memref_squeeze %dma_start3A_168 : memref<1x125xi32, #tpu.memory_space<vmem>> -> memref<125xi32, #tpu.memory_space<vmem>>
      %dma_start3A_170 = arith.constant 0 : i32
      %dma_start3A_171 = arith.constant 0 : i32
      %dma_start3A_172 = tpu.memref_slice %arg16[%dma_start3A_170, %dma_start3A_171] : memref<10000x64xf32, #tpu.memory_space<vmem_shared>> -> memref<10000x64xf32, #tpu.memory_space<vmem_shared>>
      tpu.enqueue_indirect_dma source(%arg8 : memref<125x64xf32, #tpu.memory_space<vmem>>) target(%dma_start3A_172 : memref<10000x64xf32, #tpu.memory_space<vmem_shared>>) offsets(%dma_start3A_169 : memref<125xi32, #tpu.memory_space<vmem>>) semaphore(%arg25 : memref<!tpu.dma_semaphore, #tpu.memory_space<semaphore_mem>>) {add = true}
      %add3A_173 = arith.constant 1 : i32
      %add3A_174 = arith.addi %mul3A_156, %add3A_173 : i32
      %dma_wait3A_175 = arith.constant 0 : i32
      %dma_wait3A_176 = tpu.memref_slice %arg6[%add3A_174, %dma_wait3A_175] : memref<80x125xi32, #tpu.memory_space<vmem>> -> memref<1x125xi32, #tpu.memory_space<vmem>>
      %dma_wait3A_177 = tpu.memref_squeeze %dma_wait3A_176 : memref<1x125xi32, #tpu.memory_space<vmem>> -> memref<125xi32, #tpu.memory_space<vmem>>
      %dma_wait3A_178 = arith.constant 0 : i32
      %dma_wait3A_179 = arith.constant 0 : i32
      %dma_wait3A_180 = tpu.memref_slice %arg2[%dma_wait3A_178, %dma_wait3A_179] : memref<10000x64xf32, #tpu.memory_space<hbm>> -> memref<10000x64xf32, #tpu.memory_space<hbm>>
      tpu.wait_indirect_dma semaphore(%arg18 : memref<!tpu.dma_semaphore, #tpu.memory_space<semaphore_mem>>) src(%dma_wait3A_180 : memref<10000x64xf32, #tpu.memory_space<hbm>>) dst(%arg9 : memref<125x64xf32, #tpu.memory_space<vmem>>)
      %add3A_181 = arith.constant 1 : i32
      %add3A_182 = arith.addi %mul3A_156, %add3A_181 : i32
      %dma_start3A_183 = arith.constant 0 : i32
      %dma_start3A_184 = tpu.memref_slice %arg7[%add3A_182, %dma_start3A_183] : memref<80x125xi32, #tpu.memory_space<vmem>> -> memref<1x125xi32, #tpu.memory_space<vmem>>
      %dma_start3A_185 = tpu.memref_squeeze %dma_start3A_184 : memref<1x125xi32, #tpu.memory_space<vmem>> -> memref<125xi32, #tpu.memory_space<vmem>>
      %dma_start3A_186 = arith.constant 0 : i32
      %dma_start3A_187 = arith.constant 0 : i32
      %dma_start3A_188 = tpu.memref_slice %arg16[%dma_start3A_186, %dma_start3A_187] : memref<10000x64xf32, #tpu.memory_space<vmem_shared>> -> memref<10000x64xf32, #tpu.memory_space<vmem_shared>>
      tpu.enqueue_indirect_dma source(%arg9 : memref<125x64xf32, #tpu.memory_space<vmem>>) target(%dma_start3A_188 : memref<10000x64xf32, #tpu.memory_space<vmem_shared>>) offsets(%dma_start3A_185 : memref<125xi32, #tpu.memory_space<vmem>>) semaphore(%arg26 : memref<!tpu.dma_semaphore, #tpu.memory_space<semaphore_mem>>) {add = true}
      %add3A_189 = arith.constant 2 : i32
      %add3A_190 = arith.addi %mul3A_156, %add3A_189 : i32
      %dma_wait3A_191 = arith.constant 0 : i32
      %dma_wait3A_192 = tpu.memref_slice %arg6[%add3A_190, %dma_wait3A_191] : memref<80x125xi32, #tpu.memory_space<vmem>> -> memref<1x125xi32, #tpu.memory_space<vmem>>
      %dma_wait3A_193 = tpu.memref_squeeze %dma_wait3A_192 : memref<1x125xi32, #tpu.memory_space<vmem>> -> memref<125xi32, #tpu.memory_space<vmem>>
      %dma_wait3A_194 = arith.constant 0 : i32
      %dma_wait3A_195 = arith.constant 0 : i32
      %dma_wait3A_196 = tpu.memref_slice %arg2[%dma_wait3A_194, %dma_wait3A_195] : memref<10000x64xf32, #tpu.memory_space<hbm>> -> memref<10000x64xf32, #tpu.memory_space<hbm>>
      tpu.wait_indirect_dma semaphore(%arg19 : memref<!tpu.dma_semaphore, #tpu.memory_space<semaphore_mem>>) src(%dma_wait3A_196 : memref<10000x64xf32, #tpu.memory_space<hbm>>) dst(%arg10 : memref<125x64xf32, #tpu.memory_space<vmem>>)
      %add3A_197 = arith.constant 2 : i32
      %add3A_198 = arith.addi %mul3A_156, %add3A_197 : i32
      %dma_start3A_199 = arith.constant 0 : i32
      %dma_start3A_200 = tpu.memref_slice %arg7[%add3A_198, %dma_start3A_199] : memref<80x125xi32, #tpu.memory_space<vmem>> -> memref<1x125xi32, #tpu.memory_space<vmem>>
      %dma_start3A_201 = tpu.memref_squeeze %dma_start3A_200 : memref<1x125xi32, #tpu.memory_space<vmem>> -> memref<125xi32, #tpu.memory_space<vmem>>
      %dma_start3A_202 = arith.constant 0 : i32
      %dma_start3A_203 = arith.constant 0 : i32
      %dma_start3A_204 = tpu.memref_slice %arg16[%dma_start3A_202, %dma_start3A_203] : memref<10000x64xf32, #tpu.memory_space<vmem_shared>> -> memref<10000x64xf32, #tpu.memory_space<vmem_shared>>
      tpu.enqueue_indirect_dma source(%arg10 : memref<125x64xf32, #tpu.memory_space<vmem>>) target(%dma_start3A_204 : memref<10000x64xf32, #tpu.memory_space<vmem_shared>>) offsets(%dma_start3A_201 : memref<125xi32, #tpu.memory_space<vmem>>) semaphore(%arg27 : memref<!tpu.dma_semaphore, #tpu.memory_space<semaphore_mem>>) {add = true}
      %add3A_205 = arith.constant 3 : i32
      %add3A_206 = arith.addi %mul3A_156, %add3A_205 : i32
      %dma_wait3A_207 = arith.constant 0 : i32
      %dma_wait3A_208 = tpu.memref_slice %arg6[%add3A_206, %dma_wait3A_207] : memref<80x125xi32, #tpu.memory_space<vmem>> -> memref<1x125xi32, #tpu.memory_space<vmem>>
      %dma_wait3A_209 = tpu.memref_squeeze %dma_wait3A_208 : memref<1x125xi32, #tpu.memory_space<vmem>> -> memref<125xi32, #tpu.memory_space<vmem>>
      %dma_wait3A_210 = arith.constant 0 : i32
      %dma_wait3A_211 = arith.constant 0 : i32
      %dma_wait3A_212 = tpu.memref_slice %arg2[%dma_wait3A_210, %dma_wait3A_211] : memref<10000x64xf32, #tpu.memory_space<hbm>> -> memref<10000x64xf32, #tpu.memory_space<hbm>>
      tpu.wait_indirect_dma semaphore(%arg20 : memref<!tpu.dma_semaphore, #tpu.memory_space<semaphore_mem>>) src(%dma_wait3A_212 : memref<10000x64xf32, #tpu.memory_space<hbm>>) dst(%arg11 : memref<125x64xf32, #tpu.memory_space<vmem>>)
      %add3A_213 = arith.constant 3 : i32
      %add3A_214 = arith.addi %mul3A_156, %add3A_213 : i32
      %dma_start3A_215 = arith.constant 0 : i32
      %dma_start3A_216 = tpu.memref_slice %arg7[%add3A_214, %dma_start3A_215] : memref<80x125xi32, #tpu.memory_space<vmem>> -> memref<1x125xi32, #tpu.memory_space<vmem>>
      %dma_start3A_217 = tpu.memref_squeeze %dma_start3A_216 : memref<1x125xi32, #tpu.memory_space<vmem>> -> memref<125xi32, #tpu.memory_space<vmem>>
      %dma_start3A_218 = arith.constant 0 : i32
      %dma_start3A_219 = arith.constant 0 : i32
      %dma_start3A_220 = tpu.memref_slice %arg16[%dma_start3A_218, %dma_start3A_219] : memref<10000x64xf32, #tpu.memory_space<vmem_shared>> -> memref<10000x64xf32, #tpu.memory_space<vmem_shared>>
      tpu.enqueue_indirect_dma source(%arg11 : memref<125x64xf32, #tpu.memory_space<vmem>>) target(%dma_start3A_220 : memref<10000x64xf32, #tpu.memory_space<vmem_shared>>) offsets(%dma_start3A_217 : memref<125xi32, #tpu.memory_space<vmem>>) semaphore(%arg28 : memref<!tpu.dma_semaphore, #tpu.memory_space<semaphore_mem>>) {add = true}
      %add3A_221 = arith.constant 4 : i32
      %add3A_222 = arith.addi %mul3A_156, %add3A_221 : i32
      %dma_wait3A_223 = arith.constant 0 : i32
      %dma_wait3A_224 = tpu.memref_slice %arg6[%add3A_222, %dma_wait3A_223] : memref<80x125xi32, #tpu.memory_space<vmem>> -> memref<1x125xi32, #tpu.memory_space<vmem>>
      %dma_wait3A_225 = tpu.memref_squeeze %dma_wait3A_224 : memref<1x125xi32, #tpu.memory_space<vmem>> -> memref<125xi32, #tpu.memory_space<vmem>>
      %dma_wait3A_226 = arith.constant 0 : i32
      %dma_wait3A_227 = arith.constant 0 : i32
      %dma_wait3A_228 = tpu.memref_slice %arg2[%dma_wait3A_226, %dma_wait3A_227] : memref<10000x64xf32, #tpu.memory_space<hbm>> -> memref<10000x64xf32, #tpu.memory_space<hbm>>
      tpu.wait_indirect_dma semaphore(%arg21 : memref<!tpu.dma_semaphore, #tpu.memory_space<semaphore_mem>>) src(%dma_wait3A_228 : memref<10000x64xf32, #tpu.memory_space<hbm>>) dst(%arg12 : memref<125x64xf32, #tpu.memory_space<vmem>>)
      %add3A_229 = arith.constant 4 : i32
      %add3A_230 = arith.addi %mul3A_156, %add3A_229 : i32
      %dma_start3A_231 = arith.constant 0 : i32
      %dma_start3A_232 = tpu.memref_slice %arg7[%add3A_230, %dma_start3A_231] : memref<80x125xi32, #tpu.memory_space<vmem>> -> memref<1x125xi32, #tpu.memory_space<vmem>>
      %dma_start3A_233 = tpu.memref_squeeze %dma_start3A_232 : memref<1x125xi32, #tpu.memory_space<vmem>> -> memref<125xi32, #tpu.memory_space<vmem>>
      %dma_start3A_234 = arith.constant 0 : i32
      %dma_start3A_235 = arith.constant 0 : i32
      %dma_start3A_236 = tpu.memref_slice %arg16[%dma_start3A_234, %dma_start3A_235] : memref<10000x64xf32, #tpu.memory_space<vmem_shared>> -> memref<10000x64xf32, #tpu.memory_space<vmem_shared>>
      tpu.enqueue_indirect_dma source(%arg12 : memref<125x64xf32, #tpu.memory_space<vmem>>) target(%dma_start3A_236 : memref<10000x64xf32, #tpu.memory_space<vmem_shared>>) offsets(%dma_start3A_233 : memref<125xi32, #tpu.memory_space<vmem>>) semaphore(%arg29 : memref<!tpu.dma_semaphore, #tpu.memory_space<semaphore_mem>>) {add = true}
      %add3A_237 = arith.constant 5 : i32
      %add3A_238 = arith.addi %mul3A_156, %add3A_237 : i32
      %dma_wait3A_239 = arith.constant 0 : i32
      %dma_wait3A_240 = tpu.memref_slice %arg6[%add3A_238, %dma_wait3A_239] : memref<80x125xi32, #tpu.memory_space<vmem>> -> memref<1x125xi32, #tpu.memory_space<vmem>>
      %dma_wait3A_241 = tpu.memref_squeeze %dma_wait3A_240 : memref<1x125xi32, #tpu.memory_space<vmem>> -> memref<125xi32, #tpu.memory_space<vmem>>
      %dma_wait3A_242 = arith.constant 0 : i32
      %dma_wait3A_243 = arith.constant 0 : i32
      %dma_wait3A_244 = tpu.memref_slice %arg2[%dma_wait3A_242, %dma_wait3A_243] : memref<10000x64xf32, #tpu.memory_space<hbm>> -> memref<10000x64xf32, #tpu.memory_space<hbm>>
      tpu.wait_indirect_dma semaphore(%arg22 : memref<!tpu.dma_semaphore, #tpu.memory_space<semaphore_mem>>) src(%dma_wait3A_244 : memref<10000x64xf32, #tpu.memory_space<hbm>>) dst(%arg13 : memref<125x64xf32, #tpu.memory_space<vmem>>)
      %add3A_245 = arith.constant 5 : i32
      %add3A_246 = arith.addi %mul3A_156, %add3A_245 : i32
      %dma_start3A_247 = arith.constant 0 : i32
      %dma_start3A_248 = tpu.memref_slice %arg7[%add3A_246, %dma_start3A_247] : memref<80x125xi32, #tpu.memory_space<vmem>> -> memref<1x125xi32, #tpu.memory_space<vmem>>
      %dma_start3A_249 = tpu.memref_squeeze %dma_start3A_248 : memref<1x125xi32, #tpu.memory_space<vmem>> -> memref<125xi32, #tpu.memory_space<vmem>>
      %dma_start3A_250 = arith.constant 0 : i32
      %dma_start3A_251 = arith.constant 0 : i32
      %dma_start3A_252 = tpu.memref_slice %arg16[%dma_start3A_250, %dma_start3A_251] : memref<10000x64xf32, #tpu.memory_space<vmem_shared>> -> memref<10000x64xf32, #tpu.memory_space<vmem_shared>>
      tpu.enqueue_indirect_dma source(%arg13 : memref<125x64xf32, #tpu.memory_space<vmem>>) target(%dma_start3A_252 : memref<10000x64xf32, #tpu.memory_space<vmem_shared>>) offsets(%dma_start3A_249 : memref<125xi32, #tpu.memory_space<vmem>>) semaphore(%arg30 : memref<!tpu.dma_semaphore, #tpu.memory_space<semaphore_mem>>) {add = true}
      %add3A_253 = arith.constant 6 : i32
      %add3A_254 = arith.addi %mul3A_156, %add3A_253 : i32
      %dma_wait3A_255 = arith.constant 0 : i32
      %dma_wait3A_256 = tpu.memref_slice %arg6[%add3A_254, %dma_wait3A_255] : memref<80x125xi32, #tpu.memory_space<vmem>> -> memref<1x125xi32, #tpu.memory_space<vmem>>
      %dma_wait3A_257 = tpu.memref_squeeze %dma_wait3A_256 : memref<1x125xi32, #tpu.memory_space<vmem>> -> memref<125xi32, #tpu.memory_space<vmem>>
      %dma_wait3A_258 = arith.constant 0 : i32
      %dma_wait3A_259 = arith.constant 0 : i32
      %dma_wait3A_260 = tpu.memref_slice %arg2[%dma_wait3A_258, %dma_wait3A_259] : memref<10000x64xf32, #tpu.memory_space<hbm>> -> memref<10000x64xf32, #tpu.memory_space<hbm>>
      tpu.wait_indirect_dma semaphore(%arg23 : memref<!tpu.dma_semaphore, #tpu.memory_space<semaphore_mem>>) src(%dma_wait3A_260 : memref<10000x64xf32, #tpu.memory_space<hbm>>) dst(%arg14 : memref<125x64xf32, #tpu.memory_space<vmem>>)
      %add3A_261 = arith.constant 6 : i32
      %add3A_262 = arith.addi %mul3A_156, %add3A_261 : i32
      %dma_start3A_263 = arith.constant 0 : i32
      %dma_start3A_264 = tpu.memref_slice %arg7[%add3A_262, %dma_start3A_263] : memref<80x125xi32, #tpu.memory_space<vmem>> -> memref<1x125xi32, #tpu.memory_space<vmem>>
      %dma_start3A_265 = tpu.memref_squeeze %dma_start3A_264 : memref<1x125xi32, #tpu.memory_space<vmem>> -> memref<125xi32, #tpu.memory_space<vmem>>
      %dma_start3A_266 = arith.constant 0 : i32
      %dma_start3A_267 = arith.constant 0 : i32
      %dma_start3A_268 = tpu.memref_slice %arg16[%dma_start3A_266, %dma_start3A_267] : memref<10000x64xf32, #tpu.memory_space<vmem_shared>> -> memref<10000x64xf32, #tpu.memory_space<vmem_shared>>
      tpu.enqueue_indirect_dma source(%arg14 : memref<125x64xf32, #tpu.memory_space<vmem>>) target(%dma_start3A_268 : memref<10000x64xf32, #tpu.memory_space<vmem_shared>>) offsets(%dma_start3A_265 : memref<125xi32, #tpu.memory_space<vmem>>) semaphore(%arg31 : memref<!tpu.dma_semaphore, #tpu.memory_space<semaphore_mem>>) {add = true}
      %add3A_269 = arith.constant 7 : i32
      %add3A_270 = arith.addi %mul3A_156, %add3A_269 : i32
      %dma_wait3A_271 = arith.constant 0 : i32
      %dma_wait3A_272 = tpu.memref_slice %arg6[%add3A_270, %dma_wait3A_271] : memref<80x125xi32, #tpu.memory_space<vmem>> -> memref<1x125xi32, #tpu.memory_space<vmem>>
      %dma_wait3A_273 = tpu.memref_squeeze %dma_wait3A_272 : memref<1x125xi32, #tpu.memory_space<vmem>> -> memref<125xi32, #tpu.memory_space<vmem>>
      %dma_wait3A_274 = arith.constant 0 : i32
      %dma_wait3A_275 = arith.constant 0 : i32
      %dma_wait3A_276 = tpu.memref_slice %arg2[%dma_wait3A_274, %dma_wait3A_275] : memref<10000x64xf32, #tpu.memory_space<hbm>> -> memref<10000x64xf32, #tpu.memory_space<hbm>>
      tpu.wait_indirect_dma semaphore(%arg24 : memref<!tpu.dma_semaphore, #tpu.memory_space<semaphore_mem>>) src(%dma_wait3A_276 : memref<10000x64xf32, #tpu.memory_space<hbm>>) dst(%arg15 : memref<125x64xf32, #tpu.memory_space<vmem>>)
      %add3A_277 = arith.constant 7 : i32
      %add3A_278 = arith.addi %mul3A_156, %add3A_277 : i32
      %dma_start3A_279 = arith.constant 0 : i32
      %dma_start3A_280 = tpu.memref_slice %arg7[%add3A_278, %dma_start3A_279] : memref<80x125xi32, #tpu.memory_space<vmem>> -> memref<1x125xi32, #tpu.memory_space<vmem>>
      %dma_start3A_281 = tpu.memref_squeeze %dma_start3A_280 : memref<1x125xi32, #tpu.memory_space<vmem>> -> memref<125xi32, #tpu.memory_space<vmem>>
      %dma_start3A_282 = arith.constant 0 : i32
      %dma_start3A_283 = arith.constant 0 : i32
      %dma_start3A_284 = tpu.memref_slice %arg16[%dma_start3A_282, %dma_start3A_283] : memref<10000x64xf32, #tpu.memory_space<vmem_shared>> -> memref<10000x64xf32, #tpu.memory_space<vmem_shared>>
      tpu.enqueue_indirect_dma source(%arg15 : memref<125x64xf32, #tpu.memory_space<vmem>>) target(%dma_start3A_284 : memref<10000x64xf32, #tpu.memory_space<vmem_shared>>) offsets(%dma_start3A_281 : memref<125xi32, #tpu.memory_space<vmem>>) semaphore(%arg32 : memref<!tpu.dma_semaphore, #tpu.memory_space<semaphore_mem>>) {add = true}
      %add3A_285 = arith.constant 0 : i32
      %add3A_286 = arith.addi %mul3A_156, %add3A_285 : i32
      %dma_wait3A_287 = arith.constant 0 : i32
      %dma_wait3A_288 = tpu.memref_slice %arg7[%add3A_286, %dma_wait3A_287] : memref<80x125xi32, #tpu.memory_space<vmem>> -> memref<1x125xi32, #tpu.memory_space<vmem>>
      %dma_wait3A_289 = tpu.memref_squeeze %dma_wait3A_288 : memref<1x125xi32, #tpu.memory_space<vmem>> -> memref<125xi32, #tpu.memory_space<vmem>>
      %dma_wait3A_290 = arith.constant 0 : i32
      %dma_wait3A_291 = arith.constant 0 : i32
      %dma_wait3A_292 = tpu.memref_slice %arg16[%dma_wait3A_290, %dma_wait3A_291] : memref<10000x64xf32, #tpu.memory_space<vmem_shared>> -> memref<10000x64xf32, #tpu.memory_space<vmem_shared>>
      tpu.wait_indirect_dma semaphore(%arg25 : memref<!tpu.dma_semaphore, #tpu.memory_space<semaphore_mem>>) src(%arg8 : memref<125x64xf32, #tpu.memory_space<vmem>>) dst(%dma_wait3A_292 : memref<10000x64xf32, #tpu.memory_space<vmem_shared>>)
      %add3A_293 = arith.constant 8 : i32
      %add3A_294 = arith.addi %mul3A_156, %add3A_293 : i32
      %add3A_295 = arith.constant 0 : i32
      %add3A_296 = arith.addi %add3A_294, %add3A_295 : i32
      %lt3A = arith.constant 80 : i32
      %lt3A_297 = arith.cmpi slt, %add3A_296, %lt3A : i32
      %convert_element_type3A = arith.extui %lt3A_297 : i1 to i32
      %cond3A = arith.constant 0 : i32
      %cond3A_298 = arith.cmpi ne, %convert_element_type3A, %cond3A : i32
      scf.if %cond3A_298 {
        %add3A_418 = arith.constant 8 : i32
        %add3A_419 = arith.addi %mul3A_156, %add3A_418 : i32
        %add3A_420 = arith.constant 0 : i32
        %add3A_421 = arith.addi %add3A_419, %add3A_420 : i32
        %dma_start3A_422 = arith.constant 0 : i32
        %dma_start3A_423 = tpu.memref_slice %arg6[%add3A_421, %dma_start3A_422] : memref<80x125xi32, #tpu.memory_space<vmem>> -> memref<1x125xi32, #tpu.memory_space<vmem>>
        %dma_start3A_424 = tpu.memref_squeeze %dma_start3A_423 : memref<1x125xi32, #tpu.memory_space<vmem>> -> memref<125xi32, #tpu.memory_space<vmem>>
        %dma_start3A_425 = arith.constant 0 : i32
        %dma_start3A_426 = arith.constant 0 : i32
        %dma_start3A_427 = tpu.memref_slice %arg2[%dma_start3A_425, %dma_start3A_426] : memref<10000x64xf32, #tpu.memory_space<hbm>> -> memref<10000x64xf32, #tpu.memory_space<hbm>>
        tpu.enqueue_indirect_dma source(%dma_start3A_427 : memref<10000x64xf32, #tpu.memory_space<hbm>>) target(%arg8 : memref<125x64xf32, #tpu.memory_space<vmem>>) offsets(%dma_start3A_424 : memref<125xi32, #tpu.memory_space<vmem>>) semaphore(%arg17 : memref<!tpu.dma_semaphore, #tpu.memory_space<semaphore_mem>>)
      } else {
      }
      %add3A_299 = arith.constant 1 : i32
      %add3A_300 = arith.addi %mul3A_156, %add3A_299 : i32
      %dma_wait3A_301 = arith.constant 0 : i32
      %dma_wait3A_302 = tpu.memref_slice %arg7[%add3A_300, %dma_wait3A_301] : memref<80x125xi32, #tpu.memory_space<vmem>> -> memref<1x125xi32, #tpu.memory_space<vmem>>
      %dma_wait3A_303 = tpu.memref_squeeze %dma_wait3A_302 : memref<1x125xi32, #tpu.memory_space<vmem>> -> memref<125xi32, #tpu.memory_space<vmem>>
      %dma_wait3A_304 = arith.constant 0 : i32
      %dma_wait3A_305 = arith.constant 0 : i32
      %dma_wait3A_306 = tpu.memref_slice %arg16[%dma_wait3A_304, %dma_wait3A_305] : memref<10000x64xf32, #tpu.memory_space<vmem_shared>> -> memref<10000x64xf32, #tpu.memory_space<vmem_shared>>
      tpu.wait_indirect_dma semaphore(%arg26 : memref<!tpu.dma_semaphore, #tpu.memory_space<semaphore_mem>>) src(%arg9 : memref<125x64xf32, #tpu.memory_space<vmem>>) dst(%dma_wait3A_306 : memref<10000x64xf32, #tpu.memory_space<vmem_shared>>)
      %add3A_307 = arith.constant 8 : i32
      %add3A_308 = arith.addi %mul3A_156, %add3A_307 : i32
      %add3A_309 = arith.constant 1 : i32
      %add3A_310 = arith.addi %add3A_308, %add3A_309 : i32
      %lt3A_311 = arith.constant 80 : i32
      %lt3A_312 = arith.cmpi slt, %add3A_310, %lt3A_311 : i32
      %convert_element_type3A_313 = arith.extui %lt3A_312 : i1 to i32
      %cond3A_314 = arith.constant 0 : i32
      %cond3A_315 = arith.cmpi ne, %convert_element_type3A_313, %cond3A_314 : i32
      scf.if %cond3A_315 {
        %add3A_418 = arith.constant 8 : i32
        %add3A_419 = arith.addi %mul3A_156, %add3A_418 : i32
        %add3A_420 = arith.constant 1 : i32
        %add3A_421 = arith.addi %add3A_419, %add3A_420 : i32
        %dma_start3A_422 = arith.constant 0 : i32
        %dma_start3A_423 = tpu.memref_slice %arg6[%add3A_421, %dma_start3A_422] : memref<80x125xi32, #tpu.memory_space<vmem>> -> memref<1x125xi32, #tpu.memory_space<vmem>>
        %dma_start3A_424 = tpu.memref_squeeze %dma_start3A_423 : memref<1x125xi32, #tpu.memory_space<vmem>> -> memref<125xi32, #tpu.memory_space<vmem>>
        %dma_start3A_425 = arith.constant 0 : i32
        %dma_start3A_426 = arith.constant 0 : i32
        %dma_start3A_427 = tpu.memref_slice %arg2[%dma_start3A_425, %dma_start3A_426] : memref<10000x64xf32, #tpu.memory_space<hbm>> -> memref<10000x64xf32, #tpu.memory_space<hbm>>
        tpu.enqueue_indirect_dma source(%dma_start3A_427 : memref<10000x64xf32, #tpu.memory_space<hbm>>) target(%arg9 : memref<125x64xf32, #tpu.memory_space<vmem>>) offsets(%dma_start3A_424 : memref<125xi32, #tpu.memory_space<vmem>>) semaphore(%arg18 : memref<!tpu.dma_semaphore, #tpu.memory_space<semaphore_mem>>)
      } else {
      }
      %add3A_316 = arith.constant 2 : i32
      %add3A_317 = arith.addi %mul3A_156, %add3A_316 : i32
      %dma_wait3A_318 = arith.constant 0 : i32
      %dma_wait3A_319 = tpu.memref_slice %arg7[%add3A_317, %dma_wait3A_318] : memref<80x125xi32, #tpu.memory_space<vmem>> -> memref<1x125xi32, #tpu.memory_space<vmem>>
      %dma_wait3A_320 = tpu.memref_squeeze %dma_wait3A_319 : memref<1x125xi32, #tpu.memory_space<vmem>> -> memref<125xi32, #tpu.memory_space<vmem>>
      %dma_wait3A_321 = arith.constant 0 : i32
      %dma_wait3A_322 = arith.constant 0 : i32
      %dma_wait3A_323 = tpu.memref_slice %arg16[%dma_wait3A_321, %dma_wait3A_322] : memref<10000x64xf32, #tpu.memory_space<vmem_shared>> -> memref<10000x64xf32, #tpu.memory_space<vmem_shared>>
      tpu.wait_indirect_dma semaphore(%arg27 : memref<!tpu.dma_semaphore, #tpu.memory_space<semaphore_mem>>) src(%arg10 : memref<125x64xf32, #tpu.memory_space<vmem>>) dst(%dma_wait3A_323 : memref<10000x64xf32, #tpu.memory_space<vmem_shared>>)
      %add3A_324 = arith.constant 8 : i32
      %add3A_325 = arith.addi %mul3A_156, %add3A_324 : i32
      %add3A_326 = arith.constant 2 : i32
      %add3A_327 = arith.addi %add3A_325, %add3A_326 : i32
      %lt3A_328 = arith.constant 80 : i32
      %lt3A_329 = arith.cmpi slt, %add3A_327, %lt3A_328 : i32
      %convert_element_type3A_330 = arith.extui %lt3A_329 : i1 to i32
      %cond3A_331 = arith.constant 0 : i32
      %cond3A_332 = arith.cmpi ne, %convert_element_type3A_330, %cond3A_331 : i32
      scf.if %cond3A_332 {
        %add3A_418 = arith.constant 8 : i32
        %add3A_419 = arith.addi %mul3A_156, %add3A_418 : i32
        %add3A_420 = arith.constant 2 : i32
        %add3A_421 = arith.addi %add3A_419, %add3A_420 : i32
        %dma_start3A_422 = arith.constant 0 : i32
        %dma_start3A_423 = tpu.memref_slice %arg6[%add3A_421, %dma_start3A_422] : memref<80x125xi32, #tpu.memory_space<vmem>> -> memref<1x125xi32, #tpu.memory_space<vmem>>
        %dma_start3A_424 = tpu.memref_squeeze %dma_start3A_423 : memref<1x125xi32, #tpu.memory_space<vmem>> -> memref<125xi32, #tpu.memory_space<vmem>>
        %dma_start3A_425 = arith.constant 0 : i32
        %dma_start3A_426 = arith.constant 0 : i32
        %dma_start3A_427 = tpu.memref_slice %arg2[%dma_start3A_425, %dma_start3A_426] : memref<10000x64xf32, #tpu.memory_space<hbm>> -> memref<10000x64xf32, #tpu.memory_space<hbm>>
        tpu.enqueue_indirect_dma source(%dma_start3A_427 : memref<10000x64xf32, #tpu.memory_space<hbm>>) target(%arg10 : memref<125x64xf32, #tpu.memory_space<vmem>>) offsets(%dma_start3A_424 : memref<125xi32, #tpu.memory_space<vmem>>) semaphore(%arg19 : memref<!tpu.dma_semaphore, #tpu.memory_space<semaphore_mem>>)
      } else {
      }
      %add3A_333 = arith.constant 3 : i32
      %add3A_334 = arith.addi %mul3A_156, %add3A_333 : i32
      %dma_wait3A_335 = arith.constant 0 : i32
      %dma_wait3A_336 = tpu.memref_slice %arg7[%add3A_334, %dma_wait3A_335] : memref<80x125xi32, #tpu.memory_space<vmem>> -> memref<1x125xi32, #tpu.memory_space<vmem>>
      %dma_wait3A_337 = tpu.memref_squeeze %dma_wait3A_336 : memref<1x125xi32, #tpu.memory_space<vmem>> -> memref<125xi32, #tpu.memory_space<vmem>>
      %dma_wait3A_338 = arith.constant 0 : i32
      %dma_wait3A_339 = arith.constant 0 : i32
      %dma_wait3A_340 = tpu.memref_slice %arg16[%dma_wait3A_338, %dma_wait3A_339] : memref<10000x64xf32, #tpu.memory_space<vmem_shared>> -> memref<10000x64xf32, #tpu.memory_space<vmem_shared>>
      tpu.wait_indirect_dma semaphore(%arg28 : memref<!tpu.dma_semaphore, #tpu.memory_space<semaphore_mem>>) src(%arg11 : memref<125x64xf32, #tpu.memory_space<vmem>>) dst(%dma_wait3A_340 : memref<10000x64xf32, #tpu.memory_space<vmem_shared>>)
      %add3A_341 = arith.constant 8 : i32
      %add3A_342 = arith.addi %mul3A_156, %add3A_341 : i32
      %add3A_343 = arith.constant 3 : i32
      %add3A_344 = arith.addi %add3A_342, %add3A_343 : i32
      %lt3A_345 = arith.constant 80 : i32
      %lt3A_346 = arith.cmpi slt, %add3A_344, %lt3A_345 : i32
      %convert_element_type3A_347 = arith.extui %lt3A_346 : i1 to i32
      %cond3A_348 = arith.constant 0 : i32
      %cond3A_349 = arith.cmpi ne, %convert_element_type3A_347, %cond3A_348 : i32
      scf.if %cond3A_349 {
        %add3A_418 = arith.constant 8 : i32
        %add3A_419 = arith.addi %mul3A_156, %add3A_418 : i32
        %add3A_420 = arith.constant 3 : i32
        %add3A_421 = arith.addi %add3A_419, %add3A_420 : i32
        %dma_start3A_422 = arith.constant 0 : i32
        %dma_start3A_423 = tpu.memref_slice %arg6[%add3A_421, %dma_start3A_422] : memref<80x125xi32, #tpu.memory_space<vmem>> -> memref<1x125xi32, #tpu.memory_space<vmem>>
        %dma_start3A_424 = tpu.memref_squeeze %dma_start3A_423 : memref<1x125xi32, #tpu.memory_space<vmem>> -> memref<125xi32, #tpu.memory_space<vmem>>
        %dma_start3A_425 = arith.constant 0 : i32
        %dma_start3A_426 = arith.constant 0 : i32
        %dma_start3A_427 = tpu.memref_slice %arg2[%dma_start3A_425, %dma_start3A_426] : memref<10000x64xf32, #tpu.memory_space<hbm>> -> memref<10000x64xf32, #tpu.memory_space<hbm>>
        tpu.enqueue_indirect_dma source(%dma_start3A_427 : memref<10000x64xf32, #tpu.memory_space<hbm>>) target(%arg11 : memref<125x64xf32, #tpu.memory_space<vmem>>) offsets(%dma_start3A_424 : memref<125xi32, #tpu.memory_space<vmem>>) semaphore(%arg20 : memref<!tpu.dma_semaphore, #tpu.memory_space<semaphore_mem>>)
      } else {
      }
      %add3A_350 = arith.constant 4 : i32
      %add3A_351 = arith.addi %mul3A_156, %add3A_350 : i32
      %dma_wait3A_352 = arith.constant 0 : i32
      %dma_wait3A_353 = tpu.memref_slice %arg7[%add3A_351, %dma_wait3A_352] : memref<80x125xi32, #tpu.memory_space<vmem>> -> memref<1x125xi32, #tpu.memory_space<vmem>>
      %dma_wait3A_354 = tpu.memref_squeeze %dma_wait3A_353 : memref<1x125xi32, #tpu.memory_space<vmem>> -> memref<125xi32, #tpu.memory_space<vmem>>
      %dma_wait3A_355 = arith.constant 0 : i32
      %dma_wait3A_356 = arith.constant 0 : i32
      %dma_wait3A_357 = tpu.memref_slice %arg16[%dma_wait3A_355, %dma_wait3A_356] : memref<10000x64xf32, #tpu.memory_space<vmem_shared>> -> memref<10000x64xf32, #tpu.memory_space<vmem_shared>>
      tpu.wait_indirect_dma semaphore(%arg29 : memref<!tpu.dma_semaphore, #tpu.memory_space<semaphore_mem>>) src(%arg12 : memref<125x64xf32, #tpu.memory_space<vmem>>) dst(%dma_wait3A_357 : memref<10000x64xf32, #tpu.memory_space<vmem_shared>>)
      %add3A_358 = arith.constant 8 : i32
      %add3A_359 = arith.addi %mul3A_156, %add3A_358 : i32
      %add3A_360 = arith.constant 4 : i32
      %add3A_361 = arith.addi %add3A_359, %add3A_360 : i32
      %lt3A_362 = arith.constant 80 : i32
      %lt3A_363 = arith.cmpi slt, %add3A_361, %lt3A_362 : i32
      %convert_element_type3A_364 = arith.extui %lt3A_363 : i1 to i32
      %cond3A_365 = arith.constant 0 : i32
      %cond3A_366 = arith.cmpi ne, %convert_element_type3A_364, %cond3A_365 : i32
      scf.if %cond3A_366 {
        %add3A_418 = arith.constant 8 : i32
        %add3A_419 = arith.addi %mul3A_156, %add3A_418 : i32
        %add3A_420 = arith.constant 4 : i32
        %add3A_421 = arith.addi %add3A_419, %add3A_420 : i32
        %dma_start3A_422 = arith.constant 0 : i32
        %dma_start3A_423 = tpu.memref_slice %arg6[%add3A_421, %dma_start3A_422] : memref<80x125xi32, #tpu.memory_space<vmem>> -> memref<1x125xi32, #tpu.memory_space<vmem>>
        %dma_start3A_424 = tpu.memref_squeeze %dma_start3A_423 : memref<1x125xi32, #tpu.memory_space<vmem>> -> memref<125xi32, #tpu.memory_space<vmem>>
        %dma_start3A_425 = arith.constant 0 : i32
        %dma_start3A_426 = arith.constant 0 : i32
        %dma_start3A_427 = tpu.memref_slice %arg2[%dma_start3A_425, %dma_start3A_426] : memref<10000x64xf32, #tpu.memory_space<hbm>> -> memref<10000x64xf32, #tpu.memory_space<hbm>>
        tpu.enqueue_indirect_dma source(%dma_start3A_427 : memref<10000x64xf32, #tpu.memory_space<hbm>>) target(%arg12 : memref<125x64xf32, #tpu.memory_space<vmem>>) offsets(%dma_start3A_424 : memref<125xi32, #tpu.memory_space<vmem>>) semaphore(%arg21 : memref<!tpu.dma_semaphore, #tpu.memory_space<semaphore_mem>>)
      } else {
      }
      %add3A_367 = arith.constant 5 : i32
      %add3A_368 = arith.addi %mul3A_156, %add3A_367 : i32
      %dma_wait3A_369 = arith.constant 0 : i32
      %dma_wait3A_370 = tpu.memref_slice %arg7[%add3A_368, %dma_wait3A_369] : memref<80x125xi32, #tpu.memory_space<vmem>> -> memref<1x125xi32, #tpu.memory_space<vmem>>
      %dma_wait3A_371 = tpu.memref_squeeze %dma_wait3A_370 : memref<1x125xi32, #tpu.memory_space<vmem>> -> memref<125xi32, #tpu.memory_space<vmem>>
      %dma_wait3A_372 = arith.constant 0 : i32
      %dma_wait3A_373 = arith.constant 0 : i32
      %dma_wait3A_374 = tpu.memref_slice %arg16[%dma_wait3A_372, %dma_wait3A_373] : memref<10000x64xf32, #tpu.memory_space<vmem_shared>> -> memref<10000x64xf32, #tpu.memory_space<vmem_shared>>
      tpu.wait_indirect_dma semaphore(%arg30 : memref<!tpu.dma_semaphore, #tpu.memory_space<semaphore_mem>>) src(%arg13 : memref<125x64xf32, #tpu.memory_space<vmem>>) dst(%dma_wait3A_374 : memref<10000x64xf32, #tpu.memory_space<vmem_shared>>)
      %add3A_375 = arith.constant 8 : i32
      %add3A_376 = arith.addi %mul3A_156, %add3A_375 : i32
      %add3A_377 = arith.constant 5 : i32
      %add3A_378 = arith.addi %add3A_376, %add3A_377 : i32
      %lt3A_379 = arith.constant 80 : i32
      %lt3A_380 = arith.cmpi slt, %add3A_378, %lt3A_379 : i32
      %convert_element_type3A_381 = arith.extui %lt3A_380 : i1 to i32
      %cond3A_382 = arith.constant 0 : i32
      %cond3A_383 = arith.cmpi ne, %convert_element_type3A_381, %cond3A_382 : i32
      scf.if %cond3A_383 {
        %add3A_418 = arith.constant 8 : i32
        %add3A_419 = arith.addi %mul3A_156, %add3A_418 : i32
        %add3A_420 = arith.constant 5 : i32
        %add3A_421 = arith.addi %add3A_419, %add3A_420 : i32
        %dma_start3A_422 = arith.constant 0 : i32
        %dma_start3A_423 = tpu.memref_slice %arg6[%add3A_421, %dma_start3A_422] : memref<80x125xi32, #tpu.memory_space<vmem>> -> memref<1x125xi32, #tpu.memory_space<vmem>>
        %dma_start3A_424 = tpu.memref_squeeze %dma_start3A_423 : memref<1x125xi32, #tpu.memory_space<vmem>> -> memref<125xi32, #tpu.memory_space<vmem>>
        %dma_start3A_425 = arith.constant 0 : i32
        %dma_start3A_426 = arith.constant 0 : i32
        %dma_start3A_427 = tpu.memref_slice %arg2[%dma_start3A_425, %dma_start3A_426] : memref<10000x64xf32, #tpu.memory_space<hbm>> -> memref<10000x64xf32, #tpu.memory_space<hbm>>
        tpu.enqueue_indirect_dma source(%dma_start3A_427 : memref<10000x64xf32, #tpu.memory_space<hbm>>) target(%arg13 : memref<125x64xf32, #tpu.memory_space<vmem>>) offsets(%dma_start3A_424 : memref<125xi32, #tpu.memory_space<vmem>>) semaphore(%arg22 : memref<!tpu.dma_semaphore, #tpu.memory_space<semaphore_mem>>)
      } else {
      }
      %add3A_384 = arith.constant 6 : i32
      %add3A_385 = arith.addi %mul3A_156, %add3A_384 : i32
      %dma_wait3A_386 = arith.constant 0 : i32
      %dma_wait3A_387 = tpu.memref_slice %arg7[%add3A_385, %dma_wait3A_386] : memref<80x125xi32, #tpu.memory_space<vmem>> -> memref<1x125xi32, #tpu.memory_space<vmem>>
      %dma_wait3A_388 = tpu.memref_squeeze %dma_wait3A_387 : memref<1x125xi32, #tpu.memory_space<vmem>> -> memref<125xi32, #tpu.memory_space<vmem>>
      %dma_wait3A_389 = arith.constant 0 : i32
      %dma_wait3A_390 = arith.constant 0 : i32
      %dma_wait3A_391 = tpu.memref_slice %arg16[%dma_wait3A_389, %dma_wait3A_390] : memref<10000x64xf32, #tpu.memory_space<vmem_shared>> -> memref<10000x64xf32, #tpu.memory_space<vmem_shared>>
      tpu.wait_indirect_dma semaphore(%arg31 : memref<!tpu.dma_semaphore, #tpu.memory_space<semaphore_mem>>) src(%arg14 : memref<125x64xf32, #tpu.memory_space<vmem>>) dst(%dma_wait3A_391 : memref<10000x64xf32, #tpu.memory_space<vmem_shared>>)
      %add3A_392 = arith.constant 8 : i32
      %add3A_393 = arith.addi %mul3A_156, %add3A_392 : i32
      %add3A_394 = arith.constant 6 : i32
      %add3A_395 = arith.addi %add3A_393, %add3A_394 : i32
      %lt3A_396 = arith.constant 80 : i32
      %lt3A_397 = arith.cmpi slt, %add3A_395, %lt3A_396 : i32
      %convert_element_type3A_398 = arith.extui %lt3A_397 : i1 to i32
      %cond3A_399 = arith.constant 0 : i32
      %cond3A_400 = arith.cmpi ne, %convert_element_type3A_398, %cond3A_399 : i32
      scf.if %cond3A_400 {
        %add3A_418 = arith.constant 8 : i32
        %add3A_419 = arith.addi %mul3A_156, %add3A_418 : i32
        %add3A_420 = arith.constant 6 : i32
        %add3A_421 = arith.addi %add3A_419, %add3A_420 : i32
        %dma_start3A_422 = arith.constant 0 : i32
        %dma_start3A_423 = tpu.memref_slice %arg6[%add3A_421, %dma_start3A_422] : memref<80x125xi32, #tpu.memory_space<vmem>> -> memref<1x125xi32, #tpu.memory_space<vmem>>
        %dma_start3A_424 = tpu.memref_squeeze %dma_start3A_423 : memref<1x125xi32, #tpu.memory_space<vmem>> -> memref<125xi32, #tpu.memory_space<vmem>>
        %dma_start3A_425 = arith.constant 0 : i32
        %dma_start3A_426 = arith.constant 0 : i32
        %dma_start3A_427 = tpu.memref_slice %arg2[%dma_start3A_425, %dma_start3A_426] : memref<10000x64xf32, #tpu.memory_space<hbm>> -> memref<10000x64xf32, #tpu.memory_space<hbm>>
        tpu.enqueue_indirect_dma source(%dma_start3A_427 : memref<10000x64xf32, #tpu.memory_space<hbm>>) target(%arg14 : memref<125x64xf32, #tpu.memory_space<vmem>>) offsets(%dma_start3A_424 : memref<125xi32, #tpu.memory_space<vmem>>) semaphore(%arg23 : memref<!tpu.dma_semaphore, #tpu.memory_space<semaphore_mem>>)
      } else {
      }
      %add3A_401 = arith.constant 7 : i32
      %add3A_402 = arith.addi %mul3A_156, %add3A_401 : i32
      %dma_wait3A_403 = arith.constant 0 : i32
      %dma_wait3A_404 = tpu.memref_slice %arg7[%add3A_402, %dma_wait3A_403] : memref<80x125xi32, #tpu.memory_space<vmem>> -> memref<1x125xi32, #tpu.memory_space<vmem>>
      %dma_wait3A_405 = tpu.memref_squeeze %dma_wait3A_404 : memref<1x125xi32, #tpu.memory_space<vmem>> -> memref<125xi32, #tpu.memory_space<vmem>>
      %dma_wait3A_406 = arith.constant 0 : i32
      %dma_wait3A_407 = arith.constant 0 : i32
      %dma_wait3A_408 = tpu.memref_slice %arg16[%dma_wait3A_406, %dma_wait3A_407] : memref<10000x64xf32, #tpu.memory_space<vmem_shared>> -> memref<10000x64xf32, #tpu.memory_space<vmem_shared>>
      tpu.wait_indirect_dma semaphore(%arg32 : memref<!tpu.dma_semaphore, #tpu.memory_space<semaphore_mem>>) src(%arg15 : memref<125x64xf32, #tpu.memory_space<vmem>>) dst(%dma_wait3A_408 : memref<10000x64xf32, #tpu.memory_space<vmem_shared>>)
      %add3A_409 = arith.constant 8 : i32
      %add3A_410 = arith.addi %mul3A_156, %add3A_409 : i32
      %add3A_411 = arith.constant 7 : i32
      %add3A_412 = arith.addi %add3A_410, %add3A_411 : i32
      %lt3A_413 = arith.constant 80 : i32
      %lt3A_414 = arith.cmpi slt, %add3A_412, %lt3A_413 : i32
      %convert_element_type3A_415 = arith.extui %lt3A_414 : i1 to i32
      %cond3A_416 = arith.constant 0 : i32
      %cond3A_417 = arith.cmpi ne, %convert_element_type3A_415, %cond3A_416 : i32
      scf.if %cond3A_417 {
        %add3A_418 = arith.constant 8 : i32
        %add3A_419 = arith.addi %mul3A_156, %add3A_418 : i32
        %add3A_420 = arith.constant 7 : i32
        %add3A_421 = arith.addi %add3A_419, %add3A_420 : i32
        %dma_start3A_422 = arith.constant 0 : i32
        %dma_start3A_423 = tpu.memref_slice %arg6[%add3A_421, %dma_start3A_422] : memref<80x125xi32, #tpu.memory_space<vmem>> -> memref<1x125xi32, #tpu.memory_space<vmem>>
        %dma_start3A_424 = tpu.memref_squeeze %dma_start3A_423 : memref<1x125xi32, #tpu.memory_space<vmem>> -> memref<125xi32, #tpu.memory_space<vmem>>
        %dma_start3A_425 = arith.constant 0 : i32
        %dma_start3A_426 = arith.constant 0 : i32
        %dma_start3A_427 = tpu.memref_slice %arg2[%dma_start3A_425, %dma_start3A_426] : memref<10000x64xf32, #tpu.memory_space<hbm>> -> memref<10000x64xf32, #tpu.memory_space<hbm>>
        tpu.enqueue_indirect_dma source(%dma_start3A_427 : memref<10000x64xf32, #tpu.memory_space<hbm>>) target(%arg15 : memref<125x64xf32, #tpu.memory_space<vmem>>) offsets(%dma_start3A_424 : memref<125xi32, #tpu.memory_space<vmem>>) semaphore(%arg24 : memref<!tpu.dma_semaphore, #tpu.memory_space<semaphore_mem>>)
      } else {
      }
    }
    %scan3A_146 = arith.constant 10 : i32
    %barrier3A_147 = arith.constant 0 : index
    tpu.barrier barrier_id(%barrier3A_147)
    %mul3A_148 = arith.constant 625 : i32
    %mul3A_149 = arith.muli %arg1, %mul3A_148 : i32
    "tpu.region"() ({
      %run_scoped3A = tpu.sem_alloc : memref<!tpu.dma_semaphore, #tpu.memory_space<semaphore_mem>>
      %dma_start3A_150 = arith.constant 0 : i32
      %dma_start3A_151 = tpu.memref_slice %arg5[%arg0, %mul3A_149, %dma_start3A_150] : memref<2x10000x64xf32, #tpu.memory_space<hbm>> -> memref<1x625x64xf32, #tpu.memory_space<hbm>>
      %dma_start3A_152 = tpu.memref_squeeze %dma_start3A_151 : memref<1x625x64xf32, #tpu.memory_space<hbm>> -> memref<625x64xf32, #tpu.memory_space<hbm>>
      %dma_start3A_153 = arith.constant 0 : i32
      %dma_start3A_154 = tpu.memref_slice %arg16[%mul3A_149, %dma_start3A_153] : memref<10000x64xf32, #tpu.memory_space<vmem_shared>> -> memref<625x64xf32, #tpu.memory_space<vmem_shared>>
      tpu.enqueue_dma source(%dma_start3A_154 : memref<625x64xf32, #tpu.memory_space<vmem_shared>>) target(%dma_start3A_152 : memref<625x64xf32, #tpu.memory_space<hbm>>) target_semaphore(%run_scoped3A : memref<!tpu.dma_semaphore, #tpu.memory_space<semaphore_mem>>)
      %dma_wait3A_155 = arith.constant 0 : i32
      %dma_wait3A_156 = tpu.memref_slice %arg5[%arg0, %mul3A_149, %dma_wait3A_155] : memref<2x10000x64xf32, #tpu.memory_space<hbm>> -> memref<1x625x64xf32, #tpu.memory_space<hbm>>
      %dma_wait3A_157 = tpu.memref_squeeze %dma_wait3A_156 : memref<1x625x64xf32, #tpu.memory_space<hbm>> -> memref<625x64xf32, #tpu.memory_space<hbm>>
      %dma_wait3A_158 = arith.constant 0 : i32
      %dma_wait3A_159 = tpu.memref_slice %arg16[%mul3A_149, %dma_wait3A_158] : memref<10000x64xf32, #tpu.memory_space<vmem_shared>> -> memref<625x64xf32, #tpu.memory_space<vmem_shared>>
      tpu.wait_dma2 semaphore(%run_scoped3A : memref<!tpu.dma_semaphore, #tpu.memory_space<semaphore_mem>>) src(%dma_wait3A_159 : memref<625x64xf32, #tpu.memory_space<vmem_shared>>) dst(%dma_wait3A_157 : memref<625x64xf32, #tpu.memory_space<hbm>>)
      tpu.yield
    }) : () -> ()
    return
  }
}

#map = affine_map<(d0, d1) -> (0, 0)>
#map1 = affine_map<(d0, d1) -> (0, 0, 0)>
module attributes {stable_mosaic.version = 14 : i64} {
  func.func @_sc_conv_body(%arg0: i32, %arg1: i32, %arg2: memref<10000x64xf32, #tpu.memory_space<hbm>>, %arg3: memref<2560x125xi32, #tpu.memory_space<hbm>>, %arg4: memref<2560x125xi32, #tpu.memory_space<hbm>>, %arg5: memref<2x10000x64xf32, #tpu.memory_space<hbm>>, %arg6: memref<80x125xi32, #tpu.memory_space<vmem>>, %arg7: memref<80x125xi32, #tpu.memory_space<vmem>>, %arg8: memref<125x64xf32, #tpu.memory_space<vmem>>, %arg9: memref<125x64xf32, #tpu.memory_space<vmem>>, %arg10: memref<125x64xf32, #tpu.memory_space<vmem>>, %arg11: memref<125x64xf32, #tpu.memory_space<vmem>>, %arg12: memref<125x64xf32, #tpu.memory_space<vmem>>, %arg13: memref<125x64xf32, #tpu.memory_space<vmem>>, %arg14: memref<125x64xf32, #tpu.memory_space<vmem>>, %arg15: memref<125x64xf32, #tpu.memory_space<vmem>>, %arg16: memref<10000x64xf32, #tpu.memory_space<vmem_shared>>, %arg17: memref<!tpu.dma_semaphore, #tpu.memory_space<semaphore_mem>>, %arg18: memref<!tpu.dma_semaphore, #tpu.memory_space<semaphore_mem>>, %arg19: memref<!tpu.dma_semaphore, #tpu.memory_space<semaphore_mem>>, %arg20: memref<!tpu.dma_semaphore, #tpu.memory_space<semaphore_mem>>, %arg21: memref<!tpu.dma_semaphore, #tpu.memory_space<semaphore_mem>>, %arg22: memref<!tpu.dma_semaphore, #tpu.memory_space<semaphore_mem>>, %arg23: memref<!tpu.dma_semaphore, #tpu.memory_space<semaphore_mem>>, %arg24: memref<!tpu.dma_semaphore, #tpu.memory_space<semaphore_mem>>, %arg25: memref<!tpu.dma_semaphore, #tpu.memory_space<semaphore_mem>>, %arg26: memref<!tpu.dma_semaphore, #tpu.memory_space<semaphore_mem>>, %arg27: memref<!tpu.dma_semaphore, #tpu.memory_space<semaphore_mem>>, %arg28: memref<!tpu.dma_semaphore, #tpu.memory_space<semaphore_mem>>, %arg29: memref<!tpu.dma_semaphore, #tpu.memory_space<semaphore_mem>>, %arg30: memref<!tpu.dma_semaphore, #tpu.memory_space<semaphore_mem>>, %arg31: memref<!tpu.dma_semaphore, #tpu.memory_space<semaphore_mem>>, %arg32: memref<!tpu.dma_semaphore, #tpu.memory_space<semaphore_mem>>) attributes {dimension_semantics = [#tpu.dimension_semantics<core_parallel>, #tpu.dimension_semantics<subcore_parallel>], iteration_bounds = array<i64: 2, 16>, scalar_prefetch = 0 : i64, scratch_operands = 27 : i64, tpu.core_type = #tpu.core_type<sc_vector_subcore>, window_params = [{transform_indices = #map}, {transform_indices = #map}, {transform_indices = #map}, {transform_indices = #map1}]} {
    %mul3A = arith.constant 2 : i32
    %mul3A_0 = arith.muli %arg1, %mul3A : i32
    %add3A = arith.addi %mul3A_0, %arg0 : i32
    %broadcast_in_dim3A = arith.constant 0.000000e+00 : f32
    %broadcast_in_dim3A_1 = vector.broadcast %broadcast_in_dim3A : f32 to vector<16xf32>
    %scan3A = arith.constant 0 : i32
    %scan3A_2 = arith.constant 125 : i32
    %scan3A_3 = arith.addi %scan3A, %scan3A_2 : i32
    %scan3A_4 = arith.constant 1 : i32
    scf.for %scan3A_150 = %scan3A to %scan3A_3 step %scan3A_4  : i32 {
      %mul3A_151 = arith.constant 1 : i32
      %mul3A_152 = arith.muli %scan3A_150, %mul3A_151 : i32
      %add3A_153 = arith.constant 0 : i32
      %add3A_154 = arith.addi %add3A_153, %mul3A_152 : i32
      %swap3A = arith.index_cast %add3A_154 : i32 to index
      %swap3A_155 = arith.constant 0 : index
      %swap3A_156 = tpu.vector_load %arg8[%swap3A, %swap3A_155] {strides = array<i32>} : memref<125x64xf32, #tpu.memory_space<vmem>>, vector<1x16xf32>,
      %swap3A_157 = vector.shape_cast %swap3A_156 : vector<1x16xf32> to vector<16xf32>
      %swap3A_158 = vector.shape_cast %broadcast_in_dim3A_1 : vector<16xf32> to vector<1x16xf32>
      tpu.vector_store %arg8[%swap3A, %swap3A_155], %swap3A_158 {strides = array<i32>} : memref<125x64xf32, #tpu.memory_space<vmem>>, vector<1x16xf32>,
      %swap3A_159 = arith.index_cast %add3A_154 : i32 to index
      %swap3A_160 = arith.constant 16 : index
      %swap3A_161 = tpu.vector_load %arg8[%swap3A_159, %swap3A_160] {strides = array<i32>} : memref<125x64xf32, #tpu.memory_space<vmem>>, vector<1x16xf32>,
      %swap3A_162 = vector.shape_cast %swap3A_161 : vector<1x16xf32> to vector<16xf32>
      %swap3A_163 = vector.shape_cast %broadcast_in_dim3A_1 : vector<16xf32> to vector<1x16xf32>
      tpu.vector_store %arg8[%swap3A_159, %swap3A_160], %swap3A_163 {strides = array<i32>} : memref<125x64xf32, #tpu.memory_space<vmem>>, vector<1x16xf32>,
      %swap3A_164 = arith.index_cast %add3A_154 : i32 to index
      %swap3A_165 = arith.constant 32 : index
      %swap3A_166 = tpu.vector_load %arg8[%swap3A_164, %swap3A_165] {strides = array<i32>} : memref<125x64xf32, #tpu.memory_space<vmem>>, vector<1x16xf32>,
      %swap3A_167 = vector.shape_cast %swap3A_166 : vector<1x16xf32> to vector<16xf32>
      %swap3A_168 = vector.shape_cast %broadcast_in_dim3A_1 : vector<16xf32> to vector<1x16xf32>
      tpu.vector_store %arg8[%swap3A_164, %swap3A_165], %swap3A_168 {strides = array<i32>} : memref<125x64xf32, #tpu.memory_space<vmem>>, vector<1x16xf32>,
      %swap3A_169 = arith.index_cast %add3A_154 : i32 to index
      %swap3A_170 = arith.constant 48 : index
      %swap3A_171 = tpu.vector_load %arg8[%swap3A_169, %swap3A_170] {strides = array<i32>} : memref<125x64xf32, #tpu.memory_space<vmem>>, vector<1x16xf32>,
      %swap3A_172 = vector.shape_cast %swap3A_171 : vector<1x16xf32> to vector<16xf32>
      %swap3A_173 = vector.shape_cast %broadcast_in_dim3A_1 : vector<16xf32> to vector<1x16xf32>
      tpu.vector_store %arg8[%swap3A_169, %swap3A_170], %swap3A_173 {strides = array<i32>} : memref<125x64xf32, #tpu.memory_space<vmem>>, vector<1x16xf32>,
    }
    %scan3A_5 = arith.constant 125 : i32
    %mul3A_6 = arith.constant 625 : i32
    %mul3A_7 = arith.muli %arg1, %mul3A_6 : i32
    %add3A_8 = arith.constant 0 : i32
    %add3A_9 = arith.addi %mul3A_7, %add3A_8 : i32
    %dma_start3A = arith.constant 0 : i32
    %dma_start3A_10 = tpu.memref_slice %arg16[%add3A_9, %dma_start3A] : memref<10000x64xf32, #tpu.memory_space<vmem_shared>> -> memref<125x64xf32, #tpu.memory_space<vmem_shared>>
    %dma_start3A_11 = arith.constant 0 : i32
    %dma_start3A_12 = tpu.memref_slice %arg16[%add3A_9, %dma_start3A_11] : memref<10000x64xf32, #tpu.memory_space<vmem_shared>> -> memref<125x64xf32, #tpu.memory_space<vmem_shared>>
    tpu.enqueue_dma source(%arg8 : memref<125x64xf32, #tpu.memory_space<vmem>>) target(%dma_start3A_12 : memref<125x64xf32, #tpu.memory_space<vmem_shared>>) target_semaphore(%arg25 : memref<!tpu.dma_semaphore, #tpu.memory_space<semaphore_mem>>)
    %mul3A_13 = arith.constant 625 : i32
    %mul3A_14 = arith.muli %arg1, %mul3A_13 : i32
    %add3A_15 = arith.constant 125 : i32
    %add3A_16 = arith.addi %mul3A_14, %add3A_15 : i32
    %dma_start3A_17 = arith.constant 0 : i32
    %dma_start3A_18 = tpu.memref_slice %arg16[%add3A_16, %dma_start3A_17] : memref<10000x64xf32, #tpu.memory_space<vmem_shared>> -> memref<125x64xf32, #tpu.memory_space<vmem_shared>>
    %dma_start3A_19 = arith.constant 0 : i32
    %dma_start3A_20 = tpu.memref_slice %arg16[%add3A_16, %dma_start3A_19] : memref<10000x64xf32, #tpu.memory_space<vmem_shared>> -> memref<125x64xf32, #tpu.memory_space<vmem_shared>>
    tpu.enqueue_dma source(%arg8 : memref<125x64xf32, #tpu.memory_space<vmem>>) target(%dma_start3A_20 : memref<125x64xf32, #tpu.memory_space<vmem_shared>>) target_semaphore(%arg26 : memref<!tpu.dma_semaphore, #tpu.memory_space<semaphore_mem>>)
    %mul3A_21 = arith.constant 625 : i32
    %mul3A_22 = arith.muli %arg1, %mul3A_21 : i32
    %add3A_23 = arith.constant 250 : i32
    %add3A_24 = arith.addi %mul3A_22, %add3A_23 : i32
    %dma_start3A_25 = arith.constant 0 : i32
    %dma_start3A_26 = tpu.memref_slice %arg16[%add3A_24, %dma_start3A_25] : memref<10000x64xf32, #tpu.memory_space<vmem_shared>> -> memref<125x64xf32, #tpu.memory_space<vmem_shared>>
    %dma_start3A_27 = arith.constant 0 : i32
    %dma_start3A_28 = tpu.memref_slice %arg16[%add3A_24, %dma_start3A_27] : memref<10000x64xf32, #tpu.memory_space<vmem_shared>> -> memref<125x64xf32, #tpu.memory_space<vmem_shared>>
    tpu.enqueue_dma source(%arg8 : memref<125x64xf32, #tpu.memory_space<vmem>>) target(%dma_start3A_28 : memref<125x64xf32, #tpu.memory_space<vmem_shared>>) target_semaphore(%arg27 : memref<!tpu.dma_semaphore, #tpu.memory_space<semaphore_mem>>)
    %mul3A_29 = arith.constant 625 : i32
    %mul3A_30 = arith.muli %arg1, %mul3A_29 : i32
    %add3A_31 = arith.constant 375 : i32
    %add3A_32 = arith.addi %mul3A_30, %add3A_31 : i32
    %dma_start3A_33 = arith.constant 0 : i32
    %dma_start3A_34 = tpu.memref_slice %arg16[%add3A_32, %dma_start3A_33] : memref<10000x64xf32, #tpu.memory_space<vmem_shared>> -> memref<125x64xf32, #tpu.memory_space<vmem_shared>>
    %dma_start3A_35 = arith.constant 0 : i32
    %dma_start3A_36 = tpu.memref_slice %arg16[%add3A_32, %dma_start3A_35] : memref<10000x64xf32, #tpu.memory_space<vmem_shared>> -> memref<125x64xf32, #tpu.memory_space<vmem_shared>>
    tpu.enqueue_dma source(%arg8 : memref<125x64xf32, #tpu.memory_space<vmem>>) target(%dma_start3A_36 : memref<125x64xf32, #tpu.memory_space<vmem_shared>>) target_semaphore(%arg28 : memref<!tpu.dma_semaphore, #tpu.memory_space<semaphore_mem>>)
    %mul3A_37 = arith.constant 625 : i32
    %mul3A_38 = arith.muli %arg1, %mul3A_37 : i32
    %add3A_39 = arith.constant 500 : i32
    %add3A_40 = arith.addi %mul3A_38, %add3A_39 : i32
    %dma_start3A_41 = arith.constant 0 : i32
    %dma_start3A_42 = tpu.memref_slice %arg16[%add3A_40, %dma_start3A_41] : memref<10000x64xf32, #tpu.memory_space<vmem_shared>> -> memref<125x64xf32, #tpu.memory_space<vmem_shared>>
    %dma_start3A_43 = arith.constant 0 : i32
    %dma_start3A_44 = tpu.memref_slice %arg16[%add3A_40, %dma_start3A_43] : memref<10000x64xf32, #tpu.memory_space<vmem_shared>> -> memref<125x64xf32, #tpu.memory_space<vmem_shared>>
    tpu.enqueue_dma source(%arg8 : memref<125x64xf32, #tpu.memory_space<vmem>>) target(%dma_start3A_44 : memref<125x64xf32, #tpu.memory_space<vmem_shared>>) target_semaphore(%arg29 : memref<!tpu.dma_semaphore, #tpu.memory_space<semaphore_mem>>)
    %mul3A_45 = arith.constant 80 : i32
    %mul3A_46 = arith.muli %add3A, %mul3A_45 : i32
    "tpu.region"() ({
      %run_scoped3A = tpu.sem_alloc : memref<!tpu.dma_semaphore, #tpu.memory_space<semaphore_mem>>
      %dma_start3A_150 = arith.constant 0 : i32
      %dma_start3A_151 = tpu.memref_slice %arg3[%mul3A_46, %dma_start3A_150] : memref<2560x125xi32, #tpu.memory_space<hbm>> -> memref<80x125xi32, #tpu.memory_space<hbm>>
      %dma_start3A_152 = arith.constant 0 : i32
      %dma_start3A_153 = tpu.memref_slice %arg3[%mul3A_46, %dma_start3A_152] : memref<2560x125xi32, #tpu.memory_space<hbm>> -> memref<80x125xi32, #tpu.memory_space<hbm>>
      tpu.enqueue_dma source(%dma_start3A_153 : memref<80x125xi32, #tpu.memory_space<hbm>>) target(%arg6 : memref<80x125xi32, #tpu.memory_space<vmem>>) target_semaphore(%run_scoped3A : memref<!tpu.dma_semaphore, #tpu.memory_space<semaphore_mem>>)
      %dma_wait3A_154 = arith.constant 0 : i32
      %dma_wait3A_155 = tpu.memref_slice %arg3[%mul3A_46, %dma_wait3A_154] : memref<2560x125xi32, #tpu.memory_space<hbm>> -> memref<80x125xi32, #tpu.memory_space<hbm>>
      %dma_wait3A_156 = arith.constant 0 : i32
      %dma_wait3A_157 = tpu.memref_slice %arg3[%mul3A_46, %dma_wait3A_156] : memref<2560x125xi32, #tpu.memory_space<hbm>> -> memref<80x125xi32, #tpu.memory_space<hbm>>
      tpu.wait_dma2 semaphore(%run_scoped3A : memref<!tpu.dma_semaphore, #tpu.memory_space<semaphore_mem>>) src(%dma_wait3A_157 : memref<80x125xi32, #tpu.memory_space<hbm>>) dst(%arg6 : memref<80x125xi32, #tpu.memory_space<vmem>>)
      tpu.yield
    }) : () -> ()
    "tpu.region"() ({
      %run_scoped3A = tpu.sem_alloc : memref<!tpu.dma_semaphore, #tpu.memory_space<semaphore_mem>>
      %dma_start3A_150 = arith.constant 0 : i32
      %dma_start3A_151 = tpu.memref_slice %arg4[%mul3A_46, %dma_start3A_150] : memref<2560x125xi32, #tpu.memory_space<hbm>> -> memref<80x125xi32, #tpu.memory_space<hbm>>
      %dma_start3A_152 = arith.constant 0 : i32
      %dma_start3A_153 = tpu.memref_slice %arg4[%mul3A_46, %dma_start3A_152] : memref<2560x125xi32, #tpu.memory_space<hbm>> -> memref<80x125xi32, #tpu.memory_space<hbm>>
      tpu.enqueue_dma source(%dma_start3A_153 : memref<80x125xi32, #tpu.memory_space<hbm>>) target(%arg7 : memref<80x125xi32, #tpu.memory_space<vmem>>) target_semaphore(%run_scoped3A : memref<!tpu.dma_semaphore, #tpu.memory_space<semaphore_mem>>)
      %dma_wait3A_154 = arith.constant 0 : i32
      %dma_wait3A_155 = tpu.memref_slice %arg4[%mul3A_46, %dma_wait3A_154] : memref<2560x125xi32, #tpu.memory_space<hbm>> -> memref<80x125xi32, #tpu.memory_space<hbm>>
      %dma_wait3A_156 = arith.constant 0 : i32
      %dma_wait3A_157 = tpu.memref_slice %arg4[%mul3A_46, %dma_wait3A_156] : memref<2560x125xi32, #tpu.memory_space<hbm>> -> memref<80x125xi32, #tpu.memory_space<hbm>>
      tpu.wait_dma2 semaphore(%run_scoped3A : memref<!tpu.dma_semaphore, #tpu.memory_space<semaphore_mem>>) src(%dma_wait3A_157 : memref<80x125xi32, #tpu.memory_space<hbm>>) dst(%arg7 : memref<80x125xi32, #tpu.memory_space<vmem>>)
      tpu.yield
    }) : () -> ()
    %mul3A_47 = arith.constant 625 : i32
    %mul3A_48 = arith.muli %arg1, %mul3A_47 : i32
    %add3A_49 = arith.constant 0 : i32
    %add3A_50 = arith.addi %mul3A_48, %add3A_49 : i32
    %dma_wait3A = arith.constant 0 : i32
    %dma_wait3A_51 = tpu.memref_slice %arg16[%add3A_50, %dma_wait3A] : memref<10000x64xf32, #tpu.memory_space<vmem_shared>> -> memref<125x64xf32, #tpu.memory_space<vmem_shared>>
    %dma_wait3A_52 = arith.constant 0 : i32
    %dma_wait3A_53 = tpu.memref_slice %arg16[%add3A_50, %dma_wait3A_52] : memref<10000x64xf32, #tpu.memory_space<vmem_shared>> -> memref<125x64xf32, #tpu.memory_space<vmem_shared>>
    tpu.wait_dma2 semaphore(%arg25 : memref<!tpu.dma_semaphore, #tpu.memory_space<semaphore_mem>>) src(%arg8 : memref<125x64xf32, #tpu.memory_space<vmem>>) dst(%dma_wait3A_53 : memref<125x64xf32, #tpu.memory_space<vmem_shared>>)
    %mul3A_54 = arith.constant 625 : i32
    %mul3A_55 = arith.muli %arg1, %mul3A_54 : i32
    %add3A_56 = arith.constant 125 : i32
    %add3A_57 = arith.addi %mul3A_55, %add3A_56 : i32
    %dma_wait3A_58 = arith.constant 0 : i32
    %dma_wait3A_59 = tpu.memref_slice %arg16[%add3A_57, %dma_wait3A_58] : memref<10000x64xf32, #tpu.memory_space<vmem_shared>> -> memref<125x64xf32, #tpu.memory_space<vmem_shared>>
    %dma_wait3A_60 = arith.constant 0 : i32
    %dma_wait3A_61 = tpu.memref_slice %arg16[%add3A_57, %dma_wait3A_60] : memref<10000x64xf32, #tpu.memory_space<vmem_shared>> -> memref<125x64xf32, #tpu.memory_space<vmem_shared>>
    tpu.wait_dma2 semaphore(%arg26 : memref<!tpu.dma_semaphore, #tpu.memory_space<semaphore_mem>>) src(%arg8 : memref<125x64xf32, #tpu.memory_space<vmem>>) dst(%dma_wait3A_61 : memref<125x64xf32, #tpu.memory_space<vmem_shared>>)
    %mul3A_62 = arith.constant 625 : i32
    %mul3A_63 = arith.muli %arg1, %mul3A_62 : i32
    %add3A_64 = arith.constant 250 : i32
    %add3A_65 = arith.addi %mul3A_63, %add3A_64 : i32
    %dma_wait3A_66 = arith.constant 0 : i32
    %dma_wait3A_67 = tpu.memref_slice %arg16[%add3A_65, %dma_wait3A_66] : memref<10000x64xf32, #tpu.memory_space<vmem_shared>> -> memref<125x64xf32, #tpu.memory_space<vmem_shared>>
    %dma_wait3A_68 = arith.constant 0 : i32
    %dma_wait3A_69 = tpu.memref_slice %arg16[%add3A_65, %dma_wait3A_68] : memref<10000x64xf32, #tpu.memory_space<vmem_shared>> -> memref<125x64xf32, #tpu.memory_space<vmem_shared>>
    tpu.wait_dma2 semaphore(%arg27 : memref<!tpu.dma_semaphore, #tpu.memory_space<semaphore_mem>>) src(%arg8 : memref<125x64xf32, #tpu.memory_space<vmem>>) dst(%dma_wait3A_69 : memref<125x64xf32, #tpu.memory_space<vmem_shared>>)
    %mul3A_70 = arith.constant 625 : i32
    %mul3A_71 = arith.muli %arg1, %mul3A_70 : i32
    %add3A_72 = arith.constant 375 : i32
    %add3A_73 = arith.addi %mul3A_71, %add3A_72 : i32
    %dma_wait3A_74 = arith.constant 0 : i32
    %dma_wait3A_75 = tpu.memref_slice %arg16[%add3A_73, %dma_wait3A_74] : memref<10000x64xf32, #tpu.memory_space<vmem_shared>> -> memref<125x64xf32, #tpu.memory_space<vmem_shared>>
    %dma_wait3A_76 = arith.constant 0 : i32
    %dma_wait3A_77 = tpu.memref_slice %arg16[%add3A_73, %dma_wait3A_76] : memref<10000x64xf32, #tpu.memory_space<vmem_shared>> -> memref<125x64xf32, #tpu.memory_space<vmem_shared>>
    tpu.wait_dma2 semaphore(%arg28 : memref<!tpu.dma_semaphore, #tpu.memory_space<semaphore_mem>>) src(%arg8 : memref<125x64xf32, #tpu.memory_space<vmem>>) dst(%dma_wait3A_77 : memref<125x64xf32, #tpu.memory_space<vmem_shared>>)
    %mul3A_78 = arith.constant 625 : i32
    %mul3A_79 = arith.muli %arg1, %mul3A_78 : i32
    %add3A_80 = arith.constant 500 : i32
    %add3A_81 = arith.addi %mul3A_79, %add3A_80 : i32
    %dma_wait3A_82 = arith.constant 0 : i32
    %dma_wait3A_83 = tpu.memref_slice %arg16[%add3A_81, %dma_wait3A_82] : memref<10000x64xf32, #tpu.memory_space<vmem_shared>> -> memref<125x64xf32, #tpu.memory_space<vmem_shared>>
    %dma_wait3A_84 = arith.constant 0 : i32
    %dma_wait3A_85 = tpu.memref_slice %arg16[%add3A_81, %dma_wait3A_84] : memref<10000x64xf32, #tpu.memory_space<vmem_shared>> -> memref<125x64xf32, #tpu.memory_space<vmem_shared>>
    tpu.wait_dma2 semaphore(%arg29 : memref<!tpu.dma_semaphore, #tpu.memory_space<semaphore_mem>>) src(%arg8 : memref<125x64xf32, #tpu.memory_space<vmem>>) dst(%dma_wait3A_85 : memref<125x64xf32, #tpu.memory_space<vmem_shared>>)
    %barrier3A = arith.constant 0 : index
    tpu.barrier barrier_id(%barrier3A)
    %dma_start3A_86 = arith.constant 0 : i32
    %dma_start3A_87 = arith.constant 0 : i32
    %dma_start3A_88 = tpu.memref_slice %arg6[%dma_start3A_86, %dma_start3A_87] : memref<80x125xi32, #tpu.memory_space<vmem>> -> memref<1x125xi32, #tpu.memory_space<vmem>>
    %dma_start3A_89 = tpu.memref_squeeze %dma_start3A_88 : memref<1x125xi32, #tpu.memory_space<vmem>> -> memref<125xi32, #tpu.memory_space<vmem>>
    %dma_start3A_90 = arith.constant 0 : i32
    %dma_start3A_91 = arith.constant 0 : i32
    %dma_start3A_92 = tpu.memref_slice %arg2[%dma_start3A_90, %dma_start3A_91] : memref<10000x64xf32, #tpu.memory_space<hbm>> -> memref<10000x64xf32, #tpu.memory_space<hbm>>
    tpu.enqueue_indirect_dma source(%dma_start3A_92 : memref<10000x64xf32, #tpu.memory_space<hbm>>) target(%arg8 : memref<125x64xf32, #tpu.memory_space<vmem>>) offsets(%dma_start3A_89 : memref<125xi32, #tpu.memory_space<vmem>>) semaphore(%arg17 : memref<!tpu.dma_semaphore, #tpu.memory_space<semaphore_mem>>)
    %dma_start3A_93 = arith.constant 1 : i32
    %dma_start3A_94 = arith.constant 0 : i32
    %dma_start3A_95 = tpu.memref_slice %arg6[%dma_start3A_93, %dma_start3A_94] : memref<80x125xi32, #tpu.memory_space<vmem>> -> memref<1x125xi32, #tpu.memory_space<vmem>>
    %dma_start3A_96 = tpu.memref_squeeze %dma_start3A_95 : memref<1x125xi32, #tpu.memory_space<vmem>> -> memref<125xi32, #tpu.memory_space<vmem>>
    %dma_start3A_97 = arith.constant 0 : i32
    %dma_start3A_98 = arith.constant 0 : i32
    %dma_start3A_99 = tpu.memref_slice %arg2[%dma_start3A_97, %dma_start3A_98] : memref<10000x64xf32, #tpu.memory_space<hbm>> -> memref<10000x64xf32, #tpu.memory_space<hbm>>
    tpu.enqueue_indirect_dma source(%dma_start3A_99 : memref<10000x64xf32, #tpu.memory_space<hbm>>) target(%arg9 : memref<125x64xf32, #tpu.memory_space<vmem>>) offsets(%dma_start3A_96 : memref<125xi32, #tpu.memory_space<vmem>>) semaphore(%arg18 : memref<!tpu.dma_semaphore, #tpu.memory_space<semaphore_mem>>)
    %dma_start3A_100 = arith.constant 2 : i32
    %dma_start3A_101 = arith.constant 0 : i32
    %dma_start3A_102 = tpu.memref_slice %arg6[%dma_start3A_100, %dma_start3A_101] : memref<80x125xi32, #tpu.memory_space<vmem>> -> memref<1x125xi32, #tpu.memory_space<vmem>>
    %dma_start3A_103 = tpu.memref_squeeze %dma_start3A_102 : memref<1x125xi32, #tpu.memory_space<vmem>> -> memref<125xi32, #tpu.memory_space<vmem>>
    %dma_start3A_104 = arith.constant 0 : i32
    %dma_start3A_105 = arith.constant 0 : i32
    %dma_start3A_106 = tpu.memref_slice %arg2[%dma_start3A_104, %dma_start3A_105] : memref<10000x64xf32, #tpu.memory_space<hbm>> -> memref<10000x64xf32, #tpu.memory_space<hbm>>
    tpu.enqueue_indirect_dma source(%dma_start3A_106 : memref<10000x64xf32, #tpu.memory_space<hbm>>) target(%arg10 : memref<125x64xf32, #tpu.memory_space<vmem>>) offsets(%dma_start3A_103 : memref<125xi32, #tpu.memory_space<vmem>>) semaphore(%arg19 : memref<!tpu.dma_semaphore, #tpu.memory_space<semaphore_mem>>)
    %dma_start3A_107 = arith.constant 3 : i32
    %dma_start3A_108 = arith.constant 0 : i32
    %dma_start3A_109 = tpu.memref_slice %arg6[%dma_start3A_107, %dma_start3A_108] : memref<80x125xi32, #tpu.memory_space<vmem>> -> memref<1x125xi32, #tpu.memory_space<vmem>>
    %dma_start3A_110 = tpu.memref_squeeze %dma_start3A_109 : memref<1x125xi32, #tpu.memory_space<vmem>> -> memref<125xi32, #tpu.memory_space<vmem>>
    %dma_start3A_111 = arith.constant 0 : i32
    %dma_start3A_112 = arith.constant 0 : i32
    %dma_start3A_113 = tpu.memref_slice %arg2[%dma_start3A_111, %dma_start3A_112] : memref<10000x64xf32, #tpu.memory_space<hbm>> -> memref<10000x64xf32, #tpu.memory_space<hbm>>
    tpu.enqueue_indirect_dma source(%dma_start3A_113 : memref<10000x64xf32, #tpu.memory_space<hbm>>) target(%arg11 : memref<125x64xf32, #tpu.memory_space<vmem>>) offsets(%dma_start3A_110 : memref<125xi32, #tpu.memory_space<vmem>>) semaphore(%arg20 : memref<!tpu.dma_semaphore, #tpu.memory_space<semaphore_mem>>)
    %dma_start3A_114 = arith.constant 4 : i32
    %dma_start3A_115 = arith.constant 0 : i32
    %dma_start3A_116 = tpu.memref_slice %arg6[%dma_start3A_114, %dma_start3A_115] : memref<80x125xi32, #tpu.memory_space<vmem>> -> memref<1x125xi32, #tpu.memory_space<vmem>>
    %dma_start3A_117 = tpu.memref_squeeze %dma_start3A_116 : memref<1x125xi32, #tpu.memory_space<vmem>> -> memref<125xi32, #tpu.memory_space<vmem>>
    %dma_start3A_118 = arith.constant 0 : i32
    %dma_start3A_119 = arith.constant 0 : i32
    %dma_start3A_120 = tpu.memref_slice %arg2[%dma_start3A_118, %dma_start3A_119] : memref<10000x64xf32, #tpu.memory_space<hbm>> -> memref<10000x64xf32, #tpu.memory_space<hbm>>
    tpu.enqueue_indirect_dma source(%dma_start3A_120 : memref<10000x64xf32, #tpu.memory_space<hbm>>) target(%arg12 : memref<125x64xf32, #tpu.memory_space<vmem>>) offsets(%dma_start3A_117 : memref<125xi32, #tpu.memory_space<vmem>>) semaphore(%arg21 : memref<!tpu.dma_semaphore, #tpu.memory_space<semaphore_mem>>)
    %dma_start3A_121 = arith.constant 5 : i32
    %dma_start3A_122 = arith.constant 0 : i32
    %dma_start3A_123 = tpu.memref_slice %arg6[%dma_start3A_121, %dma_start3A_122] : memref<80x125xi32, #tpu.memory_space<vmem>> -> memref<1x125xi32, #tpu.memory_space<vmem>>
    %dma_start3A_124 = tpu.memref_squeeze %dma_start3A_123 : memref<1x125xi32, #tpu.memory_space<vmem>> -> memref<125xi32, #tpu.memory_space<vmem>>
    %dma_start3A_125 = arith.constant 0 : i32
    %dma_start3A_126 = arith.constant 0 : i32
    %dma_start3A_127 = tpu.memref_slice %arg2[%dma_start3A_125, %dma_start3A_126] : memref<10000x64xf32, #tpu.memory_space<hbm>> -> memref<10000x64xf32, #tpu.memory_space<hbm>>
    tpu.enqueue_indirect_dma source(%dma_start3A_127 : memref<10000x64xf32, #tpu.memory_space<hbm>>) target(%arg13 : memref<125x64xf32, #tpu.memory_space<vmem>>) offsets(%dma_start3A_124 : memref<125xi32, #tpu.memory_space<vmem>>) semaphore(%arg22 : memref<!tpu.dma_semaphore, #tpu.memory_space<semaphore_mem>>)
    %dma_start3A_128 = arith.constant 6 : i32
    %dma_start3A_129 = arith.constant 0 : i32
    %dma_start3A_130 = tpu.memref_slice %arg6[%dma_start3A_128, %dma_start3A_129] : memref<80x125xi32, #tpu.memory_space<vmem>> -> memref<1x125xi32, #tpu.memory_space<vmem>>
    %dma_start3A_131 = tpu.memref_squeeze %dma_start3A_130 : memref<1x125xi32, #tpu.memory_space<vmem>> -> memref<125xi32, #tpu.memory_space<vmem>>
    %dma_start3A_132 = arith.constant 0 : i32
    %dma_start3A_133 = arith.constant 0 : i32
    %dma_start3A_134 = tpu.memref_slice %arg2[%dma_start3A_132, %dma_start3A_133] : memref<10000x64xf32, #tpu.memory_space<hbm>> -> memref<10000x64xf32, #tpu.memory_space<hbm>>
    tpu.enqueue_indirect_dma source(%dma_start3A_134 : memref<10000x64xf32, #tpu.memory_space<hbm>>) target(%arg14 : memref<125x64xf32, #tpu.memory_space<vmem>>) offsets(%dma_start3A_131 : memref<125xi32, #tpu.memory_space<vmem>>) semaphore(%arg23 : memref<!tpu.dma_semaphore, #tpu.memory_space<semaphore_mem>>)
    %dma_start3A_135 = arith.constant 7 : i32
    %dma_start3A_136 = arith.constant 0 : i32
    %dma_start3A_137 = tpu.memref_slice %arg6[%dma_start3A_135, %dma_start3A_136] : memref<80x125xi32, #tpu.memory_space<vmem>> -> memref<1x125xi32, #tpu.memory_space<vmem>>
    %dma_start3A_138 = tpu.memref_squeeze %dma_start3A_137 : memref<1x125xi32, #tpu.memory_space<vmem>> -> memref<125xi32, #tpu.memory_space<vmem>>
    %dma_start3A_139 = arith.constant 0 : i32
    %dma_start3A_140 = arith.constant 0 : i32
    %dma_start3A_141 = tpu.memref_slice %arg2[%dma_start3A_139, %dma_start3A_140] : memref<10000x64xf32, #tpu.memory_space<hbm>> -> memref<10000x64xf32, #tpu.memory_space<hbm>>
    tpu.enqueue_indirect_dma source(%dma_start3A_141 : memref<10000x64xf32, #tpu.memory_space<hbm>>) target(%arg15 : memref<125x64xf32, #tpu.memory_space<vmem>>) offsets(%dma_start3A_138 : memref<125xi32, #tpu.memory_space<vmem>>) semaphore(%arg24 : memref<!tpu.dma_semaphore, #tpu.memory_space<semaphore_mem>>)
    %scan3A_142 = arith.constant 0 : i32
    %scan3A_143 = arith.constant 10 : i32
    %scan3A_144 = arith.addi %scan3A_142, %scan3A_143 : i32
    %scan3A_145 = arith.constant 1 : i32
    scf.for %scan3A_150 = %scan3A_142 to %scan3A_144 step %scan3A_145  : i32 {
      %mul3A_151 = arith.constant 1 : i32
      %mul3A_152 = arith.muli %scan3A_150, %mul3A_151 : i32
      %add3A_153 = arith.constant 0 : i32
      %add3A_154 = arith.addi %add3A_153, %mul3A_152 : i32
      %mul3A_155 = arith.constant 8 : i32
      %mul3A_156 = arith.muli %add3A_154, %mul3A_155 : i32
      %add3A_157 = arith.constant 0 : i32
      %add3A_158 = arith.addi %mul3A_156, %add3A_157 : i32
      %dma_wait3A_159 = arith.constant 0 : i32
      %dma_wait3A_160 = tpu.memref_slice %arg6[%add3A_158, %dma_wait3A_159] : memref<80x125xi32, #tpu.memory_space<vmem>> -> memref<1x125xi32, #tpu.memory_space<vmem>>
      %dma_wait3A_161 = tpu.memref_squeeze %dma_wait3A_160 : memref<1x125xi32, #tpu.memory_space<vmem>> -> memref<125xi32, #tpu.memory_space<vmem>>
      %dma_wait3A_162 = arith.constant 0 : i32
      %dma_wait3A_163 = arith.constant 0 : i32
      %dma_wait3A_164 = tpu.memref_slice %arg2[%dma_wait3A_162, %dma_wait3A_163] : memref<10000x64xf32, #tpu.memory_space<hbm>> -> memref<10000x64xf32, #tpu.memory_space<hbm>>
      tpu.wait_indirect_dma semaphore(%arg17 : memref<!tpu.dma_semaphore, #tpu.memory_space<semaphore_mem>>) src(%dma_wait3A_164 : memref<10000x64xf32, #tpu.memory_space<hbm>>) dst(%arg8 : memref<125x64xf32, #tpu.memory_space<vmem>>)
      %add3A_165 = arith.constant 0 : i32
      %add3A_166 = arith.addi %mul3A_156, %add3A_165 : i32
      %dma_start3A_167 = arith.constant 0 : i32
      %dma_start3A_168 = tpu.memref_slice %arg7[%add3A_166, %dma_start3A_167] : memref<80x125xi32, #tpu.memory_space<vmem>> -> memref<1x125xi32, #tpu.memory_space<vmem>>
      %dma_start3A_169 = tpu.memref_squeeze %dma_start3A_168 : memref<1x125xi32, #tpu.memory_space<vmem>> -> memref<125xi32, #tpu.memory_space<vmem>>
      %dma_start3A_170 = arith.constant 0 : i32
      %dma_start3A_171 = arith.constant 0 : i32
      %dma_start3A_172 = tpu.memref_slice %arg16[%dma_start3A_170, %dma_start3A_171] : memref<10000x64xf32, #tpu.memory_space<vmem_shared>> -> memref<10000x64xf32, #tpu.memory_space<vmem_shared>>
      tpu.enqueue_indirect_dma source(%arg8 : memref<125x64xf32, #tpu.memory_space<vmem>>) target(%dma_start3A_172 : memref<10000x64xf32, #tpu.memory_space<vmem_shared>>) offsets(%dma_start3A_169 : memref<125xi32, #tpu.memory_space<vmem>>) semaphore(%arg25 : memref<!tpu.dma_semaphore, #tpu.memory_space<semaphore_mem>>) {add = true}
      %add3A_173 = arith.constant 1 : i32
      %add3A_174 = arith.addi %mul3A_156, %add3A_173 : i32
      %dma_wait3A_175 = arith.constant 0 : i32
      %dma_wait3A_176 = tpu.memref_slice %arg6[%add3A_174, %dma_wait3A_175] : memref<80x125xi32, #tpu.memory_space<vmem>> -> memref<1x125xi32, #tpu.memory_space<vmem>>
      %dma_wait3A_177 = tpu.memref_squeeze %dma_wait3A_176 : memref<1x125xi32, #tpu.memory_space<vmem>> -> memref<125xi32, #tpu.memory_space<vmem>>
      %dma_wait3A_178 = arith.constant 0 : i32
      %dma_wait3A_179 = arith.constant 0 : i32
      %dma_wait3A_180 = tpu.memref_slice %arg2[%dma_wait3A_178, %dma_wait3A_179] : memref<10000x64xf32, #tpu.memory_space<hbm>> -> memref<10000x64xf32, #tpu.memory_space<hbm>>
      tpu.wait_indirect_dma semaphore(%arg18 : memref<!tpu.dma_semaphore, #tpu.memory_space<semaphore_mem>>) src(%dma_wait3A_180 : memref<10000x64xf32, #tpu.memory_space<hbm>>) dst(%arg9 : memref<125x64xf32, #tpu.memory_space<vmem>>)
      %add3A_181 = arith.constant 1 : i32
      %add3A_182 = arith.addi %mul3A_156, %add3A_181 : i32
      %dma_start3A_183 = arith.constant 0 : i32
      %dma_start3A_184 = tpu.memref_slice %arg7[%add3A_182, %dma_start3A_183] : memref<80x125xi32, #tpu.memory_space<vmem>> -> memref<1x125xi32, #tpu.memory_space<vmem>>
      %dma_start3A_185 = tpu.memref_squeeze %dma_start3A_184 : memref<1x125xi32, #tpu.memory_space<vmem>> -> memref<125xi32, #tpu.memory_space<vmem>>
      %dma_start3A_186 = arith.constant 0 : i32
      %dma_start3A_187 = arith.constant 0 : i32
      %dma_start3A_188 = tpu.memref_slice %arg16[%dma_start3A_186, %dma_start3A_187] : memref<10000x64xf32, #tpu.memory_space<vmem_shared>> -> memref<10000x64xf32, #tpu.memory_space<vmem_shared>>
      tpu.enqueue_indirect_dma source(%arg9 : memref<125x64xf32, #tpu.memory_space<vmem>>) target(%dma_start3A_188 : memref<10000x64xf32, #tpu.memory_space<vmem_shared>>) offsets(%dma_start3A_185 : memref<125xi32, #tpu.memory_space<vmem>>) semaphore(%arg26 : memref<!tpu.dma_semaphore, #tpu.memory_space<semaphore_mem>>) {add = true}
      %add3A_189 = arith.constant 2 : i32
      %add3A_190 = arith.addi %mul3A_156, %add3A_189 : i32
      %dma_wait3A_191 = arith.constant 0 : i32
      %dma_wait3A_192 = tpu.memref_slice %arg6[%add3A_190, %dma_wait3A_191] : memref<80x125xi32, #tpu.memory_space<vmem>> -> memref<1x125xi32, #tpu.memory_space<vmem>>
      %dma_wait3A_193 = tpu.memref_squeeze %dma_wait3A_192 : memref<1x125xi32, #tpu.memory_space<vmem>> -> memref<125xi32, #tpu.memory_space<vmem>>
      %dma_wait3A_194 = arith.constant 0 : i32
      %dma_wait3A_195 = arith.constant 0 : i32
      %dma_wait3A_196 = tpu.memref_slice %arg2[%dma_wait3A_194, %dma_wait3A_195] : memref<10000x64xf32, #tpu.memory_space<hbm>> -> memref<10000x64xf32, #tpu.memory_space<hbm>>
      tpu.wait_indirect_dma semaphore(%arg19 : memref<!tpu.dma_semaphore, #tpu.memory_space<semaphore_mem>>) src(%dma_wait3A_196 : memref<10000x64xf32, #tpu.memory_space<hbm>>) dst(%arg10 : memref<125x64xf32, #tpu.memory_space<vmem>>)
      %add3A_197 = arith.constant 2 : i32
      %add3A_198 = arith.addi %mul3A_156, %add3A_197 : i32
      %dma_start3A_199 = arith.constant 0 : i32
      %dma_start3A_200 = tpu.memref_slice %arg7[%add3A_198, %dma_start3A_199] : memref<80x125xi32, #tpu.memory_space<vmem>> -> memref<1x125xi32, #tpu.memory_space<vmem>>
      %dma_start3A_201 = tpu.memref_squeeze %dma_start3A_200 : memref<1x125xi32, #tpu.memory_space<vmem>> -> memref<125xi32, #tpu.memory_space<vmem>>
      %dma_start3A_202 = arith.constant 0 : i32
      %dma_start3A_203 = arith.constant 0 : i32
      %dma_start3A_204 = tpu.memref_slice %arg16[%dma_start3A_202, %dma_start3A_203] : memref<10000x64xf32, #tpu.memory_space<vmem_shared>> -> memref<10000x64xf32, #tpu.memory_space<vmem_shared>>
      tpu.enqueue_indirect_dma source(%arg10 : memref<125x64xf32, #tpu.memory_space<vmem>>) target(%dma_start3A_204 : memref<10000x64xf32, #tpu.memory_space<vmem_shared>>) offsets(%dma_start3A_201 : memref<125xi32, #tpu.memory_space<vmem>>) semaphore(%arg27 : memref<!tpu.dma_semaphore, #tpu.memory_space<semaphore_mem>>) {add = true}
      %add3A_205 = arith.constant 3 : i32
      %add3A_206 = arith.addi %mul3A_156, %add3A_205 : i32
      %dma_wait3A_207 = arith.constant 0 : i32
      %dma_wait3A_208 = tpu.memref_slice %arg6[%add3A_206, %dma_wait3A_207] : memref<80x125xi32, #tpu.memory_space<vmem>> -> memref<1x125xi32, #tpu.memory_space<vmem>>
      %dma_wait3A_209 = tpu.memref_squeeze %dma_wait3A_208 : memref<1x125xi32, #tpu.memory_space<vmem>> -> memref<125xi32, #tpu.memory_space<vmem>>
      %dma_wait3A_210 = arith.constant 0 : i32
      %dma_wait3A_211 = arith.constant 0 : i32
      %dma_wait3A_212 = tpu.memref_slice %arg2[%dma_wait3A_210, %dma_wait3A_211] : memref<10000x64xf32, #tpu.memory_space<hbm>> -> memref<10000x64xf32, #tpu.memory_space<hbm>>
      tpu.wait_indirect_dma semaphore(%arg20 : memref<!tpu.dma_semaphore, #tpu.memory_space<semaphore_mem>>) src(%dma_wait3A_212 : memref<10000x64xf32, #tpu.memory_space<hbm>>) dst(%arg11 : memref<125x64xf32, #tpu.memory_space<vmem>>)
      %add3A_213 = arith.constant 3 : i32
      %add3A_214 = arith.addi %mul3A_156, %add3A_213 : i32
      %dma_start3A_215 = arith.constant 0 : i32
      %dma_start3A_216 = tpu.memref_slice %arg7[%add3A_214, %dma_start3A_215] : memref<80x125xi32, #tpu.memory_space<vmem>> -> memref<1x125xi32, #tpu.memory_space<vmem>>
      %dma_start3A_217 = tpu.memref_squeeze %dma_start3A_216 : memref<1x125xi32, #tpu.memory_space<vmem>> -> memref<125xi32, #tpu.memory_space<vmem>>
      %dma_start3A_218 = arith.constant 0 : i32
      %dma_start3A_219 = arith.constant 0 : i32
      %dma_start3A_220 = tpu.memref_slice %arg16[%dma_start3A_218, %dma_start3A_219] : memref<10000x64xf32, #tpu.memory_space<vmem_shared>> -> memref<10000x64xf32, #tpu.memory_space<vmem_shared>>
      tpu.enqueue_indirect_dma source(%arg11 : memref<125x64xf32, #tpu.memory_space<vmem>>) target(%dma_start3A_220 : memref<10000x64xf32, #tpu.memory_space<vmem_shared>>) offsets(%dma_start3A_217 : memref<125xi32, #tpu.memory_space<vmem>>) semaphore(%arg28 : memref<!tpu.dma_semaphore, #tpu.memory_space<semaphore_mem>>) {add = true}
      %add3A_221 = arith.constant 4 : i32
      %add3A_222 = arith.addi %mul3A_156, %add3A_221 : i32
      %dma_wait3A_223 = arith.constant 0 : i32
      %dma_wait3A_224 = tpu.memref_slice %arg6[%add3A_222, %dma_wait3A_223] : memref<80x125xi32, #tpu.memory_space<vmem>> -> memref<1x125xi32, #tpu.memory_space<vmem>>
      %dma_wait3A_225 = tpu.memref_squeeze %dma_wait3A_224 : memref<1x125xi32, #tpu.memory_space<vmem>> -> memref<125xi32, #tpu.memory_space<vmem>>
      %dma_wait3A_226 = arith.constant 0 : i32
      %dma_wait3A_227 = arith.constant 0 : i32
      %dma_wait3A_228 = tpu.memref_slice %arg2[%dma_wait3A_226, %dma_wait3A_227] : memref<10000x64xf32, #tpu.memory_space<hbm>> -> memref<10000x64xf32, #tpu.memory_space<hbm>>
      tpu.wait_indirect_dma semaphore(%arg21 : memref<!tpu.dma_semaphore, #tpu.memory_space<semaphore_mem>>) src(%dma_wait3A_228 : memref<10000x64xf32, #tpu.memory_space<hbm>>) dst(%arg12 : memref<125x64xf32, #tpu.memory_space<vmem>>)
      %add3A_229 = arith.constant 4 : i32
      %add3A_230 = arith.addi %mul3A_156, %add3A_229 : i32
      %dma_start3A_231 = arith.constant 0 : i32
      %dma_start3A_232 = tpu.memref_slice %arg7[%add3A_230, %dma_start3A_231] : memref<80x125xi32, #tpu.memory_space<vmem>> -> memref<1x125xi32, #tpu.memory_space<vmem>>
      %dma_start3A_233 = tpu.memref_squeeze %dma_start3A_232 : memref<1x125xi32, #tpu.memory_space<vmem>> -> memref<125xi32, #tpu.memory_space<vmem>>
      %dma_start3A_234 = arith.constant 0 : i32
      %dma_start3A_235 = arith.constant 0 : i32
      %dma_start3A_236 = tpu.memref_slice %arg16[%dma_start3A_234, %dma_start3A_235] : memref<10000x64xf32, #tpu.memory_space<vmem_shared>> -> memref<10000x64xf32, #tpu.memory_space<vmem_shared>>
      tpu.enqueue_indirect_dma source(%arg12 : memref<125x64xf32, #tpu.memory_space<vmem>>) target(%dma_start3A_236 : memref<10000x64xf32, #tpu.memory_space<vmem_shared>>) offsets(%dma_start3A_233 : memref<125xi32, #tpu.memory_space<vmem>>) semaphore(%arg29 : memref<!tpu.dma_semaphore, #tpu.memory_space<semaphore_mem>>) {add = true}
      %add3A_237 = arith.constant 5 : i32
      %add3A_238 = arith.addi %mul3A_156, %add3A_237 : i32
      %dma_wait3A_239 = arith.constant 0 : i32
      %dma_wait3A_240 = tpu.memref_slice %arg6[%add3A_238, %dma_wait3A_239] : memref<80x125xi32, #tpu.memory_space<vmem>> -> memref<1x125xi32, #tpu.memory_space<vmem>>
      %dma_wait3A_241 = tpu.memref_squeeze %dma_wait3A_240 : memref<1x125xi32, #tpu.memory_space<vmem>> -> memref<125xi32, #tpu.memory_space<vmem>>
      %dma_wait3A_242 = arith.constant 0 : i32
      %dma_wait3A_243 = arith.constant 0 : i32
      %dma_wait3A_244 = tpu.memref_slice %arg2[%dma_wait3A_242, %dma_wait3A_243] : memref<10000x64xf32, #tpu.memory_space<hbm>> -> memref<10000x64xf32, #tpu.memory_space<hbm>>
      tpu.wait_indirect_dma semaphore(%arg22 : memref<!tpu.dma_semaphore, #tpu.memory_space<semaphore_mem>>) src(%dma_wait3A_244 : memref<10000x64xf32, #tpu.memory_space<hbm>>) dst(%arg13 : memref<125x64xf32, #tpu.memory_space<vmem>>)
      %add3A_245 = arith.constant 5 : i32
      %add3A_246 = arith.addi %mul3A_156, %add3A_245 : i32
      %dma_start3A_247 = arith.constant 0 : i32
      %dma_start3A_248 = tpu.memref_slice %arg7[%add3A_246, %dma_start3A_247] : memref<80x125xi32, #tpu.memory_space<vmem>> -> memref<1x125xi32, #tpu.memory_space<vmem>>
      %dma_start3A_249 = tpu.memref_squeeze %dma_start3A_248 : memref<1x125xi32, #tpu.memory_space<vmem>> -> memref<125xi32, #tpu.memory_space<vmem>>
      %dma_start3A_250 = arith.constant 0 : i32
      %dma_start3A_251 = arith.constant 0 : i32
      %dma_start3A_252 = tpu.memref_slice %arg16[%dma_start3A_250, %dma_start3A_251] : memref<10000x64xf32, #tpu.memory_space<vmem_shared>> -> memref<10000x64xf32, #tpu.memory_space<vmem_shared>>
      tpu.enqueue_indirect_dma source(%arg13 : memref<125x64xf32, #tpu.memory_space<vmem>>) target(%dma_start3A_252 : memref<10000x64xf32, #tpu.memory_space<vmem_shared>>) offsets(%dma_start3A_249 : memref<125xi32, #tpu.memory_space<vmem>>) semaphore(%arg30 : memref<!tpu.dma_semaphore, #tpu.memory_space<semaphore_mem>>) {add = true}
      %add3A_253 = arith.constant 6 : i32
      %add3A_254 = arith.addi %mul3A_156, %add3A_253 : i32
      %dma_wait3A_255 = arith.constant 0 : i32
      %dma_wait3A_256 = tpu.memref_slice %arg6[%add3A_254, %dma_wait3A_255] : memref<80x125xi32, #tpu.memory_space<vmem>> -> memref<1x125xi32, #tpu.memory_space<vmem>>
      %dma_wait3A_257 = tpu.memref_squeeze %dma_wait3A_256 : memref<1x125xi32, #tpu.memory_space<vmem>> -> memref<125xi32, #tpu.memory_space<vmem>>
      %dma_wait3A_258 = arith.constant 0 : i32
      %dma_wait3A_259 = arith.constant 0 : i32
      %dma_wait3A_260 = tpu.memref_slice %arg2[%dma_wait3A_258, %dma_wait3A_259] : memref<10000x64xf32, #tpu.memory_space<hbm>> -> memref<10000x64xf32, #tpu.memory_space<hbm>>
      tpu.wait_indirect_dma semaphore(%arg23 : memref<!tpu.dma_semaphore, #tpu.memory_space<semaphore_mem>>) src(%dma_wait3A_260 : memref<10000x64xf32, #tpu.memory_space<hbm>>) dst(%arg14 : memref<125x64xf32, #tpu.memory_space<vmem>>)
      %add3A_261 = arith.constant 6 : i32
      %add3A_262 = arith.addi %mul3A_156, %add3A_261 : i32
      %dma_start3A_263 = arith.constant 0 : i32
      %dma_start3A_264 = tpu.memref_slice %arg7[%add3A_262, %dma_start3A_263] : memref<80x125xi32, #tpu.memory_space<vmem>> -> memref<1x125xi32, #tpu.memory_space<vmem>>
      %dma_start3A_265 = tpu.memref_squeeze %dma_start3A_264 : memref<1x125xi32, #tpu.memory_space<vmem>> -> memref<125xi32, #tpu.memory_space<vmem>>
      %dma_start3A_266 = arith.constant 0 : i32
      %dma_start3A_267 = arith.constant 0 : i32
      %dma_start3A_268 = tpu.memref_slice %arg16[%dma_start3A_266, %dma_start3A_267] : memref<10000x64xf32, #tpu.memory_space<vmem_shared>> -> memref<10000x64xf32, #tpu.memory_space<vmem_shared>>
      tpu.enqueue_indirect_dma source(%arg14 : memref<125x64xf32, #tpu.memory_space<vmem>>) target(%dma_start3A_268 : memref<10000x64xf32, #tpu.memory_space<vmem_shared>>) offsets(%dma_start3A_265 : memref<125xi32, #tpu.memory_space<vmem>>) semaphore(%arg31 : memref<!tpu.dma_semaphore, #tpu.memory_space<semaphore_mem>>) {add = true}
      %add3A_269 = arith.constant 7 : i32
      %add3A_270 = arith.addi %mul3A_156, %add3A_269 : i32
      %dma_wait3A_271 = arith.constant 0 : i32
      %dma_wait3A_272 = tpu.memref_slice %arg6[%add3A_270, %dma_wait3A_271] : memref<80x125xi32, #tpu.memory_space<vmem>> -> memref<1x125xi32, #tpu.memory_space<vmem>>
      %dma_wait3A_273 = tpu.memref_squeeze %dma_wait3A_272 : memref<1x125xi32, #tpu.memory_space<vmem>> -> memref<125xi32, #tpu.memory_space<vmem>>
      %dma_wait3A_274 = arith.constant 0 : i32
      %dma_wait3A_275 = arith.constant 0 : i32
      %dma_wait3A_276 = tpu.memref_slice %arg2[%dma_wait3A_274, %dma_wait3A_275] : memref<10000x64xf32, #tpu.memory_space<hbm>> -> memref<10000x64xf32, #tpu.memory_space<hbm>>
      tpu.wait_indirect_dma semaphore(%arg24 : memref<!tpu.dma_semaphore, #tpu.memory_space<semaphore_mem>>) src(%dma_wait3A_276 : memref<10000x64xf32, #tpu.memory_space<hbm>>) dst(%arg15 : memref<125x64xf32, #tpu.memory_space<vmem>>)
      %add3A_277 = arith.constant 7 : i32
      %add3A_278 = arith.addi %mul3A_156, %add3A_277 : i32
      %dma_start3A_279 = arith.constant 0 : i32
      %dma_start3A_280 = tpu.memref_slice %arg7[%add3A_278, %dma_start3A_279] : memref<80x125xi32, #tpu.memory_space<vmem>> -> memref<1x125xi32, #tpu.memory_space<vmem>>
      %dma_start3A_281 = tpu.memref_squeeze %dma_start3A_280 : memref<1x125xi32, #tpu.memory_space<vmem>> -> memref<125xi32, #tpu.memory_space<vmem>>
      %dma_start3A_282 = arith.constant 0 : i32
      %dma_start3A_283 = arith.constant 0 : i32
      %dma_start3A_284 = tpu.memref_slice %arg16[%dma_start3A_282, %dma_start3A_283] : memref<10000x64xf32, #tpu.memory_space<vmem_shared>> -> memref<10000x64xf32, #tpu.memory_space<vmem_shared>>
      tpu.enqueue_indirect_dma source(%arg15 : memref<125x64xf32, #tpu.memory_space<vmem>>) target(%dma_start3A_284 : memref<10000x64xf32, #tpu.memory_space<vmem_shared>>) offsets(%dma_start3A_281 : memref<125xi32, #tpu.memory_space<vmem>>) semaphore(%arg32 : memref<!tpu.dma_semaphore, #tpu.memory_space<semaphore_mem>>) {add = true}
      %add3A_285 = arith.constant 0 : i32
      %add3A_286 = arith.addi %mul3A_156, %add3A_285 : i32
      %dma_wait3A_287 = arith.constant 0 : i32
      %dma_wait3A_288 = tpu.memref_slice %arg7[%add3A_286, %dma_wait3A_287] : memref<80x125xi32, #tpu.memory_space<vmem>> -> memref<1x125xi32, #tpu.memory_space<vmem>>
      %dma_wait3A_289 = tpu.memref_squeeze %dma_wait3A_288 : memref<1x125xi32, #tpu.memory_space<vmem>> -> memref<125xi32, #tpu.memory_space<vmem>>
      %dma_wait3A_290 = arith.constant 0 : i32
      %dma_wait3A_291 = arith.constant 0 : i32
      %dma_wait3A_292 = tpu.memref_slice %arg16[%dma_wait3A_290, %dma_wait3A_291] : memref<10000x64xf32, #tpu.memory_space<vmem_shared>> -> memref<10000x64xf32, #tpu.memory_space<vmem_shared>>
      tpu.wait_indirect_dma semaphore(%arg25 : memref<!tpu.dma_semaphore, #tpu.memory_space<semaphore_mem>>) src(%arg8 : memref<125x64xf32, #tpu.memory_space<vmem>>) dst(%dma_wait3A_292 : memref<10000x64xf32, #tpu.memory_space<vmem_shared>>)
      %add3A_293 = arith.constant 8 : i32
      %add3A_294 = arith.addi %mul3A_156, %add3A_293 : i32
      %add3A_295 = arith.constant 0 : i32
      %add3A_296 = arith.addi %add3A_294, %add3A_295 : i32
      %lt3A = arith.constant 80 : i32
      %lt3A_297 = arith.cmpi slt, %add3A_296, %lt3A : i32
      %convert_element_type3A = arith.extui %lt3A_297 : i1 to i32
      %cond3A = arith.constant 0 : i32
      %cond3A_298 = arith.cmpi ne, %convert_element_type3A, %cond3A : i32
      scf.if %cond3A_298 {
        %add3A_418 = arith.constant 8 : i32
        %add3A_419 = arith.addi %mul3A_156, %add3A_418 : i32
        %add3A_420 = arith.constant 0 : i32
        %add3A_421 = arith.addi %add3A_419, %add3A_420 : i32
        %dma_start3A_422 = arith.constant 0 : i32
        %dma_start3A_423 = tpu.memref_slice %arg6[%add3A_421, %dma_start3A_422] : memref<80x125xi32, #tpu.memory_space<vmem>> -> memref<1x125xi32, #tpu.memory_space<vmem>>
        %dma_start3A_424 = tpu.memref_squeeze %dma_start3A_423 : memref<1x125xi32, #tpu.memory_space<vmem>> -> memref<125xi32, #tpu.memory_space<vmem>>
        %dma_start3A_425 = arith.constant 0 : i32
        %dma_start3A_426 = arith.constant 0 : i32
        %dma_start3A_427 = tpu.memref_slice %arg2[%dma_start3A_425, %dma_start3A_426] : memref<10000x64xf32, #tpu.memory_space<hbm>> -> memref<10000x64xf32, #tpu.memory_space<hbm>>
        tpu.enqueue_indirect_dma source(%dma_start3A_427 : memref<10000x64xf32, #tpu.memory_space<hbm>>) target(%arg8 : memref<125x64xf32, #tpu.memory_space<vmem>>) offsets(%dma_start3A_424 : memref<125xi32, #tpu.memory_space<vmem>>) semaphore(%arg17 : memref<!tpu.dma_semaphore, #tpu.memory_space<semaphore_mem>>)
      } else {
      }
      %add3A_299 = arith.constant 1 : i32
      %add3A_300 = arith.addi %mul3A_156, %add3A_299 : i32
      %dma_wait3A_301 = arith.constant 0 : i32
      %dma_wait3A_302 = tpu.memref_slice %arg7[%add3A_300, %dma_wait3A_301] : memref<80x125xi32, #tpu.memory_space<vmem>> -> memref<1x125xi32, #tpu.memory_space<vmem>>
      %dma_wait3A_303 = tpu.memref_squeeze %dma_wait3A_302 : memref<1x125xi32, #tpu.memory_space<vmem>> -> memref<125xi32, #tpu.memory_space<vmem>>
      %dma_wait3A_304 = arith.constant 0 : i32
      %dma_wait3A_305 = arith.constant 0 : i32
      %dma_wait3A_306 = tpu.memref_slice %arg16[%dma_wait3A_304, %dma_wait3A_305] : memref<10000x64xf32, #tpu.memory_space<vmem_shared>> -> memref<10000x64xf32, #tpu.memory_space<vmem_shared>>
      tpu.wait_indirect_dma semaphore(%arg26 : memref<!tpu.dma_semaphore, #tpu.memory_space<semaphore_mem>>) src(%arg9 : memref<125x64xf32, #tpu.memory_space<vmem>>) dst(%dma_wait3A_306 : memref<10000x64xf32, #tpu.memory_space<vmem_shared>>)
      %add3A_307 = arith.constant 8 : i32
      %add3A_308 = arith.addi %mul3A_156, %add3A_307 : i32
      %add3A_309 = arith.constant 1 : i32
      %add3A_310 = arith.addi %add3A_308, %add3A_309 : i32
      %lt3A_311 = arith.constant 80 : i32
      %lt3A_312 = arith.cmpi slt, %add3A_310, %lt3A_311 : i32
      %convert_element_type3A_313 = arith.extui %lt3A_312 : i1 to i32
      %cond3A_314 = arith.constant 0 : i32
      %cond3A_315 = arith.cmpi ne, %convert_element_type3A_313, %cond3A_314 : i32
      scf.if %cond3A_315 {
        %add3A_418 = arith.constant 8 : i32
        %add3A_419 = arith.addi %mul3A_156, %add3A_418 : i32
        %add3A_420 = arith.constant 1 : i32
        %add3A_421 = arith.addi %add3A_419, %add3A_420 : i32
        %dma_start3A_422 = arith.constant 0 : i32
        %dma_start3A_423 = tpu.memref_slice %arg6[%add3A_421, %dma_start3A_422] : memref<80x125xi32, #tpu.memory_space<vmem>> -> memref<1x125xi32, #tpu.memory_space<vmem>>
        %dma_start3A_424 = tpu.memref_squeeze %dma_start3A_423 : memref<1x125xi32, #tpu.memory_space<vmem>> -> memref<125xi32, #tpu.memory_space<vmem>>
        %dma_start3A_425 = arith.constant 0 : i32
        %dma_start3A_426 = arith.constant 0 : i32
        %dma_start3A_427 = tpu.memref_slice %arg2[%dma_start3A_425, %dma_start3A_426] : memref<10000x64xf32, #tpu.memory_space<hbm>> -> memref<10000x64xf32, #tpu.memory_space<hbm>>
        tpu.enqueue_indirect_dma source(%dma_start3A_427 : memref<10000x64xf32, #tpu.memory_space<hbm>>) target(%arg9 : memref<125x64xf32, #tpu.memory_space<vmem>>) offsets(%dma_start3A_424 : memref<125xi32, #tpu.memory_space<vmem>>) semaphore(%arg18 : memref<!tpu.dma_semaphore, #tpu.memory_space<semaphore_mem>>)
      } else {
      }
      %add3A_316 = arith.constant 2 : i32
      %add3A_317 = arith.addi %mul3A_156, %add3A_316 : i32
      %dma_wait3A_318 = arith.constant 0 : i32
      %dma_wait3A_319 = tpu.memref_slice %arg7[%add3A_317, %dma_wait3A_318] : memref<80x125xi32, #tpu.memory_space<vmem>> -> memref<1x125xi32, #tpu.memory_space<vmem>>
      %dma_wait3A_320 = tpu.memref_squeeze %dma_wait3A_319 : memref<1x125xi32, #tpu.memory_space<vmem>> -> memref<125xi32, #tpu.memory_space<vmem>>
      %dma_wait3A_321 = arith.constant 0 : i32
      %dma_wait3A_322 = arith.constant 0 : i32
      %dma_wait3A_323 = tpu.memref_slice %arg16[%dma_wait3A_321, %dma_wait3A_322] : memref<10000x64xf32, #tpu.memory_space<vmem_shared>> -> memref<10000x64xf32, #tpu.memory_space<vmem_shared>>
      tpu.wait_indirect_dma semaphore(%arg27 : memref<!tpu.dma_semaphore, #tpu.memory_space<semaphore_mem>>) src(%arg10 : memref<125x64xf32, #tpu.memory_space<vmem>>) dst(%dma_wait3A_323 : memref<10000x64xf32, #tpu.memory_space<vmem_shared>>)
      %add3A_324 = arith.constant 8 : i32
      %add3A_325 = arith.addi %mul3A_156, %add3A_324 : i32
      %add3A_326 = arith.constant 2 : i32
      %add3A_327 = arith.addi %add3A_325, %add3A_326 : i32
      %lt3A_328 = arith.constant 80 : i32
      %lt3A_329 = arith.cmpi slt, %add3A_327, %lt3A_328 : i32
      %convert_element_type3A_330 = arith.extui %lt3A_329 : i1 to i32
      %cond3A_331 = arith.constant 0 : i32
      %cond3A_332 = arith.cmpi ne, %convert_element_type3A_330, %cond3A_331 : i32
      scf.if %cond3A_332 {
        %add3A_418 = arith.constant 8 : i32
        %add3A_419 = arith.addi %mul3A_156, %add3A_418 : i32
        %add3A_420 = arith.constant 2 : i32
        %add3A_421 = arith.addi %add3A_419, %add3A_420 : i32
        %dma_start3A_422 = arith.constant 0 : i32
        %dma_start3A_423 = tpu.memref_slice %arg6[%add3A_421, %dma_start3A_422] : memref<80x125xi32, #tpu.memory_space<vmem>> -> memref<1x125xi32, #tpu.memory_space<vmem>>
        %dma_start3A_424 = tpu.memref_squeeze %dma_start3A_423 : memref<1x125xi32, #tpu.memory_space<vmem>> -> memref<125xi32, #tpu.memory_space<vmem>>
        %dma_start3A_425 = arith.constant 0 : i32
        %dma_start3A_426 = arith.constant 0 : i32
        %dma_start3A_427 = tpu.memref_slice %arg2[%dma_start3A_425, %dma_start3A_426] : memref<10000x64xf32, #tpu.memory_space<hbm>> -> memref<10000x64xf32, #tpu.memory_space<hbm>>
        tpu.enqueue_indirect_dma source(%dma_start3A_427 : memref<10000x64xf32, #tpu.memory_space<hbm>>) target(%arg10 : memref<125x64xf32, #tpu.memory_space<vmem>>) offsets(%dma_start3A_424 : memref<125xi32, #tpu.memory_space<vmem>>) semaphore(%arg19 : memref<!tpu.dma_semaphore, #tpu.memory_space<semaphore_mem>>)
      } else {
      }
      %add3A_333 = arith.constant 3 : i32
      %add3A_334 = arith.addi %mul3A_156, %add3A_333 : i32
      %dma_wait3A_335 = arith.constant 0 : i32
      %dma_wait3A_336 = tpu.memref_slice %arg7[%add3A_334, %dma_wait3A_335] : memref<80x125xi32, #tpu.memory_space<vmem>> -> memref<1x125xi32, #tpu.memory_space<vmem>>
      %dma_wait3A_337 = tpu.memref_squeeze %dma_wait3A_336 : memref<1x125xi32, #tpu.memory_space<vmem>> -> memref<125xi32, #tpu.memory_space<vmem>>
      %dma_wait3A_338 = arith.constant 0 : i32
      %dma_wait3A_339 = arith.constant 0 : i32
      %dma_wait3A_340 = tpu.memref_slice %arg16[%dma_wait3A_338, %dma_wait3A_339] : memref<10000x64xf32, #tpu.memory_space<vmem_shared>> -> memref<10000x64xf32, #tpu.memory_space<vmem_shared>>
      tpu.wait_indirect_dma semaphore(%arg28 : memref<!tpu.dma_semaphore, #tpu.memory_space<semaphore_mem>>) src(%arg11 : memref<125x64xf32, #tpu.memory_space<vmem>>) dst(%dma_wait3A_340 : memref<10000x64xf32, #tpu.memory_space<vmem_shared>>)
      %add3A_341 = arith.constant 8 : i32
      %add3A_342 = arith.addi %mul3A_156, %add3A_341 : i32
      %add3A_343 = arith.constant 3 : i32
      %add3A_344 = arith.addi %add3A_342, %add3A_343 : i32
      %lt3A_345 = arith.constant 80 : i32
      %lt3A_346 = arith.cmpi slt, %add3A_344, %lt3A_345 : i32
      %convert_element_type3A_347 = arith.extui %lt3A_346 : i1 to i32
      %cond3A_348 = arith.constant 0 : i32
      %cond3A_349 = arith.cmpi ne, %convert_element_type3A_347, %cond3A_348 : i32
      scf.if %cond3A_349 {
        %add3A_418 = arith.constant 8 : i32
        %add3A_419 = arith.addi %mul3A_156, %add3A_418 : i32
        %add3A_420 = arith.constant 3 : i32
        %add3A_421 = arith.addi %add3A_419, %add3A_420 : i32
        %dma_start3A_422 = arith.constant 0 : i32
        %dma_start3A_423 = tpu.memref_slice %arg6[%add3A_421, %dma_start3A_422] : memref<80x125xi32, #tpu.memory_space<vmem>> -> memref<1x125xi32, #tpu.memory_space<vmem>>
        %dma_start3A_424 = tpu.memref_squeeze %dma_start3A_423 : memref<1x125xi32, #tpu.memory_space<vmem>> -> memref<125xi32, #tpu.memory_space<vmem>>
        %dma_start3A_425 = arith.constant 0 : i32
        %dma_start3A_426 = arith.constant 0 : i32
        %dma_start3A_427 = tpu.memref_slice %arg2[%dma_start3A_425, %dma_start3A_426] : memref<10000x64xf32, #tpu.memory_space<hbm>> -> memref<10000x64xf32, #tpu.memory_space<hbm>>
        tpu.enqueue_indirect_dma source(%dma_start3A_427 : memref<10000x64xf32, #tpu.memory_space<hbm>>) target(%arg11 : memref<125x64xf32, #tpu.memory_space<vmem>>) offsets(%dma_start3A_424 : memref<125xi32, #tpu.memory_space<vmem>>) semaphore(%arg20 : memref<!tpu.dma_semaphore, #tpu.memory_space<semaphore_mem>>)
      } else {
      }
      %add3A_350 = arith.constant 4 : i32
      %add3A_351 = arith.addi %mul3A_156, %add3A_350 : i32
      %dma_wait3A_352 = arith.constant 0 : i32
      %dma_wait3A_353 = tpu.memref_slice %arg7[%add3A_351, %dma_wait3A_352] : memref<80x125xi32, #tpu.memory_space<vmem>> -> memref<1x125xi32, #tpu.memory_space<vmem>>
      %dma_wait3A_354 = tpu.memref_squeeze %dma_wait3A_353 : memref<1x125xi32, #tpu.memory_space<vmem>> -> memref<125xi32, #tpu.memory_space<vmem>>
      %dma_wait3A_355 = arith.constant 0 : i32
      %dma_wait3A_356 = arith.constant 0 : i32
      %dma_wait3A_357 = tpu.memref_slice %arg16[%dma_wait3A_355, %dma_wait3A_356] : memref<10000x64xf32, #tpu.memory_space<vmem_shared>> -> memref<10000x64xf32, #tpu.memory_space<vmem_shared>>
      tpu.wait_indirect_dma semaphore(%arg29 : memref<!tpu.dma_semaphore, #tpu.memory_space<semaphore_mem>>) src(%arg12 : memref<125x64xf32, #tpu.memory_space<vmem>>) dst(%dma_wait3A_357 : memref<10000x64xf32, #tpu.memory_space<vmem_shared>>)
      %add3A_358 = arith.constant 8 : i32
      %add3A_359 = arith.addi %mul3A_156, %add3A_358 : i32
      %add3A_360 = arith.constant 4 : i32
      %add3A_361 = arith.addi %add3A_359, %add3A_360 : i32
      %lt3A_362 = arith.constant 80 : i32
      %lt3A_363 = arith.cmpi slt, %add3A_361, %lt3A_362 : i32
      %convert_element_type3A_364 = arith.extui %lt3A_363 : i1 to i32
      %cond3A_365 = arith.constant 0 : i32
      %cond3A_366 = arith.cmpi ne, %convert_element_type3A_364, %cond3A_365 : i32
      scf.if %cond3A_366 {
        %add3A_418 = arith.constant 8 : i32
        %add3A_419 = arith.addi %mul3A_156, %add3A_418 : i32
        %add3A_420 = arith.constant 4 : i32
        %add3A_421 = arith.addi %add3A_419, %add3A_420 : i32
        %dma_start3A_422 = arith.constant 0 : i32
        %dma_start3A_423 = tpu.memref_slice %arg6[%add3A_421, %dma_start3A_422] : memref<80x125xi32, #tpu.memory_space<vmem>> -> memref<1x125xi32, #tpu.memory_space<vmem>>
        %dma_start3A_424 = tpu.memref_squeeze %dma_start3A_423 : memref<1x125xi32, #tpu.memory_space<vmem>> -> memref<125xi32, #tpu.memory_space<vmem>>
        %dma_start3A_425 = arith.constant 0 : i32
        %dma_start3A_426 = arith.constant 0 : i32
        %dma_start3A_427 = tpu.memref_slice %arg2[%dma_start3A_425, %dma_start3A_426] : memref<10000x64xf32, #tpu.memory_space<hbm>> -> memref<10000x64xf32, #tpu.memory_space<hbm>>
        tpu.enqueue_indirect_dma source(%dma_start3A_427 : memref<10000x64xf32, #tpu.memory_space<hbm>>) target(%arg12 : memref<125x64xf32, #tpu.memory_space<vmem>>) offsets(%dma_start3A_424 : memref<125xi32, #tpu.memory_space<vmem>>) semaphore(%arg21 : memref<!tpu.dma_semaphore, #tpu.memory_space<semaphore_mem>>)
      } else {
      }
      %add3A_367 = arith.constant 5 : i32
      %add3A_368 = arith.addi %mul3A_156, %add3A_367 : i32
      %dma_wait3A_369 = arith.constant 0 : i32
      %dma_wait3A_370 = tpu.memref_slice %arg7[%add3A_368, %dma_wait3A_369] : memref<80x125xi32, #tpu.memory_space<vmem>> -> memref<1x125xi32, #tpu.memory_space<vmem>>
      %dma_wait3A_371 = tpu.memref_squeeze %dma_wait3A_370 : memref<1x125xi32, #tpu.memory_space<vmem>> -> memref<125xi32, #tpu.memory_space<vmem>>
      %dma_wait3A_372 = arith.constant 0 : i32
      %dma_wait3A_373 = arith.constant 0 : i32
      %dma_wait3A_374 = tpu.memref_slice %arg16[%dma_wait3A_372, %dma_wait3A_373] : memref<10000x64xf32, #tpu.memory_space<vmem_shared>> -> memref<10000x64xf32, #tpu.memory_space<vmem_shared>>
      tpu.wait_indirect_dma semaphore(%arg30 : memref<!tpu.dma_semaphore, #tpu.memory_space<semaphore_mem>>) src(%arg13 : memref<125x64xf32, #tpu.memory_space<vmem>>) dst(%dma_wait3A_374 : memref<10000x64xf32, #tpu.memory_space<vmem_shared>>)
      %add3A_375 = arith.constant 8 : i32
      %add3A_376 = arith.addi %mul3A_156, %add3A_375 : i32
      %add3A_377 = arith.constant 5 : i32
      %add3A_378 = arith.addi %add3A_376, %add3A_377 : i32
      %lt3A_379 = arith.constant 80 : i32
      %lt3A_380 = arith.cmpi slt, %add3A_378, %lt3A_379 : i32
      %convert_element_type3A_381 = arith.extui %lt3A_380 : i1 to i32
      %cond3A_382 = arith.constant 0 : i32
      %cond3A_383 = arith.cmpi ne, %convert_element_type3A_381, %cond3A_382 : i32
      scf.if %cond3A_383 {
        %add3A_418 = arith.constant 8 : i32
        %add3A_419 = arith.addi %mul3A_156, %add3A_418 : i32
        %add3A_420 = arith.constant 5 : i32
        %add3A_421 = arith.addi %add3A_419, %add3A_420 : i32
        %dma_start3A_422 = arith.constant 0 : i32
        %dma_start3A_423 = tpu.memref_slice %arg6[%add3A_421, %dma_start3A_422] : memref<80x125xi32, #tpu.memory_space<vmem>> -> memref<1x125xi32, #tpu.memory_space<vmem>>
        %dma_start3A_424 = tpu.memref_squeeze %dma_start3A_423 : memref<1x125xi32, #tpu.memory_space<vmem>> -> memref<125xi32, #tpu.memory_space<vmem>>
        %dma_start3A_425 = arith.constant 0 : i32
        %dma_start3A_426 = arith.constant 0 : i32
        %dma_start3A_427 = tpu.memref_slice %arg2[%dma_start3A_425, %dma_start3A_426] : memref<10000x64xf32, #tpu.memory_space<hbm>> -> memref<10000x64xf32, #tpu.memory_space<hbm>>
        tpu.enqueue_indirect_dma source(%dma_start3A_427 : memref<10000x64xf32, #tpu.memory_space<hbm>>) target(%arg13 : memref<125x64xf32, #tpu.memory_space<vmem>>) offsets(%dma_start3A_424 : memref<125xi32, #tpu.memory_space<vmem>>) semaphore(%arg22 : memref<!tpu.dma_semaphore, #tpu.memory_space<semaphore_mem>>)
      } else {
      }
      %add3A_384 = arith.constant 6 : i32
      %add3A_385 = arith.addi %mul3A_156, %add3A_384 : i32
      %dma_wait3A_386 = arith.constant 0 : i32
      %dma_wait3A_387 = tpu.memref_slice %arg7[%add3A_385, %dma_wait3A_386] : memref<80x125xi32, #tpu.memory_space<vmem>> -> memref<1x125xi32, #tpu.memory_space<vmem>>
      %dma_wait3A_388 = tpu.memref_squeeze %dma_wait3A_387 : memref<1x125xi32, #tpu.memory_space<vmem>> -> memref<125xi32, #tpu.memory_space<vmem>>
      %dma_wait3A_389 = arith.constant 0 : i32
      %dma_wait3A_390 = arith.constant 0 : i32
      %dma_wait3A_391 = tpu.memref_slice %arg16[%dma_wait3A_389, %dma_wait3A_390] : memref<10000x64xf32, #tpu.memory_space<vmem_shared>> -> memref<10000x64xf32, #tpu.memory_space<vmem_shared>>
      tpu.wait_indirect_dma semaphore(%arg31 : memref<!tpu.dma_semaphore, #tpu.memory_space<semaphore_mem>>) src(%arg14 : memref<125x64xf32, #tpu.memory_space<vmem>>) dst(%dma_wait3A_391 : memref<10000x64xf32, #tpu.memory_space<vmem_shared>>)
      %add3A_392 = arith.constant 8 : i32
      %add3A_393 = arith.addi %mul3A_156, %add3A_392 : i32
      %add3A_394 = arith.constant 6 : i32
      %add3A_395 = arith.addi %add3A_393, %add3A_394 : i32
      %lt3A_396 = arith.constant 80 : i32
      %lt3A_397 = arith.cmpi slt, %add3A_395, %lt3A_396 : i32
      %convert_element_type3A_398 = arith.extui %lt3A_397 : i1 to i32
      %cond3A_399 = arith.constant 0 : i32
      %cond3A_400 = arith.cmpi ne, %convert_element_type3A_398, %cond3A_399 : i32
      scf.if %cond3A_400 {
        %add3A_418 = arith.constant 8 : i32
        %add3A_419 = arith.addi %mul3A_156, %add3A_418 : i32
        %add3A_420 = arith.constant 6 : i32
        %add3A_421 = arith.addi %add3A_419, %add3A_420 : i32
        %dma_start3A_422 = arith.constant 0 : i32
        %dma_start3A_423 = tpu.memref_slice %arg6[%add3A_421, %dma_start3A_422] : memref<80x125xi32, #tpu.memory_space<vmem>> -> memref<1x125xi32, #tpu.memory_space<vmem>>
        %dma_start3A_424 = tpu.memref_squeeze %dma_start3A_423 : memref<1x125xi32, #tpu.memory_space<vmem>> -> memref<125xi32, #tpu.memory_space<vmem>>
        %dma_start3A_425 = arith.constant 0 : i32
        %dma_start3A_426 = arith.constant 0 : i32
        %dma_start3A_427 = tpu.memref_slice %arg2[%dma_start3A_425, %dma_start3A_426] : memref<10000x64xf32, #tpu.memory_space<hbm>> -> memref<10000x64xf32, #tpu.memory_space<hbm>>
        tpu.enqueue_indirect_dma source(%dma_start3A_427 : memref<10000x64xf32, #tpu.memory_space<hbm>>) target(%arg14 : memref<125x64xf32, #tpu.memory_space<vmem>>) offsets(%dma_start3A_424 : memref<125xi32, #tpu.memory_space<vmem>>) semaphore(%arg23 : memref<!tpu.dma_semaphore, #tpu.memory_space<semaphore_mem>>)
      } else {
      }
      %add3A_401 = arith.constant 7 : i32
      %add3A_402 = arith.addi %mul3A_156, %add3A_401 : i32
      %dma_wait3A_403 = arith.constant 0 : i32
      %dma_wait3A_404 = tpu.memref_slice %arg7[%add3A_402, %dma_wait3A_403] : memref<80x125xi32, #tpu.memory_space<vmem>> -> memref<1x125xi32, #tpu.memory_space<vmem>>
      %dma_wait3A_405 = tpu.memref_squeeze %dma_wait3A_404 : memref<1x125xi32, #tpu.memory_space<vmem>> -> memref<125xi32, #tpu.memory_space<vmem>>
      %dma_wait3A_406 = arith.constant 0 : i32
      %dma_wait3A_407 = arith.constant 0 : i32
      %dma_wait3A_408 = tpu.memref_slice %arg16[%dma_wait3A_406, %dma_wait3A_407] : memref<10000x64xf32, #tpu.memory_space<vmem_shared>> -> memref<10000x64xf32, #tpu.memory_space<vmem_shared>>
      tpu.wait_indirect_dma semaphore(%arg32 : memref<!tpu.dma_semaphore, #tpu.memory_space<semaphore_mem>>) src(%arg15 : memref<125x64xf32, #tpu.memory_space<vmem>>) dst(%dma_wait3A_408 : memref<10000x64xf32, #tpu.memory_space<vmem_shared>>)
      %add3A_409 = arith.constant 8 : i32
      %add3A_410 = arith.addi %mul3A_156, %add3A_409 : i32
      %add3A_411 = arith.constant 7 : i32
      %add3A_412 = arith.addi %add3A_410, %add3A_411 : i32
      %lt3A_413 = arith.constant 80 : i32
      %lt3A_414 = arith.cmpi slt, %add3A_412, %lt3A_413 : i32
      %convert_element_type3A_415 = arith.extui %lt3A_414 : i1 to i32
      %cond3A_416 = arith.constant 0 : i32
      %cond3A_417 = arith.cmpi ne, %convert_element_type3A_415, %cond3A_416 : i32
      scf.if %cond3A_417 {
        %add3A_418 = arith.constant 8 : i32
        %add3A_419 = arith.addi %mul3A_156, %add3A_418 : i32
        %add3A_420 = arith.constant 7 : i32
        %add3A_421 = arith.addi %add3A_419, %add3A_420 : i32
        %dma_start3A_422 = arith.constant 0 : i32
        %dma_start3A_423 = tpu.memref_slice %arg6[%add3A_421, %dma_start3A_422] : memref<80x125xi32, #tpu.memory_space<vmem>> -> memref<1x125xi32, #tpu.memory_space<vmem>>
        %dma_start3A_424 = tpu.memref_squeeze %dma_start3A_423 : memref<1x125xi32, #tpu.memory_space<vmem>> -> memref<125xi32, #tpu.memory_space<vmem>>
        %dma_start3A_425 = arith.constant 0 : i32
        %dma_start3A_426 = arith.constant 0 : i32
        %dma_start3A_427 = tpu.memref_slice %arg2[%dma_start3A_425, %dma_start3A_426] : memref<10000x64xf32, #tpu.memory_space<hbm>> -> memref<10000x64xf32, #tpu.memory_space<hbm>>
        tpu.enqueue_indirect_dma source(%dma_start3A_427 : memref<10000x64xf32, #tpu.memory_space<hbm>>) target(%arg15 : memref<125x64xf32, #tpu.memory_space<vmem>>) offsets(%dma_start3A_424 : memref<125xi32, #tpu.memory_space<vmem>>) semaphore(%arg24 : memref<!tpu.dma_semaphore, #tpu.memory_space<semaphore_mem>>)
      } else {
      }
    }
    %scan3A_146 = arith.constant 10 : i32
    %barrier3A_147 = arith.constant 0 : index
    tpu.barrier barrier_id(%barrier3A_147)
    %mul3A_148 = arith.constant 625 : i32
    %mul3A_149 = arith.muli %arg1, %mul3A_148 : i32
    "tpu.region"() ({
      %run_scoped3A = tpu.sem_alloc : memref<!tpu.dma_semaphore, #tpu.memory_space<semaphore_mem>>
      %dma_start3A_150 = arith.constant 0 : i32
      %dma_start3A_151 = tpu.memref_slice %arg5[%arg0, %mul3A_149, %dma_start3A_150] : memref<2x10000x64xf32, #tpu.memory_space<hbm>> -> memref<1x625x64xf32, #tpu.memory_space<hbm>>
      %dma_start3A_152 = tpu.memref_squeeze %dma_start3A_151 : memref<1x625x64xf32, #tpu.memory_space<hbm>> -> memref<625x64xf32, #tpu.memory_space<hbm>>
      %dma_start3A_153 = arith.constant 0 : i32
      %dma_start3A_154 = tpu.memref_slice %arg16[%mul3A_149, %dma_start3A_153] : memref<10000x64xf32, #tpu.memory_space<vmem_shared>> -> memref<625x64xf32, #tpu.memory_space<vmem_shared>>
      tpu.enqueue_dma source(%dma_start3A_154 : memref<625x64xf32, #tpu.memory_space<vmem_shared>>) target(%dma_start3A_152 : memref<625x64xf32, #tpu.memory_space<hbm>>) target_semaphore(%run_scoped3A : memref<!tpu.dma_semaphore, #tpu.memory_space<semaphore_mem>>)
      %dma_wait3A_155 = arith.constant 0 : i32
      %dma_wait3A_156 = tpu.memref_slice %arg5[%arg0, %mul3A_149, %dma_wait3A_155] : memref<2x10000x64xf32, #tpu.memory_space<hbm>> -> memref<1x625x64xf32, #tpu.memory_space<hbm>>
      %dma_wait3A_157 = tpu.memref_squeeze %dma_wait3A_156 : memref<1x625x64xf32, #tpu.memory_space<hbm>> -> memref<625x64xf32, #tpu.memory_space<hbm>>
      %dma_wait3A_158 = arith.constant 0 : i32
      %dma_wait3A_159 = tpu.memref_slice %arg16[%mul3A_149, %dma_wait3A_158] : memref<10000x64xf32, #tpu.memory_space<vmem_shared>> -> memref<625x64xf32, #tpu.memory_space<vmem_shared>>
      tpu.wait_dma2 semaphore(%run_scoped3A : memref<!tpu.dma_semaphore, #tpu.memory_space<semaphore_mem>>) src(%dma_wait3A_159 : memref<625x64xf32, #tpu.memory_space<vmem_shared>>) dst(%dma_wait3A_157 : memref<625x64xf32, #tpu.memory_space<hbm>>)
      tpu.yield
    }) : () -> ()
    return
  }
}

module attributes {stable_mosaic.version = 14 : i64} {
  func.func @_tc_pre_body(%arg0: memref<10000x128xf32, #tpu.memory_space<vmem>>, %arg1: memref<128x64xf32, #tpu.memory_space<vmem>>, %arg2: memref<2x10000x16xf32, #tpu.memory_space<vmem>>, %arg3: memref<10000x64xf32, #tpu.memory_space<vmem>>) attributes {dimension_semantics = [], scalar_prefetch = 0 : i64, scratch_operands = 0 : i64, tpu.core_type = #tpu.core_type<tc>} {
    %get3A = arith.constant 0 : index
    %get3A_0 = arith.constant 0 : index
    %get3A_1 = vector.load %arg0[%get3A, %get3A_0] : memref<10000x128xf32, #tpu.memory_space<vmem>>, vector<10000x128xf32>
    %get3A_2 = arith.constant 0 : index
    %get3A_3 = arith.constant 0 : index
    %get3A_4 = vector.load %arg1[%get3A_2, %get3A_3] : memref<128x64xf32, #tpu.memory_space<vmem>>, vector<128x64xf32>
    %dot_general3A = arith.constant dense<0.000000e+00> : vector<10000x64xf32>
    %dot_general3A_5 = tpu.matmul %get3A_1, %get3A_4, %dot_general3A {dimension_numbers = #tpu.dot_dimension_numbers<[1], [0], [0], [1], [0, 0, 1, 1], [], []>, transpose_lhs_hint = false} : vector<10000x128xf32>, vector<128x64xf32>, vector<10000x64xf32> -> vector<10000x64xf32>
    %get3A_6 = arith.constant 0 : index
    %get3A_7 = arith.constant 0 : index
    %get3A_8 = arith.constant 0 : index
    %get3A_9 = vector.load %arg2[%get3A_6, %get3A_7, %get3A_8] : memref<2x10000x16xf32, #tpu.memory_space<vmem>>, vector<2x10000x16xf32>
    %slice3A = vector.extract_strided_slice %get3A_9 {offsets = [0, 0, 0], sizes = [1, 10000, 1], strides = [1, 1, 1]} : vector<2x10000x16xf32> to vector<1x10000x1xf32>
    %squeeze3A = vector.shape_cast %slice3A : vector<1x10000x1xf32> to vector<10000xf32>
    %slice3A_10 = vector.extract_strided_slice %get3A_9 {offsets = [1, 0, 0], sizes = [1, 10000, 1], strides = [1, 1, 1]} : vector<2x10000x16xf32> to vector<1x10000x1xf32>
    %squeeze3A_11 = vector.shape_cast %slice3A_10 : vector<1x10000x1xf32> to vector<10000xf32>
    %add3A = arith.addf %squeeze3A, %squeeze3A_11 : vector<10000xf32>
    %add3A_12 = arith.constant 1.000000e+00 : f32
    %add3A_13 = vector.broadcast %add3A_12 : f32 to vector<10000xf32>
    %add3A_14 = arith.addf %add3A, %add3A_13 : vector<10000xf32>
    %sqrt3A = math.sqrt %add3A_14 : vector<10000xf32>
    %div3A = arith.constant 1.000000e+00 : f32
    %div3A_15 = vector.broadcast %div3A : f32 to vector<10000xf32>
    %div3A_16 = arith.divf %div3A_15, %sqrt3A : vector<10000xf32>
    %broadcast_in_dim3A = vector.shape_cast %div3A_16 : vector<10000xf32> to vector<10000x1xf32>
    %mul3A = vector.broadcast %broadcast_in_dim3A : vector<10000x1xf32> to vector<10000x64xf32>
    %mul3A_17 = arith.mulf %dot_general3A_5, %mul3A : vector<10000x64xf32>
    %swap3A = arith.constant 0 : index
    %swap3A_18 = arith.constant 0 : index
    %swap3A_19 = vector.load %arg3[%swap3A, %swap3A_18] : memref<10000x64xf32, #tpu.memory_space<vmem>>, vector<10000x64xf32>
    tpu.vector_store %arg3[%swap3A, %swap3A_18], %mul3A_17 {strides = array<i32>} : memref<10000x64xf32, #tpu.memory_space<vmem>>, vector<10000x64xf32>,
    return
  }
}

module attributes {stable_mosaic.version = 14 : i64} {
  func.func @_tc_mid_body(%arg0: memref<2x10000x16xf32, #tpu.memory_space<vmem>>, %arg1: memref<2x10000x64xf32, #tpu.memory_space<vmem>>, %arg2: memref<10000x64xf32, #tpu.memory_space<vmem>>, %arg3: memref<1x64xf32, #tpu.memory_space<vmem>>, %arg4: memref<1x64xf32, #tpu.memory_space<vmem>>, %arg5: memref<1x64xf32, #tpu.memory_space<vmem>>, %arg6: memref<64x64xf32, #tpu.memory_space<vmem>>, %arg7: memref<10000x64xf32, #tpu.memory_space<vmem>>) attributes {dimension_semantics = [], scalar_prefetch = 0 : i64, scratch_operands = 0 : i64, tpu.core_type = #tpu.core_type<tc>} {
    %get3A = arith.constant 0 : index
    %get3A_0 = arith.constant 0 : index
    %get3A_1 = arith.constant 0 : index
    %get3A_2 = vector.load %arg0[%get3A, %get3A_0, %get3A_1] : memref<2x10000x16xf32, #tpu.memory_space<vmem>>, vector<2x10000x16xf32>
    %slice3A = vector.extract_strided_slice %get3A_2 {offsets = [0, 0, 0], sizes = [1, 10000, 1], strides = [1, 1, 1]} : vector<2x10000x16xf32> to vector<1x10000x1xf32>
    %squeeze3A = vector.shape_cast %slice3A : vector<1x10000x1xf32> to vector<10000xf32>
    %slice3A_3 = vector.extract_strided_slice %get3A_2 {offsets = [1, 0, 0], sizes = [1, 10000, 1], strides = [1, 1, 1]} : vector<2x10000x16xf32> to vector<1x10000x1xf32>
    %squeeze3A_4 = vector.shape_cast %slice3A_3 : vector<1x10000x1xf32> to vector<10000xf32>
    %add3A = arith.addf %squeeze3A, %squeeze3A_4 : vector<10000xf32>
    %add3A_5 = arith.constant 1.000000e+00 : f32
    %add3A_6 = vector.broadcast %add3A_5 : f32 to vector<10000xf32>
    %add3A_7 = arith.addf %add3A, %add3A_6 : vector<10000xf32>
    %sqrt3A = math.sqrt %add3A_7 : vector<10000xf32>
    %div3A = arith.constant 1.000000e+00 : f32
    %div3A_8 = vector.broadcast %div3A : f32 to vector<10000xf32>
    %div3A_9 = arith.divf %div3A_8, %sqrt3A : vector<10000xf32>
    %broadcast_in_dim3A = vector.shape_cast %div3A_9 : vector<10000xf32> to vector<10000x1xf32>
    %get3A_10 = arith.constant 0 : index
    %get3A_11 = arith.constant 0 : index
    %get3A_12 = arith.constant 0 : index
    %get3A_13 = vector.load %arg1[%get3A_10, %get3A_11, %get3A_12] : memref<2x10000x64xf32, #tpu.memory_space<vmem>>, vector<1x10000x64xf32>
    %get3A_14 = vector.shape_cast %get3A_13 : vector<1x10000x64xf32> to vector<10000x64xf32>
    %get3A_15 = arith.constant 1 : index
    %get3A_16 = arith.constant 0 : index
    %get3A_17 = arith.constant 0 : index
    %get3A_18 = vector.load %arg1[%get3A_15, %get3A_16, %get3A_17] : memref<2x10000x64xf32, #tpu.memory_space<vmem>>, vector<1x10000x64xf32>
    %get3A_19 = vector.shape_cast %get3A_18 : vector<1x10000x64xf32> to vector<10000x64xf32>
    %add3A_20 = arith.addf %get3A_14, %get3A_19 : vector<10000x64xf32>
    %get3A_21 = arith.constant 0 : index
    %get3A_22 = arith.constant 0 : index
    %get3A_23 = vector.load %arg2[%get3A_21, %get3A_22] : memref<10000x64xf32, #tpu.memory_space<vmem>>, vector<10000x64xf32>
    %add3A_24 = arith.addf %add3A_20, %get3A_23 : vector<10000x64xf32>
    %mul3A = vector.broadcast %broadcast_in_dim3A : vector<10000x1xf32> to vector<10000x64xf32>
    %mul3A_25 = arith.mulf %add3A_24, %mul3A : vector<10000x64xf32>
    %get3A_26 = arith.constant 0 : index
    %get3A_27 = arith.constant 0 : index
    %get3A_28 = vector.load %arg3[%get3A_26, %get3A_27] : memref<1x64xf32, #tpu.memory_space<vmem>>, vector<1x64xf32>
    %add3A_29 = vector.broadcast %get3A_28 : vector<1x64xf32> to vector<10000x64xf32>
    %add3A_30 = arith.addf %mul3A_25, %add3A_29 : vector<10000x64xf32>
    %reduce_sum3A = arith.constant dense<0.000000e+00> : vector<64xf32>
    %reduce_sum3A_31 = vector.multi_reduction <add>, %add3A_30, %reduce_sum3A [0] : vector<10000x64xf32> to vector<64xf32>
    %broadcast_in_dim3A_32 = vector.shape_cast %reduce_sum3A_31 : vector<64xf32> to vector<1x64xf32>
    %div3A_33 = arith.constant 1.000000e+04 : f32
    %div3A_34 = vector.broadcast %div3A_33 : f32 to vector<1x64xf32>
    %div3A_35 = arith.divf %broadcast_in_dim3A_32, %div3A_34 : vector<1x64xf32>
    %sub3A = vector.broadcast %div3A_35 : vector<1x64xf32> to vector<10000x64xf32>
    %sub3A_36 = arith.subf %add3A_30, %sub3A : vector<10000x64xf32>
    %integer_pow3A = arith.mulf %sub3A_36, %sub3A_36 : vector<10000x64xf32>
    %reduce_sum3A_37 = arith.constant dense<0.000000e+00> : vector<64xf32>
    %reduce_sum3A_38 = vector.multi_reduction <add>, %integer_pow3A, %reduce_sum3A_37 [0] : vector<10000x64xf32> to vector<64xf32>
    %broadcast_in_dim3A_39 = vector.shape_cast %reduce_sum3A_38 : vector<64xf32> to vector<1x64xf32>
    %div3A_40 = arith.constant 1.000000e+04 : f32
    %div3A_41 = vector.broadcast %div3A_40 : f32 to vector<1x64xf32>
    %div3A_42 = arith.divf %broadcast_in_dim3A_39, %div3A_41 : vector<1x64xf32>
    %sub3A_43 = vector.broadcast %div3A_35 : vector<1x64xf32> to vector<10000x64xf32>
    %sub3A_44 = arith.subf %add3A_30, %sub3A_43 : vector<10000x64xf32>
    %add3A_45 = arith.constant 9.99999974E-6 : f32
    %add3A_46 = vector.broadcast %add3A_45 : f32 to vector<1x64xf32>
    %add3A_47 = arith.addf %div3A_42, %add3A_46 : vector<1x64xf32>
    %sqrt3A_48 = math.sqrt %add3A_47 : vector<1x64xf32>
    %div3A_49 = vector.broadcast %sqrt3A_48 : vector<1x64xf32> to vector<10000x64xf32>
    %div3A_50 = arith.divf %sub3A_44, %div3A_49 : vector<10000x64xf32>
    %get3A_51 = arith.constant 0 : index
    %get3A_52 = arith.constant 0 : index
    %get3A_53 = vector.load %arg4[%get3A_51, %get3A_52] : memref<1x64xf32, #tpu.memory_space<vmem>>, vector<1x64xf32>
    %mul3A_54 = vector.broadcast %get3A_53 : vector<1x64xf32> to vector<10000x64xf32>
    %mul3A_55 = arith.mulf %div3A_50, %mul3A_54 : vector<10000x64xf32>
    %get3A_56 = arith.constant 0 : index
    %get3A_57 = arith.constant 0 : index
    %get3A_58 = vector.load %arg5[%get3A_56, %get3A_57] : memref<1x64xf32, #tpu.memory_space<vmem>>, vector<1x64xf32>
    %add3A_59 = vector.broadcast %get3A_58 : vector<1x64xf32> to vector<10000x64xf32>
    %add3A_60 = arith.addf %mul3A_55, %add3A_59 : vector<10000x64xf32>
    %max3A = arith.constant 0.000000e+00 : f32
    %max3A_61 = vector.broadcast %max3A : f32 to vector<10000x64xf32>
    %max3A_62 = arith.maximumf %add3A_60, %max3A_61 : vector<10000x64xf32>
    %get3A_63 = arith.constant 0 : index
    %get3A_64 = arith.constant 0 : index
    %get3A_65 = vector.load %arg6[%get3A_63, %get3A_64] : memref<64x64xf32, #tpu.memory_space<vmem>>, vector<64x64xf32>
    %dot_general3A = arith.constant dense<0.000000e+00> : vector<10000x64xf32>
    %dot_general3A_66 = tpu.matmul %max3A_62, %get3A_65, %dot_general3A {dimension_numbers = #tpu.dot_dimension_numbers<[1], [0], [0], [1], [0, 0, 1, 1], [], []>, transpose_lhs_hint = false} : vector<10000x64xf32>, vector<64x64xf32>, vector<10000x64xf32> -> vector<10000x64xf32>
    %mul3A_67 = vector.broadcast %broadcast_in_dim3A : vector<10000x1xf32> to vector<10000x64xf32>
    %mul3A_68 = arith.mulf %dot_general3A_66, %mul3A_67 : vector<10000x64xf32>
    %swap3A = arith.constant 0 : index
    %swap3A_69 = arith.constant 0 : index
    %swap3A_70 = vector.load %arg7[%swap3A, %swap3A_69] : memref<10000x64xf32, #tpu.memory_space<vmem>>, vector<10000x64xf32>
    tpu.vector_store %arg7[%swap3A, %swap3A_69], %mul3A_68 {strides = array<i32>} : memref<10000x64xf32, #tpu.memory_space<vmem>>, vector<10000x64xf32>,
    return
  }
}

module attributes {stable_mosaic.version = 14 : i64} {
  func.func @_tc_post_body(%arg0: memref<2x10000x16xf32, #tpu.memory_space<vmem>>, %arg1: memref<2x10000x64xf32, #tpu.memory_space<vmem>>, %arg2: memref<10000x64xf32, #tpu.memory_space<vmem>>, %arg3: memref<1x64xf32, #tpu.memory_space<vmem>>, %arg4: memref<1x64xf32, #tpu.memory_space<vmem>>, %arg5: memref<1x64xf32, #tpu.memory_space<vmem>>, %arg6: memref<10000x1xi32, #tpu.memory_space<vmem>>, %arg7: memref<64x2xf32, #tpu.memory_space<vmem>>, %arg8: memref<1x2xf32, #tpu.memory_space<vmem>>, %arg9: memref<64x2xf32, #tpu.memory_space<vmem>>) attributes {dimension_semantics = [], scalar_prefetch = 0 : i64, scratch_operands = 0 : i64, tpu.core_type = #tpu.core_type<tc>} {
    %get3A = arith.constant 0 : index
    %get3A_0 = arith.constant 0 : index
    %get3A_1 = arith.constant 0 : index
    %get3A_2 = vector.load %arg0[%get3A, %get3A_0, %get3A_1] : memref<2x10000x16xf32, #tpu.memory_space<vmem>>, vector<2x10000x16xf32>
    %slice3A = vector.extract_strided_slice %get3A_2 {offsets = [0, 0, 0], sizes = [1, 10000, 1], strides = [1, 1, 1]} : vector<2x10000x16xf32> to vector<1x10000x1xf32>
    %squeeze3A = vector.shape_cast %slice3A : vector<1x10000x1xf32> to vector<10000xf32>
    %slice3A_3 = vector.extract_strided_slice %get3A_2 {offsets = [1, 0, 0], sizes = [1, 10000, 1], strides = [1, 1, 1]} : vector<2x10000x16xf32> to vector<1x10000x1xf32>
    %squeeze3A_4 = vector.shape_cast %slice3A_3 : vector<1x10000x1xf32> to vector<10000xf32>
    %add3A = arith.addf %squeeze3A, %squeeze3A_4 : vector<10000xf32>
    %add3A_5 = arith.constant 1.000000e+00 : f32
    %add3A_6 = vector.broadcast %add3A_5 : f32 to vector<10000xf32>
    %add3A_7 = arith.addf %add3A, %add3A_6 : vector<10000xf32>
    %sqrt3A = math.sqrt %add3A_7 : vector<10000xf32>
    %div3A = arith.constant 1.000000e+00 : f32
    %div3A_8 = vector.broadcast %div3A : f32 to vector<10000xf32>
    %div3A_9 = arith.divf %div3A_8, %sqrt3A : vector<10000xf32>
    %broadcast_in_dim3A = vector.shape_cast %div3A_9 : vector<10000xf32> to vector<10000x1xf32>
    %get3A_10 = arith.constant 0 : index
    %get3A_11 = arith.constant 0 : index
    %get3A_12 = arith.constant 0 : index
    %get3A_13 = vector.load %arg1[%get3A_10, %get3A_11, %get3A_12] : memref<2x10000x64xf32, #tpu.memory_space<vmem>>, vector<1x10000x64xf32>
    %get3A_14 = vector.shape_cast %get3A_13 : vector<1x10000x64xf32> to vector<10000x64xf32>
    %get3A_15 = arith.constant 1 : index
    %get3A_16 = arith.constant 0 : index
    %get3A_17 = arith.constant 0 : index
    %get3A_18 = vector.load %arg1[%get3A_15, %get3A_16, %get3A_17] : memref<2x10000x64xf32, #tpu.memory_space<vmem>>, vector<1x10000x64xf32>
    %get3A_19 = vector.shape_cast %get3A_18 : vector<1x10000x64xf32> to vector<10000x64xf32>
    %add3A_20 = arith.addf %get3A_14, %get3A_19 : vector<10000x64xf32>
    %get3A_21 = arith.constant 0 : index
    %get3A_22 = arith.constant 0 : index
    %get3A_23 = vector.load %arg2[%get3A_21, %get3A_22] : memref<10000x64xf32, #tpu.memory_space<vmem>>, vector<10000x64xf32>
    %add3A_24 = arith.addf %add3A_20, %get3A_23 : vector<10000x64xf32>
    %mul3A = vector.broadcast %broadcast_in_dim3A : vector<10000x1xf32> to vector<10000x64xf32>
    %mul3A_25 = arith.mulf %add3A_24, %mul3A : vector<10000x64xf32>
    %get3A_26 = arith.constant 0 : index
    %get3A_27 = arith.constant 0 : index
    %get3A_28 = vector.load %arg3[%get3A_26, %get3A_27] : memref<1x64xf32, #tpu.memory_space<vmem>>, vector<1x64xf32>
    %add3A_29 = vector.broadcast %get3A_28 : vector<1x64xf32> to vector<10000x64xf32>
    %add3A_30 = arith.addf %mul3A_25, %add3A_29 : vector<10000x64xf32>
    %reduce_sum3A = arith.constant dense<0.000000e+00> : vector<64xf32>
    %reduce_sum3A_31 = vector.multi_reduction <add>, %add3A_30, %reduce_sum3A [0] : vector<10000x64xf32> to vector<64xf32>
    %broadcast_in_dim3A_32 = vector.shape_cast %reduce_sum3A_31 : vector<64xf32> to vector<1x64xf32>
    %div3A_33 = arith.constant 1.000000e+04 : f32
    %div3A_34 = vector.broadcast %div3A_33 : f32 to vector<1x64xf32>
    %div3A_35 = arith.divf %broadcast_in_dim3A_32, %div3A_34 : vector<1x64xf32>
    %sub3A = vector.broadcast %div3A_35 : vector<1x64xf32> to vector<10000x64xf32>
    %sub3A_36 = arith.subf %add3A_30, %sub3A : vector<10000x64xf32>
    %integer_pow3A = arith.mulf %sub3A_36, %sub3A_36 : vector<10000x64xf32>
    %reduce_sum3A_37 = arith.constant dense<0.000000e+00> : vector<64xf32>
    %reduce_sum3A_38 = vector.multi_reduction <add>, %integer_pow3A, %reduce_sum3A_37 [0] : vector<10000x64xf32> to vector<64xf32>
    %broadcast_in_dim3A_39 = vector.shape_cast %reduce_sum3A_38 : vector<64xf32> to vector<1x64xf32>
    %div3A_40 = arith.constant 1.000000e+04 : f32
    %div3A_41 = vector.broadcast %div3A_40 : f32 to vector<1x64xf32>
    %div3A_42 = arith.divf %broadcast_in_dim3A_39, %div3A_41 : vector<1x64xf32>
    %sub3A_43 = vector.broadcast %div3A_35 : vector<1x64xf32> to vector<10000x64xf32>
    %sub3A_44 = arith.subf %add3A_30, %sub3A_43 : vector<10000x64xf32>
    %add3A_45 = arith.constant 9.99999974E-6 : f32
    %add3A_46 = vector.broadcast %add3A_45 : f32 to vector<1x64xf32>
    %add3A_47 = arith.addf %div3A_42, %add3A_46 : vector<1x64xf32>
    %sqrt3A_48 = math.sqrt %add3A_47 : vector<1x64xf32>
    %div3A_49 = vector.broadcast %sqrt3A_48 : vector<1x64xf32> to vector<10000x64xf32>
    %div3A_50 = arith.divf %sub3A_44, %div3A_49 : vector<10000x64xf32>
    %get3A_51 = arith.constant 0 : index
    %get3A_52 = arith.constant 0 : index
    %get3A_53 = vector.load %arg4[%get3A_51, %get3A_52] : memref<1x64xf32, #tpu.memory_space<vmem>>, vector<1x64xf32>
    %mul3A_54 = vector.broadcast %get3A_53 : vector<1x64xf32> to vector<10000x64xf32>
    %mul3A_55 = arith.mulf %div3A_50, %mul3A_54 : vector<10000x64xf32>
    %get3A_56 = arith.constant 0 : index
    %get3A_57 = arith.constant 0 : index
    %get3A_58 = vector.load %arg5[%get3A_56, %get3A_57] : memref<1x64xf32, #tpu.memory_space<vmem>>, vector<1x64xf32>
    %add3A_59 = vector.broadcast %get3A_58 : vector<1x64xf32> to vector<10000x64xf32>
    %add3A_60 = arith.addf %mul3A_55, %add3A_59 : vector<10000x64xf32>
    %max3A = arith.constant 0.000000e+00 : f32
    %max3A_61 = vector.broadcast %max3A : f32 to vector<10000x64xf32>
    %max3A_62 = arith.maximumf %add3A_60, %max3A_61 : vector<10000x64xf32>
    %iota3A = tpu.iota {dimensions = array<i32: 1>} : vector<1x64xi32>
    %get3A_63 = arith.constant 0 : index
    %get3A_64 = arith.constant 0 : index
    %get3A_65 = vector.load %arg6[%get3A_63, %get3A_64] : memref<10000x1xi32, #tpu.memory_space<vmem>>, vector<10000x1xi32>
    %eq3A = vector.broadcast %get3A_65 : vector<10000x1xi32> to vector<10000x64xi32>
    %eq3A_66 = vector.broadcast %iota3A : vector<1x64xi32> to vector<10000x64xi32>
    %eq3A_67 = arith.cmpi eq, %eq3A, %eq3A_66 : vector<10000x64xi32>
    %convert_element_type3A = arith.extui %eq3A_67 : vector<10000x64xi1> to vector<10000x64xi32>
    %convert_element_type3A_68 = arith.sitofp %convert_element_type3A : vector<10000x64xi32> to vector<10000x64xf32>
    %dot_general3A = arith.constant dense<0.000000e+00> : vector<64x64xf32>
    %dot_general3A_69 = tpu.matmul %convert_element_type3A_68, %max3A_62, %dot_general3A {dimension_numbers = #tpu.dot_dimension_numbers<[0], [0], [1], [1], [0, 1, 1, 1], [], []>, transpose_lhs_hint = false} : vector<10000x64xf32>, vector<10000x64xf32>, vector<64x64xf32> -> vector<64x64xf32>
    %reduce_sum3A_70 = arith.constant dense<0.000000e+00> : vector<64xf32>
    %reduce_sum3A_71 = vector.multi_reduction <add>, %convert_element_type3A_68, %reduce_sum3A_70 [0] : vector<10000x64xf32> to vector<64xf32>
    %broadcast_in_dim3A_72 = vector.shape_cast %reduce_sum3A_71 : vector<64xf32> to vector<64x1xf32>
    %max3A_73 = arith.constant 1.000000e+00 : f32
    %max3A_74 = vector.broadcast %max3A_73 : f32 to vector<64x1xf32>
    %max3A_75 = arith.maximumf %broadcast_in_dim3A_72, %max3A_74 : vector<64x1xf32>
    %div3A_76 = vector.broadcast %max3A_75 : vector<64x1xf32> to vector<64x64xf32>
    %div3A_77 = arith.divf %dot_general3A_69, %div3A_76 : vector<64x64xf32>
    %get3A_78 = arith.constant 0 : index
    %get3A_79 = arith.constant 0 : index
    %get3A_80 = vector.load %arg7[%get3A_78, %get3A_79] : memref<64x2xf32, #tpu.memory_space<vmem>>, vector<64x2xf32>
    %dot_general3A_81 = arith.constant dense<0.000000e+00> : vector<64x2xf32>
    %dot_general3A_82 = tpu.matmul %div3A_77, %get3A_80, %dot_general3A_81 {dimension_numbers = #tpu.dot_dimension_numbers<[1], [0], [0], [1], [0, 0, 1, 1], [], []>, transpose_lhs_hint = false} : vector<64x64xf32>, vector<64x2xf32>, vector<64x2xf32> -> vector<64x2xf32>
    %get3A_83 = arith.constant 0 : index
    %get3A_84 = arith.constant 0 : index
    %get3A_85 = vector.load %arg8[%get3A_83, %get3A_84] : memref<1x2xf32, #tpu.memory_space<vmem>>, vector<1x2xf32>
    %add3A_86 = vector.broadcast %get3A_85 : vector<1x2xf32> to vector<64x2xf32>
    %add3A_87 = arith.addf %dot_general3A_82, %add3A_86 : vector<64x2xf32>
    %swap3A = arith.constant 0 : index
    %swap3A_88 = arith.constant 0 : index
    %swap3A_89 = vector.load %arg9[%swap3A, %swap3A_88] : memref<64x2xf32, #tpu.memory_space<vmem>>, vector<64x2xf32>
    tpu.vector_store %arg9[%swap3A, %swap3A_88], %add3A_87 {strides = array<i32>} : memref<64x2xf32, #tpu.memory_space<vmem>>, vector<64x2xf32>,
    return
  }
}

</mosaic_0001>

<sc_bundles>
// kernel: kernel.11.cloned.1.call-start
scs
__scs_entry_jumppad:
0x0: {  	(pc) =	sbr.rel $0x88, $3  }
0x1: {  	(tag) =	ssettag $0x0;
	lr =	simm.s32 $0x1  }
0x2: {  	[smem:$0x3F94] =	sst lr;
	_ =	strace $0xD0000000  }
0x3: {  	_ = 	snop  }
0x4: {  	_ = 	snop  }
0x5: {  	_ = 	snop  }
0x6: {  	_ = 	snop  }
0x7: {  	_ = 	snop  }
__scs_overlays_trampoline_lowered:
0x8: {  	[smem:$0x3FA3] =	sst s0  }
0x9: {  	[smem:$0x3FA4] =	sst s1  }
0xa: {  	[smem:$0x3FA5] =	sst s2  }
0xb: {  	[smem:$0x3FA6] =	sst s3  }
0xc: {  	[smem:$0x3FA7] =	sst s4  }
0xd: {  	[smem:$0x3FA8] =	sst s5  }
0xe: {  	[smem:$0x3FA9] =	sst s6  }
0xf: {  	[smem:$0x3FAA] =	sst s7  }
0x10: {  	[smem:$0x3FAB] =	sst s8  }
0x11: {  	[smem:$0x3FAC] =	sst s9;
	s0 =	simm.s32 @!p0 $0x0  }
0x12: {  	s1 =	sld [smem:$0x3F92];
	s0 =	simm.s32 @p0 $0x1  }
0x13: {  	[smem:$0x3FAD] =	sst s0;
	s0 =	simm.s32 @!p1 $0x0  }
0x14: {  	s2 =	sld [smem:$0x3F91];
	s0 =	simm.s32 @p1 $0x1  }
0x15: {  	[smem:$0x3FAE] =	sst s0;
	s0 =	simm.s32 @!p2 $0x0  }
0x16: {  	s3 =	sld [smem:$0x3FDB];
	s0 =	simm.s32 @p2 $0x1  }
0x17: {  	s4 =	simm.s32 $0x1BF5;
	[smem:$0x3FB0] =	sst s0  }
0x18: {  	s0 =	sld [smem:$0x3F93];
	_ =	swait.ge [sflag:s4], $0x0  }
0x19: {  	s7 =	sld [smem:$0x3F94]  }
0x1a: {  	s8 =	sadd.s32 $0xFFFFE003, lr  }
0x1b: {  	s9 =	sadd.s32 $0xFFFFFEF7, lr;
	s5 =	simm.s32 $0xFFFFFFFF;
	p2 =	slt.u32 s8, $0xFFFFF086  }
0x1c: {  	p1 =	slt.u32 s9, $0xF7A;
	s5 =	simm.s32 @!p2 $0x0  }
0x1d: {  	s5 =	simm.s32 @p1 $0x1;
	p0 =	seq.s32 s7, s2  }
0x1e: {  	s7 =	smul.u32 @!p0 $0xF7A, s2;
	p2 =	seq.s32 @!p0 s5, $0x0  }
0x1f: {  	s9 =	smul.u32 $0xF7A, s1;
	s8 =	simm.s32 @!p0 $0x1BF5;
	p2 =	por !p2, p0  }
0x20: {  	[sflag:s8] =	ssyncset.s32 @!p0 $0xFFFFF086;
	s6 =	sadd.s32 @!p0 s3, s7;
	s7 =	simm.s32 @!p0 $0x108  }
0x21: {  	s3 =	sadd.s32 s3, s9;
	s6 =	sadd.s32 @!p0 $0x88, s6;
	s7 =	simm.s32 @p2 $0x1082  }
0x22: {  	[simem:s7], [sflag:s8] =	dma.local @!p0 [hbm:s6], $0xF7A  }
0x23: {  	s9 =	sor.u32 $0xD0000000, s2;
	s6 =	simm.s32 $0x108;
	_ =	swait.ge @!p0 [sflag:s8], $0x0  }
0x24: {  	s3 =	sadd.s32 $0x88, s3;
	s6 =	simm.s32 @!p1 $0x1082;
	[sflag:s4] =	ssyncset.s32 $0xFFFFF086  }
0x25: {  	[simem:s6], [sflag:s4] =	dma.local [hbm:s3], $0xF7A  }
0x26: {  	[smem:$0x3F94] =	sst s1;
	(tag) =	ssettag s2;
	_ =	strace s9  }
0x27: {  	s1 =	sld [smem:$0x3FA4]  }
0x28: {  	s2 =	sld [smem:$0x3FA5]  }
0x29: {  	s4 =	sld [smem:$0x3FA7]  }
0x2a: {  	p0 =	seq.s32 s5, $0x0;
	s5 =	sld [smem:$0x3FA8]  }
0x2b: {  	s6 =	sld [smem:$0x3FA9]  }
0x2c: {  	s7 =	sld [smem:$0x3FAA]  }
0x2d: {  	s3 =	simm.s32 $0x108;
	s8 =	sld [smem:$0x3FAB]  }
0x2e: {  	s3 =	simm.s32 @!p0 $0x1082;
	s9 =	sld [smem:$0x3FAC]  }
0x2f: {  	lr =	sadd.s32 s0, s3;
	s0 =	sld [smem:$0x3FA3]  }
0x30: {  	s3 =	sld [smem:$0x3FA6]  }
0x31: {  	[smem:$0x3FAF] =	sst s10  }
0x32: {  	s10 =	sld [smem:$0x3FAD];
	_ =	sdelay $0x3  }
0x33: {  	p0 =	seq.s32 s10, $0x1;
	s10 =	sld [smem:$0x3FAF];
	_ =	sdelay $0x3  }
0x34: {  	[smem:$0x3FAF] =	sst s10  }
0x35: {  	s10 =	sld [smem:$0x3FAE];
	_ =	sdelay $0x3  }
0x36: {  	p1 =	seq.s32 s10, $0x1;
	s10 =	sld [smem:$0x3FAF];
	_ =	sdelay $0x3  }
0x37: {  	[smem:$0x3FAF] =	sst s10  }
0x38: {  	s10 =	sld [smem:$0x3FB0]  }
0x39: {  	_ = 	snop;
	(pc) =	sbr.ind lr, $3  }
0x3a: {  	_ = 	snop  }
0x3b: {  	_ = 	snop  }
0x3c: {  	p2 =	seq.s32 s10, $0x1;
	s10 =	sld [smem:$0x3FAF]  }
0x3d: {  	_ =	shalt  }
0x3e: {  	_ =	shalt  }
0x3f: {  	_ =	shalt  }
0x40: {  	_ =	shalt  }
0x41: {  	_ =	shalt  }
0x42: {  	_ =	shalt  }
0x43: {  	_ =	shalt  }
0x44: {  	_ =	shalt  }
0x45: {  	_ =	shalt  }
0x46: {  	_ =	shalt  }
0x47: {  	_ =	shalt  }
0x48: {  	_ =	shalt  }
0x49: {  	_ =	shalt  }
0x4a: {  	_ =	shalt  }
0x4b: {  	_ =	shalt  }
0x4c: {  	_ =	shalt  }
0x4d: {  	_ =	shalt  }
0x4e: {  	_ =	shalt  }
0x4f: {  	_ =	shalt  }
0x50: {  	_ =	shalt  }
0x51: {  	_ =	shalt  }
0x52: {  	_ =	shalt  }
0x53: {  	_ =	shalt  }
0x54: {  	_ =	shalt  }
0x55: {  	_ =	shalt  }
0x56: {  	_ =	shalt  }
0x57: {  	_ =	shalt  }
0x58: {  	_ =	shalt  }
0x59: {  	_ =	shalt  }
0x5a: {  	_ =	shalt  }
0x5b: {  	_ =	shalt  }
0x5c: {  	_ =	shalt  }
0x5d: {  	_ =	shalt  }
0x5e: {  	_ =	shalt  }
0x5f: {  	_ =	shalt  }
0x60: {  	_ =	shalt  }
0x61: {  	_ =	shalt  }
0x62: {  	_ =	shalt  }
0x63: {  	_ =	shalt  }
0x64: {  	_ =	shalt  }
0x65: {  	_ =	shalt  }
0x66: {  	_ =	shalt  }
0x67: {  	_ =	shalt  }
0x68: {  	_ =	shalt  }
0x69: {  	_ =	shalt  }
0x6a: {  	_ =	shalt  }
0x6b: {  	_ =	shalt  }
0x6c: {  	_ =	shalt  }
0x6d: {  	_ =	shalt  }
0x6e: {  	_ =	shalt  }
0x6f: {  	_ =	shalt  }
0x70: {  	_ =	shalt  }
0x71: {  	_ =	shalt  }
0x72: {  	_ =	shalt  }
0x73: {  	_ =	shalt  }
0x74: {  	_ =	shalt  }
0x75: {  	_ =	shalt  }
0x76: {  	_ =	shalt  }
0x77: {  	_ =	shalt  }
0x78: {  	_ =	shalt  }
0x79: {  	_ =	shalt  }
0x7a: {  	_ =	shalt  }
0x7b: {  	_ =	shalt  }
0x7c: {  	_ =	shalt  }
0x7d: {  	_ =	shalt  }
0x7e: {  	_ =	shalt  }
0x7f: {  	_ =	shalt  }
0x80: {  	_ =	shalt  }
0x81: {  	_ =	shalt  }
0x82: {  	_ =	shalt  }
0x83: {  	_ =	shalt  }
0x84: {  	_ =	shalt  }
0x85: {  	_ =	shalt  }
0x86: {  	_ =	shalt  }
0x87: {  	_ =	shalt  }
.Lfunc_end0:
.L_simem_size_0:
called_computation.1_lowered:
.L_overlay_start_0:
0x88: {  	s2 =	sld [smem:$0x3FD9]  }
0x89: {  	s3 =	sld [smem:$0x3FFE];
	_ =	sdelay $0x1  }
0x8a: {  	s1 =	srdreg.scid  }
0x8b: {  	s0 =	sand.u32 $0x1, s1  }
0x8c: {  	s16 =	sshll.u32 s0, $0xA;
	s2 =	sadd.s32 s3, s2  }
0x8d: {  	s2 =	sadd.s32 s2, s16  }
0x8e: {  	[smem:$0x3FBB] =	sst s2  }
0x8f: {  	_ = 	snop  }
0x90: {  	(tm) =	ssettm $0x1  }
0x91: {  	s17 =	sld [smem:$0x3FFB];
	_ =	sdelay $0x3  }
0x92: {  	_ =	strace s17  }
0x93: {  	s2 =	sld [smem:$0x3FFC];
	_ =	sdelay $0x3  }
0x94: {  	_ =	strace s2  }
0x95: {  	s2 =	sld [smem:$0x3FFD];
	_ =	sdelay $0x3  }
0x96: {  	_ =	strace s2  }
0x97: {  	_ =	strace $0x8FFFFFFF  }
0x98: {  	s18 =	sld [smem:$0x3FDB];
	_ =	sdelay $0x1  }
0x99: {  	s19 =	simm.s32 $_scs_section_size  }
0x9a: {  	s4 =	simm.s32 $_size__tile_overlayer_lowered;
	s5 =	simm.s32 $_tile_overlayer_lowered  }
0x9b: {  	s22 =	simm.s32 $0x1BFF;
	s21 =	sshll.u32 s5, $0x1;
	s2 =	sadd.s32 s19, s18  }
0x9c: {  	s6 =	simm.s32 $0x0;
	s20 =	sshll.u32 s4, $0x1;
	s4 =	sadd.s32 s21, s2  }
0x9d: {  	[timem:s6], [sflag:s22] =	dma.local [hbm:s4], s20  }
0x9e: {  	_ =	swait.ge [sflag:s22], s20  }
0x9f: {  	s3 =	ssub.s32 $0x0, s20;
	[sflag:s22] =	ssyncset.done $0x0  }
0xa0: {  	[sflag:s22] =	ssyncadd.s32 s3;
	_ =	sdelay $0x1  }
0xa1: {  	s23 =	simm.s32 $0x1B8B  }
0xa2: {  	_ =	swait.ge [sflag:s23], $0x1  }
0xa3: {  	[sflag:s23] =	ssyncset.done $0x0  }
0xa4: {  	s25 =	simm.s32 $0x1B8E;
	s24 =	sld [smem:$0x3FFE];
	[sflag:s23] =	ssyncadd.s32 $0xFFFFFFFF  }
0xa5: {  	s26 =	simm.s32 $execute0_lowered;
	[smem:$0x3FD2] =	sst s25  }
0xa6: {  	s4 =	sshll.u32 s26, $0x1;
	_ =	strace $0x80000049;
	[dreg:$0x1] =	wrdreg $0xFFFFFFFF  }
0xa7: {  	s28 =	simm.s32 $_size_execute0_lowered;
	s2 =	sadd.s32 s2, s4;
	[dreg:$0x0] =	wrdreg $0x0  }
0xa8: {  	s4 =	sshll.u32 s28, $0x1;
	[dreg:$0x2] =	wrdreg s2  }
0xa9: {  	[dreg:$0x3] =	wrdreg s4  }
0xaa: {  	[dreg:$0x4] =	wrdreg $0xC0  }
0xab: {  	_ =	task [dreg:s6], $0x5FFFF  }
0xac: {  	[dreg:$0x1] =	wrdreg $0xFFFFFFFF  }
0xad: {  	[dreg:$0x0] =	wrdreg $0x60  }
0xae: {  	[dreg:$0x2] =	wrdreg s24  }
0xaf: {  	[dreg:$0x3] =	wrdreg $0x14A000  }
0xb0: {  	[dreg:$0x4] =	wrdreg $0x9  }
0xb1: {  	_ =	task.clear_ibuf [dreg:s6], $0x5FFFF;
	_ =	strace $0x90000049  }
0xb2: {  	s29 =	simm.s32 $0x9;
	_ =	strace $0x8000004B  }
0xb3: {  	_ =	swait.ge [sflag:s29], $0x1  }
0xb4: {  	[sflag:s29] =	ssyncadd.s32 $0xFFFFFFFF  }
0xb5: {  	_ =	strace $0x9000004B  }
0xb6: {  	_ =	sfence  }
0xb7: {  	s30 =	sld [smem:$0x0];
	_ =	sdelay $0x2  }
0xb8: {  	s31 =	sshll.u32 s1, $0xD;
	s1 =	sshrl.u32 s1, $0x2  }
0xb9: {  	s3 =	sand.u32 $0x4000, s31;
	s1 =	sadd.s32 s1, s30  }
0xba: {  	s0 =	sor.u32 s3, s0;
	s1 =	sshll.u32 s1, $0x11  }
0xbb: {  	s0 =	sor.u32 s1, s0  }
0xbc: {  	s0 =	sadd.s32 $0x8F2B, s0  }
0xbd: {  	[sflag:s0] =	ssyncadd.remote.s32 $0x1  }
0xbe: {  	_ =	sfence.sel $0xFFFF  }
0xbf: {  	[dreg:$0x0] =	wrdreg $0xFFFFFFFF;
	(pc) =	sbr.abs _section_cstart, $3  }
0xc0: {  	[dreg:$0x1] =	wrdreg $0xFFFFFFFF  }
0xc1: {  	_ =	task.clear_ibuf [dreg:s6], $0x2FFFF;
	_ =	strace $0x9FFFFFFF  }
0xc2: {  	(tm) =	ssettm $0x7FFFFFFF  }
0xc3: {  	_ =	shalt  }
tec
execute0_lowered:
.L_overlay_start_1:
0x0: {  	(tag) =	ssettag $0x1  }
0x1: {  	s0 =	rddreg [dreg:$0x0]  }
0x2: {  	s2 =	rddreg [dreg:$0x1]  }
0x3: {  	s3 =	simm.s32 $0x0;
	s1 =	srdreg.scid;
	s8 =	stileid.u32  }
0x4: {  	s14 =	simm.s32 $0x5000;
	s17 =	simm.s32 $0x9;
	s18 =	simm.s32 $0xA  }
0x5: {  	s29 =	simm.s32 $0xADC0;
	s31 =	simm.s32 $0xCD00;
	s28 =	simm.s32 $0x12AC0  }
0x6: {  	s30 =	simm.s32 $0x1;
	s16 =	simm.s32 $0x3;
	s9 =	simm.s32 $0x8  }
0x7: {  	s10 =	simm.s32 $0xE;
	s11 =	simm.s32 $0xF;
	s12 =	simm.s32 $0x10  }
0x8: {  	s1 =	sand.u32 $0x1, s1;
	s4 =	sshll.u32 s8, $0x1;
	s5 =	smul.u32 $0x9C40, s8  }
0x9: {  	[smem:$0x7FF] =	sst s3;
	s8 =	smul.u32 $0x27100, s8;
	s4 =	sor.u32 s1, s4  }
0xa: {  	s6 =	smul.u32 $0x9C400, s1;
	_ =	strace $0x8000004A;
	s1 =	ssub.s32 $0x2, s1  }
0xb: {  	s7 =	smul.u32 $0x500, s4;
	s4 =	sadd.s32 $0x20000, s0;
	s19 =	sshrl.u32 s1, $0x1  }
0xc: {  	s8 =	sshrl.u32 s8, $0x2;
	s6 =	sadd.s32 s5, s6;
	s1 =	ssub.s32 s1, s19  }
0xd: {  	s5 =	sadd.s32 s5, s2;
	s20 =	sadd.s32 s8, s2;
	s19 =	simm.s32 $0xB  }
0xe: {  	s8 =	simm.s32 $0x7;
	s7 =	sadd.s32 s7, s0;
	s6 =	sshrl.u32 s6, $0x3  }
0xf: {  	[dreg:$0x3] =	wrdreg s5;
	s21 =	sadd.s32 $0x1F40, s20;
	s22 =	sadd.s32 $0x3E80, s20  }
0x10: {  	s23 =	sadd.s32 $0x5DC0, s20;
	s5 =	sadd.s32 $0x7D00, s20;
	[dreg:$0x4] =	wrdreg s21  }
0x11: {  	s26 =	smax.u32 s1, $0x1;
	s20 =	simm.s32 $0xC;
	[dreg:$0x5] =	wrdreg s22  }
0x12: {  	s1 =	simm.s32 $0xEC40;
	s0 =	sadd.s32 s6, s0;
	[dreg:$0x6] =	wrdreg s23  }
0x13: {  	[dreg:$0x7] =	wrdreg s5;
	s24 =	sadd.s32 $0x16000, s7;
	s25 =	sadd.s32 $0x2200, s7  }
.Ltmp0:
0x14: {  	[dreg:$0xb] =	wrdreg s26;
	s21 =	simm.s32 $0xD;
	(pc) =	sbr.rel .LBB2_1-.Ltmp0, $4  }
0x15: {  	s22 =	simm.s32 $0x7D;
	s26 =	simm.s32 $0x8E80;
	s23 =	simm.s32 $0x10B80  }
0x16: {  	s6 =	simm.s32 $0x5;
	s7 =	simm.s32 $0x6;
	[dreg:$0x8] =	wrdreg s24  }
0x17: {  	[dreg:$0x9] =	wrdreg s25;
	s0 =	sadd.s32 $0x33A00, s0;
	s24 =	simm.s32 $0x6F40  }
0x18: {  	v0 =	vimm.f32 $0.0e+00;
	s25 =	simm.s32 $0x4;
	[dreg:$0xa] =	wrdreg s0;
	s0 =	simm.s32 $0x2  }
.LBB2_6:
0x19: {  	_ =	swait.ge [sflag:s18], $0x1F40  }
0x1a: {  	[sflag:s18] =	ssyncset.done $0x0  }
0x1b: {  	[sflag:s18] =	ssyncadd.s32 $0xFFFFE0C0  }
0x1c: {  	_ =	swait.ge [sflag:s19], $0x1F40  }
0x1d: {  	[sflag:s19] =	ssyncset.done $0x0  }
0x1e: {  	[sflag:s19] =	ssyncadd.s32 $0xFFFFE0C0  }
0x1f: {  	_ =	swait.ge [sflag:s20], $0x1F40  }
0x20: {  	[sflag:s20] =	ssyncset.done $0x0  }
0x21: {  	[sflag:s20] =	ssyncadd.s32 $0xFFFFE0C0  }
0x22: {  	_ =	swait.ge [sflag:s21], $0x1F40  }
0x23: {  	[sflag:s21] =	ssyncset.done $0x0  }
0x24: {  	[sflag:s21] =	ssyncadd.s32 $0xFFFFE0C0  }
0x25: {  	_ =	swait.ge [sflag:s10], $0x1F40  }
0x26: {  	[sflag:s10] =	ssyncset.done $0x0  }
0x27: {  	[sflag:s10] =	ssyncadd.s32 $0xFFFFE0C0  }
0x28: {  	_ =	swait.ge [sflag:s11], $0x1F40  }
0x29: {  	[sflag:s11] =	ssyncset.done $0x0  }
0x2a: {  	[sflag:s11] =	ssyncadd.s32 $0xFFFFE0C0  }
0x2b: {  	_ =	swait.ge [sflag:s12], $0x1F40  }
0x2c: {  	[sflag:s12] =	ssyncset.done $0x0  }
0x2d: {  	[sflag:s12] =	ssyncadd.s32 $0xFFFFE0C0  }
0x2e: {  	s5 =	stileid.u32;
	[bflag:$0x0] =	sbarrier.arrive $0xFFFF  }
0x2f: {  	s5 =	sshll.u32 s5, $0x6;
	s13 =	rddreg [dreg:$0x3]  }
0x30: {  	s5 =	sor.u32 $0x1C11, s5;
	s15 =	rddreg [dreg:$0xa];
	s13 =	sshrl.u32 s13, $0x3  }
0x31: {  	[hbm:s15], [sflag:s5] =	dma.local [spmem:s13], $0x1388  }
0x32: {  	s13 =	simm.s32 $0x11  }
0x33: {  	_ =	swait.ge [sflag:s13], $0x1388  }
0x34: {  	s3 =	sadd.s32 $0x1, s3;
	s15 =	rddreg [dreg:$0xb]  }
0x35: {  	p0 =	sne.s32 s3, s15  }
.Ltmp1:
0x36: {  	_ = 	snop;
	(pc) =	sbr.rel @!p0 .LBB2_7-.Ltmp1, $3  }
0x37: {  	_ =	sdelay $0x1  }
0x38: {  	[sflag:s13] =	ssyncset.done $0x0  }
0x39: {  	[sflag:s13] =	ssyncadd.s32 $0xFFFFEC78  }
.LBB2_1:
0x3a: {  	[dreg:$0xc] =	wrdreg s3;
	s13 =	simm.s32 $0x100;
	s5 =	simm.s32 $0x0  }
.LBB2_2:
0x3b: {  	p0 =	sne.s32 s13, $0x7C00;
	[tilespmem:s5+$0x5030] =	vst v0;
	s15 =	smov.u32 s13;
	s13 =	sadd.s32 $0x100, s13  }
.Ltmp2:
0x3c: {  	[tilespmem:s5+$0x5020] =	vst v0;
	(pc) =	sbr.rel @p0 .LBB2_2-.Ltmp2, $3  }
0x3d: {  	[tilespmem:s5+$0x5000] =	vst v0  }
0x3e: {  	[tilespmem:s5+$0x5010] =	vst v0;
	_ =	sdelay $0x1  }
0x3f: {  	s5 =	sshra.s32 s15, $0x2  }
0x40: {  	[tilespmem:s5+$0x5030] =	vst v0  }
0x41: {  	[tilespmem:s5+$0x5020] =	vst v0  }
0x42: {  	[tilespmem:s5+$0x5000] =	vst v0  }
0x43: {  	[tilespmem:s5+$0x5010] =	vst v0;
	s13 =	rddreg [dreg:$0x3]  }
0x44: {  	[spmem:s13] =	stream.linear.scatter [tilespmem:s14], [sflag:$0x9], $0x1F40, $0x38;
	[tilespmem:$0x1E640] =	vst v63  }
0x45: {  	s15 =	rddreg [dreg:$0x4]  }
0x46: {  	[spmem:s15] =	stream.linear.scatter [tilespmem:s14], [sflag:$0xA], $0x1F40, $0x38;
	[tilespmem:$0x1E640] =	vst v63  }
0x47: {  	s3 =	rddreg [dreg:$0x5]  }
0x48: {  	[spmem:s3] =	stream.linear.scatter [tilespmem:s14], [sflag:$0xB], $0x1F40, $0x38;
	[tilespmem:$0x1E640] =	vst v63  }
0x49: {  	s13 =	rddreg [dreg:$0x6]  }
0x4a: {  	[spmem:s13] =	stream.linear.scatter [tilespmem:s14], [sflag:$0xC], $0x1F40, $0x38;
	[tilespmem:$0x1E640] =	vst v63  }
0x4b: {  	s15 =	rddreg [dreg:$0x7]  }
0x4c: {  	[spmem:s15] =	stream.linear.scatter [tilespmem:s14], [sflag:$0xD], $0x1F40, $0x38;
	[tilespmem:$0x1E640] =	vst v63  }
0x4d: {  	s3 =	rddreg [dreg:$0x8];
	s13 =	simm.s32 $0x0;
	s15 =	simm.s32 $0x11  }
0x4e: {  	[tilespmem:s13], [sflag:$0x11] =	stream.linear.gather [hbm4b:s3+s13], $0x2800, $0x38;
	[tilespmem:$0x1E640] =	vst v63  }
0x4f: {  	_ =	swait.ge [sflag:s15], $0x2800  }
0x50: {  	[sflag:s15] =	ssyncset.done $0x0  }
0x51: {  	s3 =	simm.s32 $0x2800;
	s5 =	rddreg [dreg:$0x9];
	[sflag:s15] =	ssyncadd.s32 $0xFFFFD800  }
0x52: {  	[tilespmem:s3], [sflag:$0x11] =	stream.linear.gather [hbm4b:s5+s13], $0x2800, $0x38;
	[tilespmem:$0x1E640] =	vst v63  }
0x53: {  	_ =	swait.ge [sflag:s15], $0x2800  }
0x54: {  	[sflag:s15] =	ssyncset.done $0x0  }
0x55: {  	[sflag:s15] =	ssyncadd.s32 $0xFFFFD800  }
0x56: {  	_ =	swait.ge [sflag:s17], $0x1F40  }
0x57: {  	[sflag:s17] =	ssyncset.done $0x0  }
0x58: {  	[sflag:s17] =	ssyncadd.s32 $0xFFFFE0C0  }
0x59: {  	_ =	swait.ge [sflag:s18], $0x1F40  }
0x5a: {  	[sflag:s18] =	ssyncset.done $0x0  }
0x5b: {  	[sflag:s18] =	ssyncadd.s32 $0xFFFFE0C0  }
0x5c: {  	_ =	swait.ge [sflag:s19], $0x1F40  }
0x5d: {  	[sflag:s19] =	ssyncset.done $0x0  }
0x5e: {  	[sflag:s19] =	ssyncadd.s32 $0xFFFFE0C0  }
0x5f: {  	_ =	swait.ge [sflag:s20], $0x1F40  }
0x60: {  	[sflag:s20] =	ssyncset.done $0x0  }
0x61: {  	[sflag:s20] =	ssyncadd.s32 $0xFFFFE0C0  }
0x62: {  	_ =	swait.ge [sflag:s21], $0x1F40  }
0x63: {  	[sflag:s21] =	ssyncset.done $0x0  }
0x64: {  	[sflag:s21] =	ssyncadd.s32 $0xFFFFE0C0  }
0x65: {  	[bflag:$0x0] =	sbarrier.arrive $0xFFFF  }
0x66: {  	[tilespmem:s14], [sflag:$0x1] =	stream.indirect.gather [hbm4b:s4+s22], $0x40, s13, s22, $0xb8;
	[tilespmem:$0x1E640] =	vst v63  }
0x67: {  	s15 =	simm.s32 $0x80  }
0x68: {  	[tilespmem:s24], [sflag:$0x2] =	stream.indirect.gather [hbm4b:s4+s22], $0x40, s15, s22, $0xb8;
	[tilespmem:$0x1E640] =	vst v63  }
0x69: {  	s5 =	simm.s32 $0x100  }
0x6a: {  	[tilespmem:s26], [sflag:$0x3] =	stream.indirect.gather [hbm4b:s4+s22], $0x40, s5, s22, $0xb8;
	[tilespmem:$0x1E640] =	vst v63  }
0x6b: {  	s15 =	simm.s32 $0x180  }
0x6c: {  	[tilespmem:s29], [sflag:$0x4] =	stream.indirect.gather [hbm4b:s4+s22], $0x40, s15, s22, $0xb8;
	[tilespmem:$0x1E640] =	vst v63  }
0x6d: {  	s5 =	simm.s32 $0x200  }
0x6e: {  	[tilespmem:s31], [sflag:$0x5] =	stream.indirect.gather [hbm4b:s4+s22], $0x40, s5, s22, $0xb8;
	[tilespmem:$0x1E640] =	vst v63  }
0x6f: {  	s15 =	simm.s32 $0x280  }
0x70: {  	[tilespmem:s1], [sflag:$0x6] =	stream.indirect.gather [hbm4b:s4+s22], $0x40, s15, s22, $0xb8;
	[tilespmem:$0x1E640] =	vst v63  }
0x71: {  	s5 =	simm.s32 $0x300  }
0x72: {  	[tilespmem:s23], [sflag:$0x7] =	stream.indirect.gather [hbm4b:s4+s22], $0x40, s5, s22, $0xb8;
	[tilespmem:$0x1E640] =	vst v63  }
0x73: {  	s3 =	rddreg [dreg:$0xc];
	s15 =	simm.s32 $0x380  }
0x74: {  	[tilespmem:s28], [sflag:$0x8] =	stream.indirect.gather [hbm4b:s4+s22], $0x40, s15, s22, $0xb8;
	[tilespmem:$0x1E640] =	vst v63  }
.LBB2_4:
0x75: {  	_ =	swait.ge [sflag:s30], $0x1F40  }
0x76: {  	s5 =	sshra.s32 s13, $0x2;
	[sflag:s30] =	ssyncset.done $0x0  }
0x77: {  	s15 =	sadd.s32 $0x2800, s5;
	[sflag:s30] =	ssyncadd.s32 $0xFFFFE0C0  }
0x78: {  	[spmem:s2] =	stream.indirect.scatter.add.f32 [tilespmem:s14], [sflag:$0x9], $0x40, s15, s22, $0xb8;
	[tilespmem:$0x1E640] =	vst v63  }
0x79: {  	_ =	swait.ge [sflag:s0], $0x1F40  }
0x7a: {  	[sflag:s0] =	ssyncset.done $0x0  }
0x7b: {  	s15 =	sadd.s32 $0x2880, s5;
	[sflag:s0] =	ssyncadd.s32 $0xFFFFE0C0  }
0x7c: {  	[spmem:s2] =	stream.indirect.scatter.add.f32 [tilespmem:s24], [sflag:$0xA], $0x40, s15, s22, $0xb8;
	[tilespmem:$0x1E640] =	vst v63  }
0x7d: {  	_ =	swait.ge [sflag:s16], $0x1F40  }
0x7e: {  	[sflag:s16] =	ssyncset.done $0x0  }
0x7f: {  	s15 =	sadd.s32 $0x2900, s5;
	[sflag:s16] =	ssyncadd.s32 $0xFFFFE0C0  }
0x80: {  	[spmem:s2] =	stream.indirect.scatter.add.f32 [tilespmem:s26], [sflag:$0xB], $0x40, s15, s22, $0xb8;
	[tilespmem:$0x1E640] =	vst v63  }
0x81: {  	_ =	swait.ge [sflag:s25], $0x1F40  }
0x82: {  	[sflag:s25] =	ssyncset.done $0x0  }
0x83: {  	s15 =	sadd.s32 $0x2980, s5;
	[sflag:s25] =	ssyncadd.s32 $0xFFFFE0C0  }
0x84: {  	[spmem:s2] =	stream.indirect.scatter.add.f32 [tilespmem:s29], [sflag:$0xC], $0x40, s15, s22, $0xb8;
	[tilespmem:$0x1E640] =	vst v63  }
0x85: {  	_ =	swait.ge [sflag:s6], $0x1F40  }
0x86: {  	[sflag:s6] =	ssyncset.done $0x0  }
0x87: {  	s15 =	sadd.s32 $0x2A00, s5;
	[sflag:s6] =	ssyncadd.s32 $0xFFFFE0C0  }
0x88: {  	[spmem:s2] =	stream.indirect.scatter.add.f32 [tilespmem:s31], [sflag:$0xD], $0x40, s15, s22, $0xb8;
	[tilespmem:$0x1E640] =	vst v63  }
0x89: {  	_ =	swait.ge [sflag:s7], $0x1F40  }
0x8a: {  	[sflag:s7] =	ssyncset.done $0x0  }
0x8b: {  	s15 =	sadd.s32 $0x2A80, s5;
	[sflag:s7] =	ssyncadd.s32 $0xFFFFE0C0  }
0x8c: {  	[spmem:s2] =	stream.indirect.scatter.add.f32 [tilespmem:s1], [sflag:$0xE], $0x40, s15, s22, $0xb8;
	[tilespmem:$0x1E640] =	vst v63  }
0x8d: {  	_ =	swait.ge [sflag:s8], $0x1F40  }
0x8e: {  	[sflag:s8] =	ssyncset.done $0x0  }
0x8f: {  	s15 =	sadd.s32 $0x2B00, s5;
	[sflag:s8] =	ssyncadd.s32 $0xFFFFE0C0  }
0x90: {  	[spmem:s2] =	stream.indirect.scatter.add.f32 [tilespmem:s23], [sflag:$0xF], $0x40, s15, s22, $0xb8;
	[tilespmem:$0x1E640] =	vst v63  }
0x91: {  	_ =	swait.ge [sflag:s9], $0x1F40  }
0x92: {  	p0 =	seq.s32 s13, $0x9000;
	[sflag:s9] =	ssyncset.done $0x0  }
.Ltmp3:
0x93: {  	s15 =	sadd.s32 $0x2B80, s5;
	[sflag:s9] =	ssyncadd.s32 $0xFFFFE0C0;
	(pc) =	sbr.rel @p0 .LBB2_6-.Ltmp3, $4  }
0x94: {  	[spmem:s2] =	stream.indirect.scatter.add.f32 [tilespmem:s28], [sflag:$0x10], $0x40, s15, s22, $0xb8;
	[tilespmem:$0x1E640] =	vst v63  }
0x95: {  	_ =	swait.ge [sflag:s17], $0x1F40  }
0x96: {  	[sflag:s17] =	ssyncset.done $0x0  }
0x97: {  	[sflag:s17] =	ssyncadd.s32 $0xFFFFE0C0  }
0x98: {  	s15 =	sadd.s32 $0x400, s5  }
0x99: {  	[tilespmem:s14], [sflag:$0x1] =	stream.indirect.gather [hbm4b:s4+s22], $0x40, s15, s22, $0xb8;
	[tilespmem:$0x1E640] =	vst v63  }
0x9a: {  	_ =	swait.ge [sflag:s18], $0x1F40  }
0x9b: {  	[sflag:s18] =	ssyncset.done $0x0  }
0x9c: {  	s15 =	sadd.s32 $0x480, s5;
	[sflag:s18] =	ssyncadd.s32 $0xFFFFE0C0  }
0x9d: {  	[tilespmem:s24], [sflag:$0x2] =	stream.indirect.gather [hbm4b:s4+s22], $0x40, s15, s22, $0xb8;
	[tilespmem:$0x1E640] =	vst v63  }
0x9e: {  	_ =	swait.ge [sflag:s19], $0x1F40  }
0x9f: {  	[sflag:s19] =	ssyncset.done $0x0  }
0xa0: {  	s15 =	sadd.s32 $0x500, s5;
	[sflag:s19] =	ssyncadd.s32 $0xFFFFE0C0  }
0xa1: {  	[tilespmem:s26], [sflag:$0x3] =	stream.indirect.gather [hbm4b:s4+s22], $0x40, s15, s22, $0xb8;
	[tilespmem:$0x1E640] =	vst v63  }
0xa2: {  	_ =	swait.ge [sflag:s20], $0x1F40  }
0xa3: {  	[sflag:s20] =	ssyncset.done $0x0  }
0xa4: {  	s15 =	sadd.s32 $0x580, s5;
	[sflag:s20] =	ssyncadd.s32 $0xFFFFE0C0  }
0xa5: {  	[tilespmem:s29], [sflag:$0x4] =	stream.indirect.gather [hbm4b:s4+s22], $0x40, s15, s22, $0xb8;
	[tilespmem:$0x1E640] =	vst v63  }
0xa6: {  	_ =	swait.ge [sflag:s21], $0x1F40  }
0xa7: {  	[sflag:s21] =	ssyncset.done $0x0  }
0xa8: {  	s15 =	sadd.s32 $0x600, s5;
	[sflag:s21] =	ssyncadd.s32 $0xFFFFE0C0  }
0xa9: {  	[tilespmem:s31], [sflag:$0x5] =	stream.indirect.gather [hbm4b:s4+s22], $0x40, s15, s22, $0xb8;
	[tilespmem:$0x1E640] =	vst v63  }
0xaa: {  	_ =	swait.ge [sflag:s10], $0x1F40  }
0xab: {  	[sflag:s10] =	ssyncset.done $0x0  }
0xac: {  	s15 =	sadd.s32 $0x680, s5;
	[sflag:s10] =	ssyncadd.s32 $0xFFFFE0C0  }
0xad: {  	[tilespmem:s1], [sflag:$0x6] =	stream.indirect.gather [hbm4b:s4+s22], $0x40, s15, s22, $0xb8;
	[tilespmem:$0x1E640] =	vst v63  }
0xae: {  	_ =	swait.ge [sflag:s11], $0x1F40  }
0xaf: {  	[sflag:s11] =	ssyncset.done $0x0  }
0xb0: {  	s15 =	sadd.s32 $0x700, s5;
	[sflag:s11] =	ssyncadd.s32 $0xFFFFE0C0  }
0xb1: {  	[tilespmem:s23], [sflag:$0x7] =	stream.indirect.gather [hbm4b:s4+s22], $0x40, s15, s22, $0xb8;
	[tilespmem:$0x1E640] =	vst v63  }
.Ltmp4:
0xb2: {  	_ = 	snop;
	(pc) =	sbr.rel .LBB2_4-.Ltmp4, $4  }
0xb3: {  	_ =	swait.ge [sflag:s12], $0x1F40  }
0xb4: {  	[sflag:s12] =	ssyncset.done $0x0  }
0xb5: {  	s13 =	sadd.s32 $0x1000, s13;
	s15 =	sadd.s32 $0x780, s5;
	[sflag:s12] =	ssyncadd.s32 $0xFFFFE0C0  }
0xb6: {  	[tilespmem:s28], [sflag:$0x8] =	stream.indirect.gather [hbm4b:s4+s22], $0x40, s15, s22, $0xb8;
	[tilespmem:$0x1E640] =	vst v63  }
.LBB2_7:
0xb7: {  	_ =	sfence.sel $0x180000  }
0xb8: {  	[bflag:$0x0] =	sbarrier.arrive $0xFFFF  }
0xb9: {  	_ =	strace $0x9000004A  }
0xba: {  	s0 =	stileid.u32;
	[bflag:$0x2] =	sbarrier.arrive $0xFFFF  }
0xbb: {  	p0 =	sne.s32 s0, $0x0;
	s0 =	rddreg [dreg:$0x2]  }
0xbc: {  	s0 =	sadd.s32 @!p0 $0x100000, s0  }
0xbd: {  	[sflag:s0] =	ssyncadd.tile.s32 @!p0 $0x1;
	_ =	shalt  }
.Lfunc_end2:
_tile_overlayer_lowered:
.L_overlay_start_2:
0xbe: {  	(tag) =	ssettag $0x2  }
0xbf: {  	s0 =	rddreg [dreg:$0x0];
	s2 =	stileid.u32  }
0xc0: {  	s1 =	rddreg [dreg:$0x1];
	p0 =	sne.s32 s2, $0x0  }
0xc1: {  	s3 =	rddreg [dreg:$0x2];
	[bflag:$0x3] =	sbarrier.arrive $0xFFFF;
	s2 =	simm.s32 @!p0 $0x1C11  }
0xc2: {  	[timem:s3], [sflag:s2] =	dma.local @!p0 [hbm:s0], s1  }
0xc3: {  	s0 =	simm.s32 @!p0 $0x11  }
0xc4: {  	_ =	swait.ge @!p0 [sflag:s0], s1  }
0xc5: {  	s1 =	ssub.s32 @!p0 $0x0, s1;
	[sflag:s0] =	ssyncset.done @!p0 $0x0  }
0xc6: {  	[sflag:s0] =	ssyncadd.s32 @!p0 s1  }
0xc7: {  	[bflag:$0x3] =	sbarrier.arrive $0xFFFF  }
0xc8: {  	_ =	shalt  }

// kernel: kernel.14.cloned.1.call-start
scs
__scs_entry_jumppad:
0x0: {  	(pc) =	sbr.rel $0x88, $3  }
0x1: {  	(tag) =	ssettag $0x0;
	lr =	simm.s32 $0x1  }
0x2: {  	[smem:$0x3F94] =	sst lr;
	_ =	strace $0xD0000000  }
0x3: {  	_ = 	snop  }
0x4: {  	_ = 	snop  }
0x5: {  	_ = 	snop  }
0x6: {  	_ = 	snop  }
0x7: {  	_ = 	snop  }
__scs_overlays_trampoline_lowered:
0x8: {  	[smem:$0x3FA3] =	sst s0  }
0x9: {  	[smem:$0x3FA4] =	sst s1  }
0xa: {  	[smem:$0x3FA5] =	sst s2  }
0xb: {  	[smem:$0x3FA6] =	sst s3  }
0xc: {  	[smem:$0x3FA7] =	sst s4  }
0xd: {  	[smem:$0x3FA8] =	sst s5  }
0xe: {  	[smem:$0x3FA9] =	sst s6  }
0xf: {  	[smem:$0x3FAA] =	sst s7  }
0x10: {  	[smem:$0x3FAB] =	sst s8  }
0x11: {  	[smem:$0x3FAC] =	sst s9;
	s0 =	simm.s32 @!p0 $0x0  }
0x12: {  	s1 =	sld [smem:$0x3F92];
	s0 =	simm.s32 @p0 $0x1  }
0x13: {  	[smem:$0x3FAD] =	sst s0;
	s0 =	simm.s32 @!p1 $0x0  }
0x14: {  	s2 =	sld [smem:$0x3F91];
	s0 =	simm.s32 @p1 $0x1  }
0x15: {  	[smem:$0x3FAE] =	sst s0;
	s0 =	simm.s32 @!p2 $0x0  }
0x16: {  	s3 =	sld [smem:$0x3FDB];
	s0 =	simm.s32 @p2 $0x1  }
0x17: {  	s4 =	simm.s32 $0x1BF5;
	[smem:$0x3FB0] =	sst s0  }
0x18: {  	s0 =	sld [smem:$0x3F93];
	_ =	swait.ge [sflag:s4], $0x0  }
0x19: {  	s7 =	sld [smem:$0x3F94]  }
0x1a: {  	s8 =	sadd.s32 $0xFFFFE003, lr  }
0x1b: {  	s9 =	sadd.s32 $0xFFFFFEF7, lr;
	s5 =	simm.s32 $0xFFFFFFFF;
	p2 =	slt.u32 s8, $0xFFFFF086  }
0x1c: {  	p1 =	slt.u32 s9, $0xF7A;
	s5 =	simm.s32 @!p2 $0x0  }
0x1d: {  	s5 =	simm.s32 @p1 $0x1;
	p0 =	seq.s32 s7, s2  }
0x1e: {  	s7 =	smul.u32 @!p0 $0xF7A, s2;
	p2 =	seq.s32 @!p0 s5, $0x0  }
0x1f: {  	s9 =	smul.u32 $0xF7A, s1;
	s8 =	simm.s32 @!p0 $0x1BF5;
	p2 =	por !p2, p0  }
0x20: {  	[sflag:s8] =	ssyncset.s32 @!p0 $0xFFFFF086;
	s6 =	sadd.s32 @!p0 s3, s7;
	s7 =	simm.s32 @!p0 $0x108  }
0x21: {  	s3 =	sadd.s32 s3, s9;
	s6 =	sadd.s32 @!p0 $0x88, s6;
	s7 =	simm.s32 @p2 $0x1082  }
0x22: {  	[simem:s7], [sflag:s8] =	dma.local @!p0 [hbm:s6], $0xF7A  }
0x23: {  	s9 =	sor.u32 $0xD0000000, s2;
	s6 =	simm.s32 $0x108;
	_ =	swait.ge @!p0 [sflag:s8], $0x0  }
0x24: {  	s3 =	sadd.s32 $0x88, s3;
	s6 =	simm.s32 @!p1 $0x1082;
	[sflag:s4] =	ssyncset.s32 $0xFFFFF086  }
0x25: {  	[simem:s6], [sflag:s4] =	dma.local [hbm:s3], $0xF7A  }
0x26: {  	[smem:$0x3F94] =	sst s1;
	(tag) =	ssettag s2;
	_ =	strace s9  }
0x27: {  	s1 =	sld [smem:$0x3FA4]  }
0x28: {  	s2 =	sld [smem:$0x3FA5]  }
0x29: {  	s4 =	sld [smem:$0x3FA7]  }
0x2a: {  	p0 =	seq.s32 s5, $0x0;
	s5 =	sld [smem:$0x3FA8]  }
0x2b: {  	s6 =	sld [smem:$0x3FA9]  }
0x2c: {  	s7 =	sld [smem:$0x3FAA]  }
0x2d: {  	s3 =	simm.s32 $0x108;
	s8 =	sld [smem:$0x3FAB]  }
0x2e: {  	s3 =	simm.s32 @!p0 $0x1082;
	s9 =	sld [smem:$0x3FAC]  }
0x2f: {  	lr =	sadd.s32 s0, s3;
	s0 =	sld [smem:$0x3FA3]  }
0x30: {  	s3 =	sld [smem:$0x3FA6]  }
0x31: {  	[smem:$0x3FAF] =	sst s10  }
0x32: {  	s10 =	sld [smem:$0x3FAD];
	_ =	sdelay $0x3  }
0x33: {  	p0 =	seq.s32 s10, $0x1;
	s10 =	sld [smem:$0x3FAF];
	_ =	sdelay $0x3  }
0x34: {  	[smem:$0x3FAF] =	sst s10  }
0x35: {  	s10 =	sld [smem:$0x3FAE];
	_ =	sdelay $0x3  }
0x36: {  	p1 =	seq.s32 s10, $0x1;
	s10 =	sld [smem:$0x3FAF];
	_ =	sdelay $0x3  }
0x37: {  	[smem:$0x3FAF] =	sst s10  }
0x38: {  	s10 =	sld [smem:$0x3FB0]  }
0x39: {  	_ = 	snop;
	(pc) =	sbr.ind lr, $3  }
0x3a: {  	_ = 	snop  }
0x3b: {  	_ = 	snop  }
0x3c: {  	p2 =	seq.s32 s10, $0x1;
	s10 =	sld [smem:$0x3FAF]  }
0x3d: {  	_ =	shalt  }
0x3e: {  	_ =	shalt  }
0x3f: {  	_ =	shalt  }
0x40: {  	_ =	shalt  }
0x41: {  	_ =	shalt  }
0x42: {  	_ =	shalt  }
0x43: {  	_ =	shalt  }
0x44: {  	_ =	shalt  }
0x45: {  	_ =	shalt  }
0x46: {  	_ =	shalt  }
0x47: {  	_ =	shalt  }
0x48: {  	_ =	shalt  }
0x49: {  	_ =	shalt  }
0x4a: {  	_ =	shalt  }
0x4b: {  	_ =	shalt  }
0x4c: {  	_ =	shalt  }
0x4d: {  	_ =	shalt  }
0x4e: {  	_ =	shalt  }
0x4f: {  	_ =	shalt  }
0x50: {  	_ =	shalt  }
0x51: {  	_ =	shalt  }
0x52: {  	_ =	shalt  }
0x53: {  	_ =	shalt  }
0x54: {  	_ =	shalt  }
0x55: {  	_ =	shalt  }
0x56: {  	_ =	shalt  }
0x57: {  	_ =	shalt  }
0x58: {  	_ =	shalt  }
0x59: {  	_ =	shalt  }
0x5a: {  	_ =	shalt  }
0x5b: {  	_ =	shalt  }
0x5c: {  	_ =	shalt  }
0x5d: {  	_ =	shalt  }
0x5e: {  	_ =	shalt  }
0x5f: {  	_ =	shalt  }
0x60: {  	_ =	shalt  }
0x61: {  	_ =	shalt  }
0x62: {  	_ =	shalt  }
0x63: {  	_ =	shalt  }
0x64: {  	_ =	shalt  }
0x65: {  	_ =	shalt  }
0x66: {  	_ =	shalt  }
0x67: {  	_ =	shalt  }
0x68: {  	_ =	shalt  }
0x69: {  	_ =	shalt  }
0x6a: {  	_ =	shalt  }
0x6b: {  	_ =	shalt  }
0x6c: {  	_ =	shalt  }
0x6d: {  	_ =	shalt  }
0x6e: {  	_ =	shalt  }
0x6f: {  	_ =	shalt  }
0x70: {  	_ =	shalt  }
0x71: {  	_ =	shalt  }
0x72: {  	_ =	shalt  }
0x73: {  	_ =	shalt  }
0x74: {  	_ =	shalt  }
0x75: {  	_ =	shalt  }
0x76: {  	_ =	shalt  }
0x77: {  	_ =	shalt  }
0x78: {  	_ =	shalt  }
0x79: {  	_ =	shalt  }
0x7a: {  	_ =	shalt  }
0x7b: {  	_ =	shalt  }
0x7c: {  	_ =	shalt  }
0x7d: {  	_ =	shalt  }
0x7e: {  	_ =	shalt  }
0x7f: {  	_ =	shalt  }
0x80: {  	_ =	shalt  }
0x81: {  	_ =	shalt  }
0x82: {  	_ =	shalt  }
0x83: {  	_ =	shalt  }
0x84: {  	_ =	shalt  }
0x85: {  	_ =	shalt  }
0x86: {  	_ =	shalt  }
0x87: {  	_ =	shalt  }
.Lfunc_end0:
.L_simem_size_0:
called_computation.2_lowered:
.L_overlay_start_0:
0x88: {  	s2 =	sld [smem:$0x3FD9]  }
0x89: {  	s3 =	sld [smem:$0x3FFE];
	_ =	sdelay $0x1  }
0x8a: {  	s1 =	srdreg.scid  }
0x8b: {  	s0 =	sand.u32 $0x1, s1  }
0x8c: {  	s16 =	sshll.u32 s0, $0xA;
	s2 =	sadd.s32 s3, s2  }
0x8d: {  	s2 =	sadd.s32 s2, s16  }
0x8e: {  	[smem:$0x3FBB] =	sst s2  }
0x8f: {  	_ = 	snop  }
0x90: {  	(tm) =	ssettm $0x1  }
0x91: {  	s17 =	sld [smem:$0x3FFB];
	_ =	sdelay $0x3  }
0x92: {  	_ =	strace s17  }
0x93: {  	s2 =	sld [smem:$0x3FFC];
	_ =	sdelay $0x3  }
0x94: {  	_ =	strace s2  }
0x95: {  	s2 =	sld [smem:$0x3FFD];
	_ =	sdelay $0x3  }
0x96: {  	_ =	strace s2  }
0x97: {  	_ =	strace $0x8FFFFFFF  }
0x98: {  	s18 =	sld [smem:$0x3FDB];
	_ =	sdelay $0x1  }
0x99: {  	s19 =	simm.s32 $_scs_section_size  }
0x9a: {  	s4 =	simm.s32 $_size__tile_overlayer_lowered;
	s5 =	simm.s32 $_tile_overlayer_lowered  }
0x9b: {  	s22 =	simm.s32 $0x1BFF;
	s21 =	sshll.u32 s5, $0x1;
	s2 =	sadd.s32 s19, s18  }
0x9c: {  	s6 =	simm.s32 $0x0;
	s20 =	sshll.u32 s4, $0x1;
	s4 =	sadd.s32 s21, s2  }
0x9d: {  	[timem:s6], [sflag:s22] =	dma.local [hbm:s4], s20  }
0x9e: {  	_ =	swait.ge [sflag:s22], s20  }
0x9f: {  	s3 =	ssub.s32 $0x0, s20;
	[sflag:s22] =	ssyncset.done $0x0  }
0xa0: {  	[sflag:s22] =	ssyncadd.s32 s3;
	_ =	sdelay $0x1  }
0xa1: {  	s23 =	simm.s32 $0x1B8B  }
0xa2: {  	_ =	swait.ge [sflag:s23], $0x1  }
0xa3: {  	[sflag:s23] =	ssyncset.done $0x0  }
0xa4: {  	s25 =	simm.s32 $0x1B8E;
	s24 =	sld [smem:$0x3FFE];
	[sflag:s23] =	ssyncadd.s32 $0xFFFFFFFF  }
0xa5: {  	s26 =	simm.s32 $execute0_lowered;
	[smem:$0x3FD2] =	sst s25  }
0xa6: {  	s4 =	sshll.u32 s26, $0x1;
	_ =	strace $0x8000004C;
	[dreg:$0x1] =	wrdreg $0xFFFFFFFF  }
0xa7: {  	s28 =	simm.s32 $_size_execute0_lowered;
	s2 =	sadd.s32 s2, s4;
	[dreg:$0x0] =	wrdreg $0x0  }
0xa8: {  	s4 =	sshll.u32 s28, $0x1;
	[dreg:$0x2] =	wrdreg s2  }
0xa9: {  	[dreg:$0x3] =	wrdreg s4  }
0xaa: {  	[dreg:$0x4] =	wrdreg $0xC0  }
0xab: {  	_ =	task [dreg:s6], $0x5FFFF  }
0xac: {  	[dreg:$0x1] =	wrdreg $0xFFFFFFFF  }
0xad: {  	[dreg:$0x0] =	wrdreg $0x60  }
0xae: {  	[dreg:$0x2] =	wrdreg s24  }
0xaf: {  	[dreg:$0x3] =	wrdreg $0x14A000  }
0xb0: {  	[dreg:$0x4] =	wrdreg $0x9  }
0xb1: {  	_ =	task.clear_ibuf [dreg:s6], $0x5FFFF;
	_ =	strace $0x9000004C  }
0xb2: {  	s29 =	simm.s32 $0x9;
	_ =	strace $0x8000004E  }
0xb3: {  	_ =	swait.ge [sflag:s29], $0x1  }
0xb4: {  	[sflag:s29] =	ssyncadd.s32 $0xFFFFFFFF  }
0xb5: {  	_ =	strace $0x9000004E  }
0xb6: {  	_ =	sfence  }
0xb7: {  	s30 =	sld [smem:$0x0];
	_ =	sdelay $0x2  }
0xb8: {  	s31 =	sshll.u32 s1, $0xD;
	s1 =	sshrl.u32 s1, $0x2  }
0xb9: {  	s3 =	sand.u32 $0x4000, s31;
	s1 =	sadd.s32 s1, s30  }
0xba: {  	s0 =	sor.u32 s3, s0;
	s1 =	sshll.u32 s1, $0x11  }
0xbb: {  	s0 =	sor.u32 s1, s0  }
0xbc: {  	s0 =	sadd.s32 $0x8F2B, s0  }
0xbd: {  	[sflag:s0] =	ssyncadd.remote.s32 $0x1  }
0xbe: {  	_ =	sfence.sel $0xFFFF  }
0xbf: {  	[dreg:$0x0] =	wrdreg $0xFFFFFFFF;
	(pc) =	sbr.abs _section_cstart, $3  }
0xc0: {  	[dreg:$0x1] =	wrdreg $0xFFFFFFFF  }
0xc1: {  	_ =	task.clear_ibuf [dreg:s6], $0x2FFFF;
	_ =	strace $0x9FFFFFFF  }
0xc2: {  	(tm) =	ssettm $0x7FFFFFFF  }
0xc3: {  	_ =	shalt  }
tec
execute0_lowered:
.L_overlay_start_1:
0x0: {  	(tag) =	ssettag $0x1  }
0x1: {  	s0 =	rddreg [dreg:$0x0]  }
0x2: {  	s2 =	rddreg [dreg:$0x1]  }
0x3: {  	s3 =	simm.s32 $0x0;
	s1 =	srdreg.scid;
	s8 =	stileid.u32  }
0x4: {  	s14 =	simm.s32 $0x5000;
	s17 =	simm.s32 $0x9;
	s18 =	simm.s32 $0xA  }
0x5: {  	s29 =	simm.s32 $0xADC0;
	s31 =	simm.s32 $0xCD00;
	s28 =	simm.s32 $0x12AC0  }
0x6: {  	s30 =	simm.s32 $0x1;
	s16 =	simm.s32 $0x3;
	s9 =	simm.s32 $0x8  }
0x7: {  	s10 =	simm.s32 $0xE;
	s11 =	simm.s32 $0xF;
	s12 =	simm.s32 $0x10  }
0x8: {  	s1 =	sand.u32 $0x1, s1;
	s4 =	sshll.u32 s8, $0x1;
	s5 =	smul.u32 $0x9C40, s8  }
0x9: {  	[smem:$0x7FF] =	sst s3;
	s8 =	smul.u32 $0x27100, s8;
	s4 =	sor.u32 s1, s4  }
0xa: {  	s6 =	smul.u32 $0x9C400, s1;
	_ =	strace $0x8000004D;
	s1 =	ssub.s32 $0x2, s1  }
0xb: {  	s7 =	smul.u32 $0x500, s4;
	s4 =	sadd.s32 $0x20000, s0;
	s19 =	sshrl.u32 s1, $0x1  }
0xc: {  	s8 =	sshrl.u32 s8, $0x2;
	s6 =	sadd.s32 s5, s6;
	s1 =	ssub.s32 s1, s19  }
0xd: {  	s5 =	sadd.s32 s5, s2;
	s20 =	sadd.s32 s8, s2;
	s19 =	simm.s32 $0xB  }
0xe: {  	s8 =	simm.s32 $0x7;
	s7 =	sadd.s32 s7, s0;
	s6 =	sshrl.u32 s6, $0x3  }
0xf: {  	[dreg:$0x3] =	wrdreg s5;
	s21 =	sadd.s32 $0x1F40, s20;
	s22 =	sadd.s32 $0x3E80, s20  }
0x10: {  	s23 =	sadd.s32 $0x5DC0, s20;
	s5 =	sadd.s32 $0x7D00, s20;
	[dreg:$0x4] =	wrdreg s21  }
0x11: {  	s26 =	smax.u32 s1, $0x1;
	s20 =	simm.s32 $0xC;
	[dreg:$0x5] =	wrdreg s22  }
0x12: {  	s1 =	simm.s32 $0xEC40;
	s0 =	sadd.s32 s6, s0;
	[dreg:$0x6] =	wrdreg s23  }
0x13: {  	[dreg:$0x7] =	wrdreg s5;
	s24 =	sadd.s32 $0x16000, s7;
	s25 =	sadd.s32 $0x2200, s7  }
.Ltmp0:
0x14: {  	[dreg:$0xb] =	wrdreg s26;
	s21 =	simm.s32 $0xD;
	(pc) =	sbr.rel .LBB2_1-.Ltmp0, $4  }
0x15: {  	s22 =	simm.s32 $0x7D;
	s26 =	simm.s32 $0x8E80;
	s23 =	simm.s32 $0x10B80  }
0x16: {  	s6 =	simm.s32 $0x5;
	s7 =	simm.s32 $0x6;
	[dreg:$0x8] =	wrdreg s24  }
0x17: {  	[dreg:$0x9] =	wrdreg s25;
	s0 =	sadd.s32 $0x33A00, s0;
	s24 =	simm.s32 $0x6F40  }
0x18: {  	v0 =	vimm.f32 $0.0e+00;
	s25 =	simm.s32 $0x4;
	[dreg:$0xa] =	wrdreg s0;
	s0 =	simm.s32 $0x2  }
.LBB2_6:
0x19: {  	_ =	swait.ge [sflag:s18], $0x1F40  }
0x1a: {  	[sflag:s18] =	ssyncset.done $0x0  }
0x1b: {  	[sflag:s18] =	ssyncadd.s32 $0xFFFFE0C0  }
0x1c: {  	_ =	swait.ge [sflag:s19], $0x1F40  }
0x1d: {  	[sflag:s19] =	ssyncset.done $0x0  }
0x1e: {  	[sflag:s19] =	ssyncadd.s32 $0xFFFFE0C0  }
0x1f: {  	_ =	swait.ge [sflag:s20], $0x1F40  }
0x20: {  	[sflag:s20] =	ssyncset.done $0x0  }
0x21: {  	[sflag:s20] =	ssyncadd.s32 $0xFFFFE0C0  }
0x22: {  	_ =	swait.ge [sflag:s21], $0x1F40  }
0x23: {  	[sflag:s21] =	ssyncset.done $0x0  }
0x24: {  	[sflag:s21] =	ssyncadd.s32 $0xFFFFE0C0  }
0x25: {  	_ =	swait.ge [sflag:s10], $0x1F40  }
0x26: {  	[sflag:s10] =	ssyncset.done $0x0  }
0x27: {  	[sflag:s10] =	ssyncadd.s32 $0xFFFFE0C0  }
0x28: {  	_ =	swait.ge [sflag:s11], $0x1F40  }
0x29: {  	[sflag:s11] =	ssyncset.done $0x0  }
0x2a: {  	[sflag:s11] =	ssyncadd.s32 $0xFFFFE0C0  }
0x2b: {  	_ =	swait.ge [sflag:s12], $0x1F40  }
0x2c: {  	[sflag:s12] =	ssyncset.done $0x0  }
0x2d: {  	[sflag:s12] =	ssyncadd.s32 $0xFFFFE0C0  }
0x2e: {  	s5 =	stileid.u32;
	[bflag:$0x0] =	sbarrier.arrive $0xFFFF  }
0x2f: {  	s5 =	sshll.u32 s5, $0x6;
	s13 =	rddreg [dreg:$0x3]  }
0x30: {  	s5 =	sor.u32 $0x1C11, s5;
	s15 =	rddreg [dreg:$0xa];
	s13 =	sshrl.u32 s13, $0x3  }
0x31: {  	[hbm:s15], [sflag:s5] =	dma.local [spmem:s13], $0x1388  }
0x32: {  	s13 =	simm.s32 $0x11  }
0x33: {  	_ =	swait.ge [sflag:s13], $0x1388  }
0x34: {  	s3 =	sadd.s32 $0x1, s3;
	s15 =	rddreg [dreg:$0xb]  }
0x35: {  	p0 =	sne.s32 s3, s15  }
.Ltmp1:
0x36: {  	_ = 	snop;
	(pc) =	sbr.rel @!p0 .LBB2_7-.Ltmp1, $3  }
0x37: {  	_ =	sdelay $0x1  }
0x38: {  	[sflag:s13] =	ssyncset.done $0x0  }
0x39: {  	[sflag:s13] =	ssyncadd.s32 $0xFFFFEC78  }
.LBB2_1:
0x3a: {  	[dreg:$0xc] =	wrdreg s3;
	s13 =	simm.s32 $0x100;
	s5 =	simm.s32 $0x0  }
.LBB2_2:
0x3b: {  	p0 =	sne.s32 s13, $0x7C00;
	[tilespmem:s5+$0x5030] =	vst v0;
	s15 =	smov.u32 s13;
	s13 =	sadd.s32 $0x100, s13  }
.Ltmp2:
0x3c: {  	[tilespmem:s5+$0x5020] =	vst v0;
	(pc) =	sbr.rel @p0 .LBB2_2-.Ltmp2, $3  }
0x3d: {  	[tilespmem:s5+$0x5000] =	vst v0  }
0x3e: {  	[tilespmem:s5+$0x5010] =	vst v0;
	_ =	sdelay $0x1  }
0x3f: {  	s5 =	sshra.s32 s15, $0x2  }
0x40: {  	[tilespmem:s5+$0x5030] =	vst v0  }
0x41: {  	[tilespmem:s5+$0x5020] =	vst v0  }
0x42: {  	[tilespmem:s5+$0x5000] =	vst v0  }
0x43: {  	[tilespmem:s5+$0x5010] =	vst v0;
	s13 =	rddreg [dreg:$0x3]  }
0x44: {  	[spmem:s13] =	stream.linear.scatter [tilespmem:s14], [sflag:$0x9], $0x1F40, $0x38;
	[tilespmem:$0x1E640] =	vst v63  }
0x45: {  	s15 =	rddreg [dreg:$0x4]  }
0x46: {  	[spmem:s15] =	stream.linear.scatter [tilespmem:s14], [sflag:$0xA], $0x1F40, $0x38;
	[tilespmem:$0x1E640] =	vst v63  }
0x47: {  	s3 =	rddreg [dreg:$0x5]  }
0x48: {  	[spmem:s3] =	stream.linear.scatter [tilespmem:s14], [sflag:$0xB], $0x1F40, $0x38;
	[tilespmem:$0x1E640] =	vst v63  }
0x49: {  	s13 =	rddreg [dreg:$0x6]  }
0x4a: {  	[spmem:s13] =	stream.linear.scatter [tilespmem:s14], [sflag:$0xC], $0x1F40, $0x38;
	[tilespmem:$0x1E640] =	vst v63  }
0x4b: {  	s15 =	rddreg [dreg:$0x7]  }
0x4c: {  	[spmem:s15] =	stream.linear.scatter [tilespmem:s14], [sflag:$0xD], $0x1F40, $0x38;
	[tilespmem:$0x1E640] =	vst v63  }
0x4d: {  	s3 =	rddreg [dreg:$0x8];
	s13 =	simm.s32 $0x0;
	s15 =	simm.s32 $0x11  }
0x4e: {  	[tilespmem:s13], [sflag:$0x11] =	stream.linear.gather [hbm4b:s3+s13], $0x2800, $0x38;
	[tilespmem:$0x1E640] =	vst v63  }
0x4f: {  	_ =	swait.ge [sflag:s15], $0x2800  }
0x50: {  	[sflag:s15] =	ssyncset.done $0x0  }
0x51: {  	s3 =	simm.s32 $0x2800;
	s5 =	rddreg [dreg:$0x9];
	[sflag:s15] =	ssyncadd.s32 $0xFFFFD800  }
0x52: {  	[tilespmem:s3], [sflag:$0x11] =	stream.linear.gather [hbm4b:s5+s13], $0x2800, $0x38;
	[tilespmem:$0x1E640] =	vst v63  }
0x53: {  	_ =	swait.ge [sflag:s15], $0x2800  }
0x54: {  	[sflag:s15] =	ssyncset.done $0x0  }
0x55: {  	[sflag:s15] =	ssyncadd.s32 $0xFFFFD800  }
0x56: {  	_ =	swait.ge [sflag:s17], $0x1F40  }
0x57: {  	[sflag:s17] =	ssyncset.done $0x0  }
0x58: {  	[sflag:s17] =	ssyncadd.s32 $0xFFFFE0C0  }
0x59: {  	_ =	swait.ge [sflag:s18], $0x1F40  }
0x5a: {  	[sflag:s18] =	ssyncset.done $0x0  }
0x5b: {  	[sflag:s18] =	ssyncadd.s32 $0xFFFFE0C0  }
0x5c: {  	_ =	swait.ge [sflag:s19], $0x1F40  }
0x5d: {  	[sflag:s19] =	ssyncset.done $0x0  }
0x5e: {  	[sflag:s19] =	ssyncadd.s32 $0xFFFFE0C0  }
0x5f: {  	_ =	swait.ge [sflag:s20], $0x1F40  }
0x60: {  	[sflag:s20] =	ssyncset.done $0x0  }
0x61: {  	[sflag:s20] =	ssyncadd.s32 $0xFFFFE0C0  }
0x62: {  	_ =	swait.ge [sflag:s21], $0x1F40  }
0x63: {  	[sflag:s21] =	ssyncset.done $0x0  }
0x64: {  	[sflag:s21] =	ssyncadd.s32 $0xFFFFE0C0  }
0x65: {  	[bflag:$0x0] =	sbarrier.arrive $0xFFFF  }
0x66: {  	[tilespmem:s14], [sflag:$0x1] =	stream.indirect.gather [hbm4b:s4+s22], $0x40, s13, s22, $0xb8;
	[tilespmem:$0x1E640] =	vst v63  }
0x67: {  	s15 =	simm.s32 $0x80  }
0x68: {  	[tilespmem:s24], [sflag:$0x2] =	stream.indirect.gather [hbm4b:s4+s22], $0x40, s15, s22, $0xb8;
	[tilespmem:$0x1E640] =	vst v63  }
0x69: {  	s5 =	simm.s32 $0x100  }
0x6a: {  	[tilespmem:s26], [sflag:$0x3] =	stream.indirect.gather [hbm4b:s4+s22], $0x40, s5, s22, $0xb8;
	[tilespmem:$0x1E640] =	vst v63  }
0x6b: {  	s15 =	simm.s32 $0x180  }
0x6c: {  	[tilespmem:s29], [sflag:$0x4] =	stream.indirect.gather [hbm4b:s4+s22], $0x40, s15, s22, $0xb8;
	[tilespmem:$0x1E640] =	vst v63  }
0x6d: {  	s5 =	simm.s32 $0x200  }
0x6e: {  	[tilespmem:s31], [sflag:$0x5] =	stream.indirect.gather [hbm4b:s4+s22], $0x40, s5, s22, $0xb8;
	[tilespmem:$0x1E640] =	vst v63  }
0x6f: {  	s15 =	simm.s32 $0x280  }
0x70: {  	[tilespmem:s1], [sflag:$0x6] =	stream.indirect.gather [hbm4b:s4+s22], $0x40, s15, s22, $0xb8;
	[tilespmem:$0x1E640] =	vst v63  }
0x71: {  	s5 =	simm.s32 $0x300  }
0x72: {  	[tilespmem:s23], [sflag:$0x7] =	stream.indirect.gather [hbm4b:s4+s22], $0x40, s5, s22, $0xb8;
	[tilespmem:$0x1E640] =	vst v63  }
0x73: {  	s3 =	rddreg [dreg:$0xc];
	s15 =	simm.s32 $0x380  }
0x74: {  	[tilespmem:s28], [sflag:$0x8] =	stream.indirect.gather [hbm4b:s4+s22], $0x40, s15, s22, $0xb8;
	[tilespmem:$0x1E640] =	vst v63  }
.LBB2_4:
0x75: {  	_ =	swait.ge [sflag:s30], $0x1F40  }
0x76: {  	s5 =	sshra.s32 s13, $0x2;
	[sflag:s30] =	ssyncset.done $0x0  }
0x77: {  	s15 =	sadd.s32 $0x2800, s5;
	[sflag:s30] =	ssyncadd.s32 $0xFFFFE0C0  }
0x78: {  	[spmem:s2] =	stream.indirect.scatter.add.f32 [tilespmem:s14], [sflag:$0x9], $0x40, s15, s22, $0xb8;
	[tilespmem:$0x1E640] =	vst v63  }
0x79: {  	_ =	swait.ge [sflag:s0], $0x1F40  }
0x7a: {  	[sflag:s0] =	ssyncset.done $0x0  }
0x7b: {  	s15 =	sadd.s32 $0x2880, s5;
	[sflag:s0] =	ssyncadd.s32 $0xFFFFE0C0  }
0x7c: {  	[spmem:s2] =	stream.indirect.scatter.add.f32 [tilespmem:s24], [sflag:$0xA], $0x40, s15, s22, $0xb8;
	[tilespmem:$0x1E640] =	vst v63  }
0x7d: {  	_ =	swait.ge [sflag:s16], $0x1F40  }
0x7e: {  	[sflag:s16] =	ssyncset.done $0x0  }
0x7f: {  	s15 =	sadd.s32 $0x2900, s5;
	[sflag:s16] =	ssyncadd.s32 $0xFFFFE0C0  }
0x80: {  	[spmem:s2] =	stream.indirect.scatter.add.f32 [tilespmem:s26], [sflag:$0xB], $0x40, s15, s22, $0xb8;
	[tilespmem:$0x1E640] =	vst v63  }
0x81: {  	_ =	swait.ge [sflag:s25], $0x1F40  }
0x82: {  	[sflag:s25] =	ssyncset.done $0x0  }
0x83: {  	s15 =	sadd.s32 $0x2980, s5;
	[sflag:s25] =	ssyncadd.s32 $0xFFFFE0C0  }
0x84: {  	[spmem:s2] =	stream.indirect.scatter.add.f32 [tilespmem:s29], [sflag:$0xC], $0x40, s15, s22, $0xb8;
	[tilespmem:$0x1E640] =	vst v63  }
0x85: {  	_ =	swait.ge [sflag:s6], $0x1F40  }
0x86: {  	[sflag:s6] =	ssyncset.done $0x0  }
0x87: {  	s15 =	sadd.s32 $0x2A00, s5;
	[sflag:s6] =	ssyncadd.s32 $0xFFFFE0C0  }
0x88: {  	[spmem:s2] =	stream.indirect.scatter.add.f32 [tilespmem:s31], [sflag:$0xD], $0x40, s15, s22, $0xb8;
	[tilespmem:$0x1E640] =	vst v63  }
0x89: {  	_ =	swait.ge [sflag:s7], $0x1F40  }
0x8a: {  	[sflag:s7] =	ssyncset.done $0x0  }
0x8b: {  	s15 =	sadd.s32 $0x2A80, s5;
	[sflag:s7] =	ssyncadd.s32 $0xFFFFE0C0  }
0x8c: {  	[spmem:s2] =	stream.indirect.scatter.add.f32 [tilespmem:s1], [sflag:$0xE], $0x40, s15, s22, $0xb8;
	[tilespmem:$0x1E640] =	vst v63  }
0x8d: {  	_ =	swait.ge [sflag:s8], $0x1F40  }
0x8e: {  	[sflag:s8] =	ssyncset.done $0x0  }
0x8f: {  	s15 =	sadd.s32 $0x2B00, s5;
	[sflag:s8] =	ssyncadd.s32 $0xFFFFE0C0  }
0x90: {  	[spmem:s2] =	stream.indirect.scatter.add.f32 [tilespmem:s23], [sflag:$0xF], $0x40, s15, s22, $0xb8;
	[tilespmem:$0x1E640] =	vst v63  }
0x91: {  	_ =	swait.ge [sflag:s9], $0x1F40  }
0x92: {  	p0 =	seq.s32 s13, $0x9000;
	[sflag:s9] =	ssyncset.done $0x0  }
.Ltmp3:
0x93: {  	s15 =	sadd.s32 $0x2B80, s5;
	[sflag:s9] =	ssyncadd.s32 $0xFFFFE0C0;
	(pc) =	sbr.rel @p0 .LBB2_6-.Ltmp3, $4  }
0x94: {  	[spmem:s2] =	stream.indirect.scatter.add.f32 [tilespmem:s28], [sflag:$0x10], $0x40, s15, s22, $0xb8;
	[tilespmem:$0x1E640] =	vst v63  }
0x95: {  	_ =	swait.ge [sflag:s17], $0x1F40  }
0x96: {  	[sflag:s17] =	ssyncset.done $0x0  }
0x97: {  	[sflag:s17] =	ssyncadd.s32 $0xFFFFE0C0  }
0x98: {  	s15 =	sadd.s32 $0x400, s5  }
0x99: {  	[tilespmem:s14], [sflag:$0x1] =	stream.indirect.gather [hbm4b:s4+s22], $0x40, s15, s22, $0xb8;
	[tilespmem:$0x1E640] =	vst v63  }
0x9a: {  	_ =	swait.ge [sflag:s18], $0x1F40  }
0x9b: {  	[sflag:s18] =	ssyncset.done $0x0  }
0x9c: {  	s15 =	sadd.s32 $0x480, s5;
	[sflag:s18] =	ssyncadd.s32 $0xFFFFE0C0  }
0x9d: {  	[tilespmem:s24], [sflag:$0x2] =	stream.indirect.gather [hbm4b:s4+s22], $0x40, s15, s22, $0xb8;
	[tilespmem:$0x1E640] =	vst v63  }
0x9e: {  	_ =	swait.ge [sflag:s19], $0x1F40  }
0x9f: {  	[sflag:s19] =	ssyncset.done $0x0  }
0xa0: {  	s15 =	sadd.s32 $0x500, s5;
	[sflag:s19] =	ssyncadd.s32 $0xFFFFE0C0  }
0xa1: {  	[tilespmem:s26], [sflag:$0x3] =	stream.indirect.gather [hbm4b:s4+s22], $0x40, s15, s22, $0xb8;
	[tilespmem:$0x1E640] =	vst v63  }
0xa2: {  	_ =	swait.ge [sflag:s20], $0x1F40  }
0xa3: {  	[sflag:s20] =	ssyncset.done $0x0  }
0xa4: {  	s15 =	sadd.s32 $0x580, s5;
	[sflag:s20] =	ssyncadd.s32 $0xFFFFE0C0  }
0xa5: {  	[tilespmem:s29], [sflag:$0x4] =	stream.indirect.gather [hbm4b:s4+s22], $0x40, s15, s22, $0xb8;
	[tilespmem:$0x1E640] =	vst v63  }
0xa6: {  	_ =	swait.ge [sflag:s21], $0x1F40  }
0xa7: {  	[sflag:s21] =	ssyncset.done $0x0  }
0xa8: {  	s15 =	sadd.s32 $0x600, s5;
	[sflag:s21] =	ssyncadd.s32 $0xFFFFE0C0  }
0xa9: {  	[tilespmem:s31], [sflag:$0x5] =	stream.indirect.gather [hbm4b:s4+s22], $0x40, s15, s22, $0xb8;
	[tilespmem:$0x1E640] =	vst v63  }
0xaa: {  	_ =	swait.ge [sflag:s10], $0x1F40  }
0xab: {  	[sflag:s10] =	ssyncset.done $0x0  }
0xac: {  	s15 =	sadd.s32 $0x680, s5;
	[sflag:s10] =	ssyncadd.s32 $0xFFFFE0C0  }
0xad: {  	[tilespmem:s1], [sflag:$0x6] =	stream.indirect.gather [hbm4b:s4+s22], $0x40, s15, s22, $0xb8;
	[tilespmem:$0x1E640] =	vst v63  }
0xae: {  	_ =	swait.ge [sflag:s11], $0x1F40  }
0xaf: {  	[sflag:s11] =	ssyncset.done $0x0  }
0xb0: {  	s15 =	sadd.s32 $0x700, s5;
	[sflag:s11] =	ssyncadd.s32 $0xFFFFE0C0  }
0xb1: {  	[tilespmem:s23], [sflag:$0x7] =	stream.indirect.gather [hbm4b:s4+s22], $0x40, s15, s22, $0xb8;
	[tilespmem:$0x1E640] =	vst v63  }
.Ltmp4:
0xb2: {  	_ = 	snop;
	(pc) =	sbr.rel .LBB2_4-.Ltmp4, $4  }
0xb3: {  	_ =	swait.ge [sflag:s12], $0x1F40  }
0xb4: {  	[sflag:s12] =	ssyncset.done $0x0  }
0xb5: {  	s13 =	sadd.s32 $0x1000, s13;
	s15 =	sadd.s32 $0x780, s5;
	[sflag:s12] =	ssyncadd.s32 $0xFFFFE0C0  }
0xb6: {  	[tilespmem:s28], [sflag:$0x8] =	stream.indirect.gather [hbm4b:s4+s22], $0x40, s15, s22, $0xb8;
	[tilespmem:$0x1E640] =	vst v63  }
.LBB2_7:
0xb7: {  	_ =	sfence.sel $0x180000  }
0xb8: {  	[bflag:$0x0] =	sbarrier.arrive $0xFFFF  }
0xb9: {  	_ =	strace $0x9000004D  }
0xba: {  	s0 =	stileid.u32;
	[bflag:$0x2] =	sbarrier.arrive $0xFFFF  }
0xbb: {  	p0 =	sne.s32 s0, $0x0;
	s0 =	rddreg [dreg:$0x2]  }
0xbc: {  	s0 =	sadd.s32 @!p0 $0x100000, s0  }
0xbd: {  	[sflag:s0] =	ssyncadd.tile.s32 @!p0 $0x1;
	_ =	shalt  }
.Lfunc_end2:
_tile_overlayer_lowered:
.L_overlay_start_2:
0xbe: {  	(tag) =	ssettag $0x2  }
0xbf: {  	s0 =	rddreg [dreg:$0x0];
	s2 =	stileid.u32  }
0xc0: {  	s1 =	rddreg [dreg:$0x1];
	p0 =	sne.s32 s2, $0x0  }
0xc1: {  	s3 =	rddreg [dreg:$0x2];
	[bflag:$0x3] =	sbarrier.arrive $0xFFFF;
	s2 =	simm.s32 @!p0 $0x1C11  }
0xc2: {  	[timem:s3], [sflag:s2] =	dma.local @!p0 [hbm:s0], s1  }
0xc3: {  	s0 =	simm.s32 @!p0 $0x11  }
0xc4: {  	_ =	swait.ge @!p0 [sflag:s0], s1  }
0xc5: {  	s1 =	ssub.s32 @!p0 $0x0, s1;
	[sflag:s0] =	ssyncset.done @!p0 $0x0  }
0xc6: {  	[sflag:s0] =	ssyncadd.s32 @!p0 s1  }
0xc7: {  	[bflag:$0x3] =	sbarrier.arrive $0xFFFF  }
0xc8: {  	_ =	shalt  }

// kernel: kernel.8.cloned.1.call-start
scs
__scs_entry_jumppad:
0x0: {  	(pc) =	sbr.rel $0x88, $3  }
0x1: {  	(tag) =	ssettag $0x0;
	lr =	simm.s32 $0x1  }
0x2: {  	[smem:$0x3F94] =	sst lr;
	_ =	strace $0xD0000000  }
0x3: {  	_ = 	snop  }
0x4: {  	_ = 	snop  }
0x5: {  	_ = 	snop  }
0x6: {  	_ = 	snop  }
0x7: {  	_ = 	snop  }
__scs_overlays_trampoline_lowered:
0x8: {  	[smem:$0x3FA3] =	sst s0  }
0x9: {  	[smem:$0x3FA4] =	sst s1  }
0xa: {  	[smem:$0x3FA5] =	sst s2  }
0xb: {  	[smem:$0x3FA6] =	sst s3  }
0xc: {  	[smem:$0x3FA7] =	sst s4  }
0xd: {  	[smem:$0x3FA8] =	sst s5  }
0xe: {  	[smem:$0x3FA9] =	sst s6  }
0xf: {  	[smem:$0x3FAA] =	sst s7  }
0x10: {  	[smem:$0x3FAB] =	sst s8  }
0x11: {  	[smem:$0x3FAC] =	sst s9;
	s0 =	simm.s32 @!p0 $0x0  }
0x12: {  	s1 =	sld [smem:$0x3F92];
	s0 =	simm.s32 @p0 $0x1  }
0x13: {  	[smem:$0x3FAD] =	sst s0;
	s0 =	simm.s32 @!p1 $0x0  }
0x14: {  	s2 =	sld [smem:$0x3F91];
	s0 =	simm.s32 @p1 $0x1  }
0x15: {  	[smem:$0x3FAE] =	sst s0;
	s0 =	simm.s32 @!p2 $0x0  }
0x16: {  	s3 =	sld [smem:$0x3FDB];
	s0 =	simm.s32 @p2 $0x1  }
0x17: {  	s4 =	simm.s32 $0x1BF5;
	[smem:$0x3FB0] =	sst s0  }
0x18: {  	s0 =	sld [smem:$0x3F93];
	_ =	swait.ge [sflag:s4], $0x0  }
0x19: {  	s7 =	sld [smem:$0x3F94]  }
0x1a: {  	s8 =	sadd.s32 $0xFFFFE003, lr  }
0x1b: {  	s9 =	sadd.s32 $0xFFFFFEF7, lr;
	s5 =	simm.s32 $0xFFFFFFFF;
	p2 =	slt.u32 s8, $0xFFFFF086  }
0x1c: {  	p1 =	slt.u32 s9, $0xF7A;
	s5 =	simm.s32 @!p2 $0x0  }
0x1d: {  	s5 =	simm.s32 @p1 $0x1;
	p0 =	seq.s32 s7, s2  }
0x1e: {  	s7 =	smul.u32 @!p0 $0xF7A, s2;
	p2 =	seq.s32 @!p0 s5, $0x0  }
0x1f: {  	s9 =	smul.u32 $0xF7A, s1;
	s8 =	simm.s32 @!p0 $0x1BF5;
	p2 =	por !p2, p0  }
0x20: {  	[sflag:s8] =	ssyncset.s32 @!p0 $0xFFFFF086;
	s6 =	sadd.s32 @!p0 s3, s7;
	s7 =	simm.s32 @!p0 $0x108  }
0x21: {  	s3 =	sadd.s32 s3, s9;
	s6 =	sadd.s32 @!p0 $0x88, s6;
	s7 =	simm.s32 @p2 $0x1082  }
0x22: {  	[simem:s7], [sflag:s8] =	dma.local @!p0 [hbm:s6], $0xF7A  }
0x23: {  	s9 =	sor.u32 $0xD0000000, s2;
	s6 =	simm.s32 $0x108;
	_ =	swait.ge @!p0 [sflag:s8], $0x0  }
0x24: {  	s3 =	sadd.s32 $0x88, s3;
	s6 =	simm.s32 @!p1 $0x1082;
	[sflag:s4] =	ssyncset.s32 $0xFFFFF086  }
0x25: {  	[simem:s6], [sflag:s4] =	dma.local [hbm:s3], $0xF7A  }
0x26: {  	[smem:$0x3F94] =	sst s1;
	(tag) =	ssettag s2;
	_ =	strace s9  }
0x27: {  	s1 =	sld [smem:$0x3FA4]  }
0x28: {  	s2 =	sld [smem:$0x3FA5]  }
0x29: {  	s4 =	sld [smem:$0x3FA7]  }
0x2a: {  	p0 =	seq.s32 s5, $0x0;
	s5 =	sld [smem:$0x3FA8]  }
0x2b: {  	s6 =	sld [smem:$0x3FA9]  }
0x2c: {  	s7 =	sld [smem:$0x3FAA]  }
0x2d: {  	s3 =	simm.s32 $0x108;
	s8 =	sld [smem:$0x3FAB]  }
0x2e: {  	s3 =	simm.s32 @!p0 $0x1082;
	s9 =	sld [smem:$0x3FAC]  }
0x2f: {  	lr =	sadd.s32 s0, s3;
	s0 =	sld [smem:$0x3FA3]  }
0x30: {  	s3 =	sld [smem:$0x3FA6]  }
0x31: {  	[smem:$0x3FAF] =	sst s10  }
0x32: {  	s10 =	sld [smem:$0x3FAD];
	_ =	sdelay $0x3  }
0x33: {  	p0 =	seq.s32 s10, $0x1;
	s10 =	sld [smem:$0x3FAF];
	_ =	sdelay $0x3  }
0x34: {  	[smem:$0x3FAF] =	sst s10  }
0x35: {  	s10 =	sld [smem:$0x3FAE];
	_ =	sdelay $0x3  }
0x36: {  	p1 =	seq.s32 s10, $0x1;
	s10 =	sld [smem:$0x3FAF];
	_ =	sdelay $0x3  }
0x37: {  	[smem:$0x3FAF] =	sst s10  }
0x38: {  	s10 =	sld [smem:$0x3FB0]  }
0x39: {  	_ = 	snop;
	(pc) =	sbr.ind lr, $3  }
0x3a: {  	_ = 	snop  }
0x3b: {  	_ = 	snop  }
0x3c: {  	p2 =	seq.s32 s10, $0x1;
	s10 =	sld [smem:$0x3FAF]  }
0x3d: {  	_ =	shalt  }
0x3e: {  	_ =	shalt  }
0x3f: {  	_ =	shalt  }
0x40: {  	_ =	shalt  }
0x41: {  	_ =	shalt  }
0x42: {  	_ =	shalt  }
0x43: {  	_ =	shalt  }
0x44: {  	_ =	shalt  }
0x45: {  	_ =	shalt  }
0x46: {  	_ =	shalt  }
0x47: {  	_ =	shalt  }
0x48: {  	_ =	shalt  }
0x49: {  	_ =	shalt  }
0x4a: {  	_ =	shalt  }
0x4b: {  	_ =	shalt  }
0x4c: {  	_ =	shalt  }
0x4d: {  	_ =	shalt  }
0x4e: {  	_ =	shalt  }
0x4f: {  	_ =	shalt  }
0x50: {  	_ =	shalt  }
0x51: {  	_ =	shalt  }
0x52: {  	_ =	shalt  }
0x53: {  	_ =	shalt  }
0x54: {  	_ =	shalt  }
0x55: {  	_ =	shalt  }
0x56: {  	_ =	shalt  }
0x57: {  	_ =	shalt  }
0x58: {  	_ =	shalt  }
0x59: {  	_ =	shalt  }
0x5a: {  	_ =	shalt  }
0x5b: {  	_ =	shalt  }
0x5c: {  	_ =	shalt  }
0x5d: {  	_ =	shalt  }
0x5e: {  	_ =	shalt  }
0x5f: {  	_ =	shalt  }
0x60: {  	_ =	shalt  }
0x61: {  	_ =	shalt  }
0x62: {  	_ =	shalt  }
0x63: {  	_ =	shalt  }
0x64: {  	_ =	shalt  }
0x65: {  	_ =	shalt  }
0x66: {  	_ =	shalt  }
0x67: {  	_ =	shalt  }
0x68: {  	_ =	shalt  }
0x69: {  	_ =	shalt  }
0x6a: {  	_ =	shalt  }
0x6b: {  	_ =	shalt  }
0x6c: {  	_ =	shalt  }
0x6d: {  	_ =	shalt  }
0x6e: {  	_ =	shalt  }
0x6f: {  	_ =	shalt  }
0x70: {  	_ =	shalt  }
0x71: {  	_ =	shalt  }
0x72: {  	_ =	shalt  }
0x73: {  	_ =	shalt  }
0x74: {  	_ =	shalt  }
0x75: {  	_ =	shalt  }
0x76: {  	_ =	shalt  }
0x77: {  	_ =	shalt  }
0x78: {  	_ =	shalt  }
0x79: {  	_ =	shalt  }
0x7a: {  	_ =	shalt  }
0x7b: {  	_ =	shalt  }
0x7c: {  	_ =	shalt  }
0x7d: {  	_ =	shalt  }
0x7e: {  	_ =	shalt  }
0x7f: {  	_ =	shalt  }
0x80: {  	_ =	shalt  }
0x81: {  	_ =	shalt  }
0x82: {  	_ =	shalt  }
0x83: {  	_ =	shalt  }
0x84: {  	_ =	shalt  }
0x85: {  	_ =	shalt  }
0x86: {  	_ =	shalt  }
0x87: {  	_ =	shalt  }
.Lfunc_end0:
.L_simem_size_0:
called_computation_lowered:
.L_overlay_start_0:
0x88: {  	s2 =	sld [smem:$0x3FD9]  }
0x89: {  	s3 =	sld [smem:$0x3FFE];
	_ =	sdelay $0x1  }
0x8a: {  	s1 =	srdreg.scid  }
0x8b: {  	s0 =	sand.u32 $0x1, s1  }
0x8c: {  	s16 =	sshll.u32 s0, $0xA;
	s2 =	sadd.s32 s3, s2  }
0x8d: {  	s2 =	sadd.s32 s2, s16  }
0x8e: {  	[smem:$0x3FBB] =	sst s2  }
0x8f: {  	_ = 	snop  }
0x90: {  	(tm) =	ssettm $0x1  }
0x91: {  	s17 =	sld [smem:$0x3FFB];
	_ =	sdelay $0x3  }
0x92: {  	_ =	strace s17  }
0x93: {  	s2 =	sld [smem:$0x3FFC];
	_ =	sdelay $0x3  }
0x94: {  	_ =	strace s2  }
0x95: {  	s2 =	sld [smem:$0x3FFD];
	_ =	sdelay $0x3  }
0x96: {  	_ =	strace s2  }
0x97: {  	_ =	strace $0x8FFFFFFF  }
0x98: {  	s18 =	sld [smem:$0x3FDB];
	_ =	sdelay $0x1  }
0x99: {  	s19 =	simm.s32 $_scs_section_size  }
0x9a: {  	s4 =	simm.s32 $_size__tile_overlayer_lowered;
	s5 =	simm.s32 $_tile_overlayer_lowered  }
0x9b: {  	s22 =	simm.s32 $0x1BFF;
	s21 =	sshll.u32 s5, $0x1;
	s2 =	sadd.s32 s19, s18  }
0x9c: {  	s6 =	simm.s32 $0x0;
	s20 =	sshll.u32 s4, $0x1;
	s4 =	sadd.s32 s21, s2  }
0x9d: {  	[timem:s6], [sflag:s22] =	dma.local [hbm:s4], s20  }
0x9e: {  	_ =	swait.ge [sflag:s22], s20  }
0x9f: {  	s3 =	ssub.s32 $0x0, s20;
	[sflag:s22] =	ssyncset.done $0x0  }
0xa0: {  	[sflag:s22] =	ssyncadd.s32 s3;
	_ =	sdelay $0x1  }
0xa1: {  	s23 =	simm.s32 $0x1B8B  }
0xa2: {  	_ =	swait.ge [sflag:s23], $0x1  }
0xa3: {  	[sflag:s23] =	ssyncset.done $0x0  }
0xa4: {  	s25 =	simm.s32 $0x1B8E;
	s24 =	sld [smem:$0x3FFE];
	[sflag:s23] =	ssyncadd.s32 $0xFFFFFFFF  }
0xa5: {  	s26 =	simm.s32 $execute0_lowered;
	[smem:$0x3FD2] =	sst s25  }
0xa6: {  	s4 =	sshll.u32 s26, $0x1;
	_ =	strace $0x80000046;
	[dreg:$0x1] =	wrdreg $0xFFFFFFFF  }
0xa7: {  	s28 =	simm.s32 $_size_execute0_lowered;
	s2 =	sadd.s32 s2, s4;
	[dreg:$0x0] =	wrdreg $0x0  }
0xa8: {  	s4 =	sshll.u32 s28, $0x1;
	[dreg:$0x2] =	wrdreg s2  }
0xa9: {  	[dreg:$0x3] =	wrdreg s4  }
0xaa: {  	[dreg:$0x4] =	wrdreg $0xC0  }
0xab: {  	_ =	task [dreg:s6], $0x5FFFF  }
0xac: {  	[dreg:$0x1] =	wrdreg $0xFFFFFFFF  }
0xad: {  	[dreg:$0x0] =	wrdreg $0x60  }
0xae: {  	[dreg:$0x2] =	wrdreg s24  }
0xaf: {  	[dreg:$0x3] =	wrdreg $0x37A00  }
0xb0: {  	[dreg:$0x4] =	wrdreg $0x9  }
0xb1: {  	_ =	task.clear_ibuf [dreg:s6], $0x5FFFF;
	_ =	strace $0x90000046  }
0xb2: {  	s29 =	simm.s32 $0x9;
	_ =	strace $0x80000048  }
0xb3: {  	_ =	swait.ge [sflag:s29], $0x1  }
0xb4: {  	[sflag:s29] =	ssyncadd.s32 $0xFFFFFFFF  }
0xb5: {  	_ =	strace $0x90000048  }
0xb6: {  	_ =	sfence  }
0xb7: {  	s30 =	sld [smem:$0x0];
	_ =	sdelay $0x2  }
0xb8: {  	s31 =	sshll.u32 s1, $0xD;
	s1 =	sshrl.u32 s1, $0x2  }
0xb9: {  	s3 =	sand.u32 $0x4000, s31;
	s1 =	sadd.s32 s1, s30  }
0xba: {  	s0 =	sor.u32 s3, s0;
	s1 =	sshll.u32 s1, $0x11  }
0xbb: {  	s0 =	sor.u32 s1, s0  }
0xbc: {  	s0 =	sadd.s32 $0x8F2B, s0  }
0xbd: {  	[sflag:s0] =	ssyncadd.remote.s32 $0x1  }
0xbe: {  	_ =	sfence.sel $0xFFFF  }
0xbf: {  	[dreg:$0x0] =	wrdreg $0xFFFFFFFF;
	(pc) =	sbr.abs _section_cstart, $3  }
0xc0: {  	[dreg:$0x1] =	wrdreg $0xFFFFFFFF  }
0xc1: {  	_ =	task.clear_ibuf [dreg:s6], $0x2FFFF;
	_ =	strace $0x9FFFFFFF  }
0xc2: {  	(tm) =	ssettm $0x7FFFFFFF  }
0xc3: {  	_ =	shalt  }
tec
execute0_lowered:
.L_overlay_start_1:
0x0: {  	(tag) =	ssettag $0x1  }
0x1: {  	s4 =	rddreg [dreg:$0x0]  }
0x2: {  	s2 =	rddreg [dreg:$0x1]  }
0x3: {  	s0 =	rddreg [dreg:$0x2];
	s3 =	srdreg.scid  }
0x4: {  	s1 =	stileid.u32;
	s13 =	simm.s32 $0x6;
	s14 =	simm.s32 $0x1  }
0x5: {  	s15 =	simm.s32 $0x2;
	s16 =	simm.s32 $0x3;
	s17 =	simm.s32 $0x4  }
0x6: {  	s18 =	simm.s32 $0x5;
	s19 =	simm.s32 $0x7D;
	s20 =	simm.s32 $0x2800  }
0x7: {  	s21 =	simm.s32 $0x80;
	s22 =	simm.s32 $0x100;
	s23 =	simm.s32 $0x180  }
0x8: {  	s24 =	simm.s32 $0x200;
	s25 =	simm.s32 $0x0;
	s7 =	smul.u32 $0x2710, s1  }
0x9: {  	s5 =	sand.u32 $0x1, s3;
	s6 =	sshll.u32 s1, $0x1;
	s9 =	smul.u32 $0x9C40, s1  }
0xa: {  	s3 =	simm.s32 $0x0;
	s6 =	sor.u32 s5, s6;
	s8 =	smul.u32 $0x27100, s5  }
0xb: {  	[smem:$0x7FF] =	sst s3;
	s5 =	ssub.s32 $0x2, s5;
	s6 =	smul.u32 $0x500, s6  }
0xc: {  	_ =	strace $0x80000047;
	s29 =	sshrl.u32 s5, $0x1;
	s30 =	sshrl.u32 s9, $0x2  }
0xd: {  	s8 =	sadd.s32 s7, s8;
	s12 =	ssub.s32 s5, s29;
	s31 =	sadd.s32 s30, s2  }
0xe: {  	s10 =	sadd.s32 s6, s4;
	s28 =	sshrl.u32 s8, $0x3;
	s5 =	sadd.s32 $0x7D0, s31  }
0xf: {  	s6 =	sadd.s32 $0xFA0, s31;
	s8 =	sadd.s32 $0x1F40, s31;
	s11 =	sadd.s32 s28, s4  }
0x10: {  	s4 =	sadd.s32 s7, s2;
	s7 =	sadd.s32 $0x1770, s31;
	s9 =	sadd.s32 $0x2200, s10  }
0x11: {  	v0 =	vimm.f32 $0.0e+00;
	v1 =	vimm.f32 $1.000000000e+00;
	s10 =	sadd.s32 $0xC200, s11;
	s11 =	smax.u32 s12, $0x1;
	s12 =	simm.s32 $0x2FD0  }
.LBB2_1:
0x12: {  	s26 =	simm.s32 $0x40;
	s28 =	simm.s32 $0x0  }
.LBB2_2:
0x13: {  	p0 =	sne.s32 s26, $0x1F00;
	[tilespmem:s28+$0x2FD0] =	vst v0;
	s28 =	smov.u32 s26;
	s26 =	sadd.s32 $0x40, s26  }
.Ltmp0:
0x14: {  	(pc) =	sbr.rel @p0 .LBB2_2-.Ltmp0, $2  }
0x15: {  	_ =	sdelay $0x2  }
0x16: {  	s28 =	sshra.s32 s28, $0x2  }
0x17: {  	[tilespmem:s28+$0x2FD0] =	vst v0  }
0x18: {  	[spmem:s4] =	stream.linear.scatter [tilespmem:s12], [sflag:$0x1], $0x7D0, $0x38;
	[tilespmem:$0x5EB0] =	vst v63  }
0x19: {  	_ = 	snop  }
0x1a: {  	[spmem:s5] =	stream.linear.scatter [tilespmem:s12], [sflag:$0x2], $0x7D0, $0x38;
	[tilespmem:$0x5EB0] =	vst v63  }
0x1b: {  	_ = 	snop  }
0x1c: {  	[spmem:s6] =	stream.linear.scatter [tilespmem:s12], [sflag:$0x3], $0x7D0, $0x38;
	[tilespmem:$0x5EB0] =	vst v63  }
0x1d: {  	_ = 	snop  }
0x1e: {  	[spmem:s7] =	stream.linear.scatter [tilespmem:s12], [sflag:$0x4], $0x7D0, $0x38;
	[tilespmem:$0x5EB0] =	vst v63  }
0x1f: {  	s26 =	simm.s32 $0x40;
	s28 =	simm.s32 $0x0  }
0x20: {  	[spmem:s8] =	stream.linear.scatter [tilespmem:s12], [sflag:$0x5], $0x7D0, $0x38;
	[tilespmem:$0x5EB0] =	vst v63  }
.LBB2_4:
0x21: {  	p0 =	sne.s32 s26, $0x1F00;
	[tilespmem:s28+$0x2800] =	vst v1;
	s28 =	smov.u32 s26;
	s26 =	sadd.s32 $0x40, s26  }
.Ltmp1:
0x22: {  	(pc) =	sbr.rel @p0 .LBB2_4-.Ltmp1, $2  }
0x23: {  	_ =	sdelay $0x2  }
0x24: {  	s28 =	sshra.s32 s28, $0x2  }
0x25: {  	[tilespmem:s28+$0x2800] =	vst v1  }
0x26: {  	[tilespmem:s3], [sflag:$0x6] =	stream.linear.gather [hbm4b:s9+s3], $0x2800, $0x38;
	[tilespmem:$0x5EB0] =	vst v63  }
0x27: {  	_ =	swait.ge [sflag:s13], $0x2800  }
0x28: {  	[sflag:s13] =	ssyncset.done $0x0  }
0x29: {  	[sflag:s13] =	ssyncadd.s32 $0xFFFFD800  }
0x2a: {  	_ =	swait.ge [sflag:s14], $0x7D0  }
0x2b: {  	[sflag:s14] =	ssyncset.done $0x0  }
0x2c: {  	[sflag:s14] =	ssyncadd.s32 $0xFFFFF830  }
0x2d: {  	_ =	swait.ge [sflag:s15], $0x7D0  }
0x2e: {  	[sflag:s15] =	ssyncset.done $0x0  }
0x2f: {  	[sflag:s15] =	ssyncadd.s32 $0xFFFFF830  }
0x30: {  	_ =	swait.ge [sflag:s16], $0x7D0  }
0x31: {  	[sflag:s16] =	ssyncset.done $0x0  }
0x32: {  	[sflag:s16] =	ssyncadd.s32 $0xFFFFF830  }
0x33: {  	_ =	swait.ge [sflag:s17], $0x7D0  }
0x34: {  	[sflag:s17] =	ssyncset.done $0x0  }
0x35: {  	[sflag:s17] =	ssyncadd.s32 $0xFFFFF830  }
0x36: {  	_ =	swait.ge [sflag:s18], $0x7D0  }
0x37: {  	[sflag:s18] =	ssyncset.done $0x0  }
0x38: {  	[sflag:s18] =	ssyncadd.s32 $0xFFFFF830  }
0x39: {  	[bflag:$0x0] =	sbarrier.arrive $0xFFFF  }
0x3a: {  	[spmem:s2] =	stream.indirect.scatter.add.f32 [tilespmem:s20], [sflag:$0x1], $0x10, s3, s19, $0xb8;
	[tilespmem:$0x5EB0] =	vst v63  }
0x3b: {  	_ = 	snop  }
0x3c: {  	[spmem:s2] =	stream.indirect.scatter.add.f32 [tilespmem:s20], [sflag:$0x2], $0x10, s21, s19, $0xb8;
	[tilespmem:$0x5EB0] =	vst v63  }
0x3d: {  	_ = 	snop  }
0x3e: {  	[spmem:s2] =	stream.indirect.scatter.add.f32 [tilespmem:s20], [sflag:$0x3], $0x10, s22, s19, $0xb8;
	[tilespmem:$0x5EB0] =	vst v63  }
0x3f: {  	_ = 	snop  }
0x40: {  	[spmem:s2] =	stream.indirect.scatter.add.f32 [tilespmem:s20], [sflag:$0x4], $0x10, s23, s19, $0xb8;
	[tilespmem:$0x5EB0] =	vst v63  }
0x41: {  	_ = 	snop  }
0x42: {  	[spmem:s2] =	stream.indirect.scatter.add.f32 [tilespmem:s20], [sflag:$0x5], $0x10, s24, s19, $0xb8;
	[tilespmem:$0x5EB0] =	vst v63  }
0x43: {  	_ =	swait.ge [sflag:s14], $0x7D0  }
0x44: {  	[sflag:s14] =	ssyncset.done $0x0  }
0x45: {  	s26 =	simm.s32 $0x280;
	[sflag:s14] =	ssyncadd.s32 $0xFFFFF830  }
0x46: {  	[spmem:s2] =	stream.indirect.scatter.add.f32 [tilespmem:s20], [sflag:$0x1], $0x10, s26, s19, $0xb8;
	[tilespmem:$0x5EB0] =	vst v63  }
0x47: {  	_ =	swait.ge [sflag:s15], $0x7D0  }
0x48: {  	[sflag:s15] =	ssyncset.done $0x0  }
0x49: {  	s29 =	simm.s32 $0x300;
	[sflag:s15] =	ssyncadd.s32 $0xFFFFF830  }
0x4a: {  	[spmem:s2] =	stream.indirect.scatter.add.f32 [tilespmem:s20], [sflag:$0x2], $0x10, s29, s19, $0xb8;
	[tilespmem:$0x5EB0] =	vst v63  }
0x4b: {  	_ =	swait.ge [sflag:s16], $0x7D0  }
0x4c: {  	[sflag:s16] =	ssyncset.done $0x0  }
0x4d: {  	s30 =	simm.s32 $0x380;
	[sflag:s16] =	ssyncadd.s32 $0xFFFFF830  }
0x4e: {  	[spmem:s2] =	stream.indirect.scatter.add.f32 [tilespmem:s20], [sflag:$0x3], $0x10, s30, s19, $0xb8;
	[tilespmem:$0x5EB0] =	vst v63  }
0x4f: {  	_ =	swait.ge [sflag:s17], $0x7D0  }
0x50: {  	[sflag:s17] =	ssyncset.done $0x0  }
0x51: {  	s31 =	simm.s32 $0x400;
	[sflag:s17] =	ssyncadd.s32 $0xFFFFF830  }
0x52: {  	[spmem:s2] =	stream.indirect.scatter.add.f32 [tilespmem:s20], [sflag:$0x4], $0x10, s31, s19, $0xb8;
	[tilespmem:$0x5EB0] =	vst v63  }
0x53: {  	_ =	swait.ge [sflag:s18], $0x7D0  }
0x54: {  	[sflag:s18] =	ssyncset.done $0x0  }
0x55: {  	s28 =	simm.s32 $0x480;
	s26 =	simm.s32 $0xFFFF7400;
	[sflag:s18] =	ssyncadd.s32 $0xFFFFF830  }
.LBB2_6:
0x56: {  	[spmem:s2] =	stream.indirect.scatter.add.f32 [tilespmem:s20], [sflag:$0x5], $0x10, s28, s19, $0xb8;
	[tilespmem:$0x5EB0] =	vst v63  }
0x57: {  	s28 =	smov.u32 s26  }
0x58: {  	p0 =	sne.s32 s26, $0xFFFFF600;
	s26 =	sadd.s32 $0xA00, s26;
	_ =	swait.ge [sflag:s14], $0x7D0  }
0x59: {  	s28 =	sshra.s32 s28, $0x2;
	[sflag:s14] =	ssyncset.done $0x0  }
0x5a: {  	s29 =	sadd.s32 $0x2800, s28;
	[sflag:s14] =	ssyncadd.s32 $0xFFFFF830  }
0x5b: {  	[spmem:s2] =	stream.indirect.scatter.add.f32 [tilespmem:s20], [sflag:$0x1], $0x10, s29, s19, $0xb8;
	[tilespmem:$0x5EB0] =	vst v63  }
0x5c: {  	_ =	swait.ge [sflag:s15], $0x7D0  }
0x5d: {  	[sflag:s15] =	ssyncset.done $0x0  }
0x5e: {  	s29 =	sadd.s32 $0x2880, s28;
	[sflag:s15] =	ssyncadd.s32 $0xFFFFF830  }
0x5f: {  	[spmem:s2] =	stream.indirect.scatter.add.f32 [tilespmem:s20], [sflag:$0x2], $0x10, s29, s19, $0xb8;
	[tilespmem:$0x5EB0] =	vst v63  }
0x60: {  	_ =	swait.ge [sflag:s16], $0x7D0  }
0x61: {  	[sflag:s16] =	ssyncset.done $0x0  }
0x62: {  	s29 =	sadd.s32 $0x2900, s28;
	[sflag:s16] =	ssyncadd.s32 $0xFFFFF830  }
0x63: {  	[spmem:s2] =	stream.indirect.scatter.add.f32 [tilespmem:s20], [sflag:$0x3], $0x10, s29, s19, $0xb8;
	[tilespmem:$0x5EB0] =	vst v63  }
0x64: {  	_ =	swait.ge [sflag:s17], $0x7D0  }
0x65: {  	[sflag:s17] =	ssyncset.done $0x0  }
.Ltmp2:
0x66: {  	s29 =	sadd.s32 $0x2980, s28;
	[sflag:s17] =	ssyncadd.s32 $0xFFFFF830;
	(pc) =	sbr.rel @p0 .LBB2_6-.Ltmp2, $4  }
0x67: {  	[spmem:s2] =	stream.indirect.scatter.add.f32 [tilespmem:s20], [sflag:$0x4], $0x10, s29, s19, $0xb8;
	[tilespmem:$0x5EB0] =	vst v63  }
0x68: {  	_ =	swait.ge [sflag:s18], $0x7D0  }
0x69: {  	[sflag:s18] =	ssyncset.done $0x0  }
0x6a: {  	s28 =	sadd.s32 $0x2A00, s28;
	[sflag:s18] =	ssyncadd.s32 $0xFFFFF830  }
0x6b: {  	[spmem:s2] =	stream.indirect.scatter.add.f32 [tilespmem:s20], [sflag:$0x5], $0x10, s28, s19, $0xb8;
	[tilespmem:$0x5EB0] =	vst v63  }
0x6c: {  	_ =	swait.ge [sflag:s14], $0x7D0  }
0x6d: {  	[sflag:s14] =	ssyncset.done $0x0  }
0x6e: {  	[sflag:s14] =	ssyncadd.s32 $0xFFFFF830  }
0x6f: {  	_ =	swait.ge [sflag:s15], $0x7D0  }
0x70: {  	[sflag:s15] =	ssyncset.done $0x0  }
0x71: {  	[sflag:s15] =	ssyncadd.s32 $0xFFFFF830  }
0x72: {  	_ =	swait.ge [sflag:s16], $0x7D0  }
0x73: {  	[sflag:s16] =	ssyncset.done $0x0  }
0x74: {  	[sflag:s16] =	ssyncadd.s32 $0xFFFFF830  }
0x75: {  	_ =	swait.ge [sflag:s17], $0x7D0  }
0x76: {  	[sflag:s17] =	ssyncset.done $0x0  }
0x77: {  	[sflag:s17] =	ssyncadd.s32 $0xFFFFF830  }
0x78: {  	_ =	swait.ge [sflag:s18], $0x7D0  }
0x79: {  	s26 =	sshll.u32 s1, $0x6;
	s25 =	sadd.s32 $0x1, s25;
	[sflag:s18] =	ssyncset.done $0x0  }
0x7a: {  	s31 =	sshrl.u32 s4, $0x3;
	p0 =	sne.s32 s25, s11;
	[sflag:s18] =	ssyncadd.s32 $0xFFFFF830  }
.Ltmp3:
0x7b: {  	s26 =	sor.u32 $0x1C06, s26;
	[bflag:$0x0] =	sbarrier.arrive $0xFFFF;
	(pc) =	sbr.rel @p0 .LBB2_1-.Ltmp3, $4  }
0x7c: {  	[hbm:s10], [sflag:s26] =	dma.local [spmem:s31], $0x4E2  }
0x7d: {  	_ =	swait.ge [sflag:s13], $0x4E2  }
0x7e: {  	[sflag:s13] =	ssyncset.done $0x0  }
0x7f: {  	[sflag:s13] =	ssyncadd.s32 $0xFFFFFB1E  }
0x80: {  	_ =	sfence.sel $0x180000  }
0x81: {  	[bflag:$0x0] =	sbarrier.arrive $0xFFFF  }
0x82: {  	p0 =	sne.s32 s1, $0x0;
	_ =	strace $0x90000047  }
0x83: {  	s0 =	sadd.s32 @!p0 $0x100000, s0;
	[bflag:$0x2] =	sbarrier.arrive $0xFFFF  }
0x84: {  	[sflag:s0] =	ssyncadd.tile.s32 @!p0 $0x1;
	_ =	shalt  }
.Lfunc_end2:
_tile_overlayer_lowered:
.L_overlay_start_2:
0x85: {  	(tag) =	ssettag $0x2  }
0x86: {  	s0 =	rddreg [dreg:$0x0];
	s2 =	stileid.u32  }
0x87: {  	s1 =	rddreg [dreg:$0x1];
	p0 =	sne.s32 s2, $0x0  }
0x88: {  	s3 =	rddreg [dreg:$0x2];
	[bflag:$0x3] =	sbarrier.arrive $0xFFFF;
	s2 =	simm.s32 @!p0 $0x1C06  }
0x89: {  	[timem:s3], [sflag:s2] =	dma.local @!p0 [hbm:s0], s1  }
0x8a: {  	s0 =	simm.s32 @!p0 $0x6  }
0x8b: {  	_ =	swait.ge @!p0 [sflag:s0], s1  }
0x8c: {  	s1 =	ssub.s32 @!p0 $0x0, s1;
	[sflag:s0] =	ssyncset.done @!p0 $0x0  }
0x8d: {  	[sflag:s0] =	ssyncadd.s32 @!p0 s1  }
0x8e: {  	[bflag:$0x3] =	sbarrier.arrive $0xFFFF  }
0x8f: {  	_ =	shalt  }

</sc_bundles>
